<compile_context>
chip_gen: v7x
topology: tpu7x:2x2x1
jax: 0.10.2.dev20260603
libtpu: 0.0.44.dev20260713+nightly
codegen_flags: <defaults>
</compile_context>

<pallas_src>
import functools

import jax
import jax.numpy as jnp
from jax import lax
from jax.experimental import pallas as pl
from jax.experimental.pallas import tpu as pltpu
from jax.experimental.pallas import tpu_sc as plsc

N = 10000
E = 320000
D_IN = 128
D_HID = 256
N_CLASSES = 40
W48 = 48

NC = 2
NS = 16
NW = NC * NS
NP = 10240
K = 128
EPT = NP
NCHUNK = EPT // K
EPAD = NW * NP - E
RPT = NP // NS

_MESH = plsc.VectorSubcoreMesh(
    core_axis_name="c", subcore_axis_name="s", num_cores=NC, num_subcores=NS
)
_SC_PARAMS = pltpu.CompilerParams(
    needs_layout_passes=False, use_tc_tiling_on_sc=False
)

BLK = 1024
GRID = NP // BLK
BLK3 = 1000
GRID3 = N // BLK3


@functools.partial(
    pl.kernel,
    out_type=jax.ShapeDtypeStruct((NW, NP), jnp.float32),
    mesh=_MESH,
    compiler_params=_SC_PARAMS,
    scratch_types=[
        pltpu.VMEM((EPT,), jnp.int32),
        pltpu.VMEM((NP,), jnp.float32),
    ],
)
def _sc_degree(dst_hbm, out_hbm, dsti_v, deg_v):
    cid = lax.axis_index("c")
    sid = lax.axis_index("s")
    wid = sid * NC + cid
    zeros16 = jnp.zeros((16,), jnp.float32)

    @pl.loop(0, NP // 16)
    def _zero(z):
        deg_v[pl.ds(z * 16, 16)] = zeros16

    pltpu.sync_copy(dst_hbm.at[wid], dsti_v)
    ones16 = jnp.ones((16,), jnp.float32)

    @pl.loop(0, EPT // 16)
    def _count(g):
        idx16 = dsti_v[pl.ds(g * 16, 16)]
        plsc.addupdate_scatter(deg_v, [idx16], ones16)

    pltpu.sync_copy(deg_v, out_hbm.at[wid])


@functools.partial(
    pl.kernel,
    out_type=jax.ShapeDtypeStruct((NC, NP, W48), jnp.float32),
    mesh=_MESH,
    compiler_params=_SC_PARAMS,
    scratch_types=[
        pltpu.MemorySpace.VMEM_SHARED((NP, W48), jnp.float32),
        pltpu.VMEM((NCHUNK, K), jnp.int32),
        pltpu.VMEM((NCHUNK, K), jnp.int32),
        [pltpu.VMEM((K, W48), jnp.float32)] * 8,
        pltpu.VMEM((RPT, W48), jnp.float32),
        [pltpu.SemaphoreType.DMA] * 8,
        [pltpu.SemaphoreType.DMA] * 8,
    ],
)
def _sc_propagate(table_hbm, src_hbm, dst_hbm, out_hbm,
                  accum, srcv, dstv, rows, zbuf, semg, sems):
    cid = lax.axis_index("c")
    sid = lax.axis_index("s")
    wid = sid * NC + cid
    zeros16 = jnp.zeros((16,), jnp.float32)

    @pl.loop(0, RPT)
    def _zrow(r):
        for c3 in range(W48 // 16):
            zbuf[r, pl.ds(c3 * 16, 16)] = zeros16

    pltpu.sync_copy(zbuf, accum.at[pl.ds(sid * RPT, RPT)])

    pltpu.sync_copy(src_hbm.at[wid], srcv)
    pltpu.sync_copy(dst_hbm.at[wid], dstv)
    plsc.subcore_barrier()

    DEPTH = 8
    AHEAD = DEPTH // 2

    def gather(j, u):
        return pltpu.async_copy(table_hbm.at[srcv.at[j]], rows[u], semg[u])

    def scat(j, u):
        return pltpu.async_copy(rows[u], accum.at[dstv.at[j]], sems[u],
                                add=True)

    for u0 in range(AHEAD):
        gather(u0, u0)

    NQ = NCHUNK // DEPTH

    @pl.loop(0, NQ)
    def _edges(q):
        for u in range(DEPTH):
            j = q * DEPTH + u
            pltpu.make_async_copy(table_hbm.at[srcv.at[j]], rows[u],
                                  semg[u]).wait()
            scat(j, u)
            un = (u + AHEAD) % DEPTH

            def wait_scat():
                pltpu.make_async_copy(rows[un], accum.at[dstv.at[j - AHEAD]],
                                      sems[un]).wait()

            if u < AHEAD:
                @pl.when(q > 0)
                def _():
                    wait_scat()

                gather(j + AHEAD, un)
            else:
                wait_scat()

                @pl.when(q < NQ - 1)
                def _():
                    gather(j + AHEAD, un)

    for jt in range(NCHUNK - AHEAD, NCHUNK):
        pltpu.make_async_copy(rows[jt % DEPTH], accum.at[dstv.at[jt]],
                              sems[jt % DEPTH]).wait()
    plsc.subcore_barrier()

    pltpu.sync_copy(accum.at[pl.ds(sid * RPT, RPT)], zbuf)
    pltpu.sync_copy(zbuf, out_hbm.at[cid, pl.ds(sid * RPT, RPT)])


def _colmask(nrows):
    return (lax.broadcasted_iota(jnp.int32, (nrows, W48), 1) == 40).astype(
        jnp.float32
    )


def _col40(a):
    return jnp.sum(jnp.where(_colmask(a.shape[0]) > 0, a, 0.0), axis=1,
                   keepdims=True)


def _tc1_body(x_ref, w1_ref, w2p_ref, degp_ref, y1_ref):
    w12 = jnp.dot(w1_ref[...], w2p_ref[...], preferred_element_type=jnp.float32)
    p = jnp.dot(x_ref[...], w12, preferred_element_type=jnp.float32)
    deg = jnp.sum(degp_ref[...], axis=0)[:, None] + 1.0
    dinv = lax.rsqrt(deg)
    y1_ref[...] = dinv * (p + _colmask(p.shape[0]))


def _tc2_body(acc_ref, y1_ref, y2_ref):
    y1 = y1_ref[...]
    dinv = _col40(y1)
    t = acc_ref[0] + acc_ref[1] + y1
    y2_ref[...] = (dinv * dinv) * t


def _tc3_body(acc_ref, y2_ref, y1_ref, w2p_ref, b1_ref, b2p_ref, out_ref):
    y2 = y2_ref[...]
    dinv = _col40(y1_ref[...])
    svec = _col40(y2) / dinv
    bw = jnp.dot(b1_ref[...], w2p_ref[...], preferred_element_type=jnp.float32)
    o = dinv * (acc_ref[0] + acc_ref[1] + y2)
    o = o + svec * bw + b2p_ref[...]
    out_ref[...] = o[:, :N_CLASSES]


def kernel(x, edge_index, W1, b1, W2, b2):
    padr = N + jnp.arange(EPAD, dtype=jnp.int32) % (NP - N)
    ei = jnp.concatenate([edge_index, jnp.stack([padr, padr])], axis=1)
    src = ei[0].reshape(NW, NCHUNK, K)
    dst = ei[1].reshape(NW, NCHUNK, K)
    dst_flat = ei[1].reshape(NW, EPT)
    xp = jnp.pad(x, ((0, NP - N), (0, 0)))

    w2p = jnp.pad(W2, ((0, 0), (0, W48 - N_CLASSES)))
    b1r = b1[None, :]
    b2p = jnp.pad(b2, (0, W48 - N_CLASSES))[None, :]

    degp = _sc_degree(dst_flat)

    y1 = pl.pallas_call(
        _tc1_body,
        grid=(GRID,),
        in_specs=[
            pl.BlockSpec((BLK, D_IN), lambda i: (i, 0)),
            pl.BlockSpec((D_IN, D_HID), lambda i: (0, 0)),
            pl.BlockSpec((D_HID, W48), lambda i: (0, 0)),
            pl.BlockSpec((NW, BLK), lambda i: (0, i)),
        ],
        out_specs=pl.BlockSpec((BLK, W48), lambda i: (i, 0)),
        out_shape=jax.ShapeDtypeStruct((NP, W48), jnp.float32),
    )(xp, W1, w2p, degp)

    accb = _sc_propagate(y1, src, dst)

    y2 = pl.pallas_call(
        _tc2_body,
        grid=(GRID,),
        in_specs=[
            pl.BlockSpec((NC, BLK, W48), lambda i: (0, i, 0)),
            pl.BlockSpec((BLK, W48), lambda i: (i, 0)),
        ],
        out_specs=pl.BlockSpec((BLK, W48), lambda i: (i, 0)),
        out_shape=jax.ShapeDtypeStruct((NP, W48), jnp.float32),
    )(accb, y1)

    accc = _sc_propagate(y2, src, dst)

    out = pl.pallas_call(
        _tc3_body,
        grid=(GRID3,),
        in_specs=[
            pl.BlockSpec((NC, BLK3, W48), lambda i: (0, i, 0)),
            pl.BlockSpec((BLK3, W48), lambda i: (i, 0)),
            pl.BlockSpec((BLK3, W48), lambda i: (i, 0)),
            pl.BlockSpec((D_HID, W48), lambda i: (0, 0)),
            pl.BlockSpec((1, D_HID), lambda i: (0, 0)),
            pl.BlockSpec((1, W48), lambda i: (0, 0)),
        ],
        out_specs=pl.BlockSpec((BLK3, N_CLASSES), lambda i: (i, 0)),
        out_shape=jax.ShapeDtypeStruct((N, N_CLASSES), jnp.float32),
    )(accc, y2, y1, w2p, b1r, b2p)

    return out

# --- scband reference (transcript-rebuilt; emitter-appended) ---
"""Pipeline reference for scband-gcn-full-pyg-38225208934550 (READ-ONLY COPY).

The authoritative reference and input builder live on the scoring server;
editing this copy changes nothing except your own understanding.
"""

import jax, jax.numpy as jnp
import numpy as np

N = 10000
E = 320000
D_IN = 128
D_HID = 256
N_CLASSES = 40


def setup_inputs(seed: int = 0) -> dict:
    key = jax.random.key(seed)
    k1, k2, k3, k4, k5, k6 = jax.random.split(key, 6)
    x = jax.random.normal(k1, (N, D_IN), dtype=jnp.float32)
    edge_index = jax.random.randint(k2, (2, E), 0, N, dtype=jnp.int32)
    # GCNConv layer 1: in=128 -> out=256 (glorot-ish init)
    W1 = jax.random.normal(k3, (D_IN, D_HID), dtype=jnp.float32) * (1.0 / np.sqrt(D_IN))
    b1 = jnp.zeros((D_HID,), dtype=jnp.float32)
    # GCNConv layer 2: in=256 -> out=40
    W2 = jax.random.normal(k4, (D_HID, N_CLASSES), dtype=jnp.float32) * (1.0 / np.sqrt(D_HID))
    b2 = jnp.zeros((N_CLASSES,), dtype=jnp.float32)
    return {"x": x, "edge_index": edge_index, "W1": W1, "b1": b1, "W2": W2, "b2": b2}


def gcn_layer(x, edge_index, W, b):
    # Faithful PyG GCNConv (default settings): add self-loops, symmetric
    # normalization D^{-1/2} (A+I) D^{-1/2}, linear transform, scatter-add aggregate.
    n = x.shape[0]
    src = edge_index[0]
    dst = edge_index[1]
    loop = jnp.arange(n, dtype=src.dtype)
    src = jnp.concatenate([src, loop])
    dst = jnp.concatenate([dst, loop])
    deg = jax.ops.segment_sum(jnp.ones_like(dst, dtype=x.dtype), dst, num_segments=n)
    dinv = jnp.where(deg > 0, deg ** -0.5, 0.0)
    norm = dinv[src] * dinv[dst]
    h = x @ W
    msg = h[src] * norm[:, None]
    out = jax.ops.segment_sum(msg, dst, num_segments=n)
    return out + b


def reference(x, edge_index, W1, b1, W2, b2):
    h = gcn_layer(x, edge_index, W1, b1)
    # dropout(0.5) between layers is identity in eval/inference mode
    out = gcn_layer(h, edge_index, W2, b2)
    return out

if __name__ == "__main__":
    import jax
    _d = setup_inputs()
    print(jax.jit(kernel)(*tuple(_d.values())))

</pallas_src>

<mosaic_0001>
#map = affine_map<(d0, d1) -> (0, 0)>
#map1 = affine_map<(d0, d1) -> (0, 0, 0)>
module attributes {stable_mosaic.version = 14 : i64} {
  func.func @_sc_propagate(%arg0: i32, %arg1: i32, %arg2: memref<10240x48xf32, #tpu.memory_space<hbm>>, %arg3: memref<32x80x128xi32, #tpu.memory_space<hbm>>, %arg4: memref<32x80x128xi32, #tpu.memory_space<hbm>>, %arg5: memref<2x10240x48xf32, #tpu.memory_space<hbm>>, %arg6: memref<10240x48xf32, #tpu.memory_space<vmem_shared>>, %arg7: memref<80x128xi32, #tpu.memory_space<vmem>>, %arg8: memref<80x128xi32, #tpu.memory_space<vmem>>, %arg9: memref<128x48xf32, #tpu.memory_space<vmem>>, %arg10: memref<128x48xf32, #tpu.memory_space<vmem>>, %arg11: memref<128x48xf32, #tpu.memory_space<vmem>>, %arg12: memref<128x48xf32, #tpu.memory_space<vmem>>, %arg13: memref<128x48xf32, #tpu.memory_space<vmem>>, %arg14: memref<128x48xf32, #tpu.memory_space<vmem>>, %arg15: memref<128x48xf32, #tpu.memory_space<vmem>>, %arg16: memref<128x48xf32, #tpu.memory_space<vmem>>, %arg17: memref<640x48xf32, #tpu.memory_space<vmem>>, %arg18: memref<!tpu.dma_semaphore, #tpu.memory_space<semaphore_mem>>, %arg19: memref<!tpu.dma_semaphore, #tpu.memory_space<semaphore_mem>>, %arg20: memref<!tpu.dma_semaphore, #tpu.memory_space<semaphore_mem>>, %arg21: memref<!tpu.dma_semaphore, #tpu.memory_space<semaphore_mem>>, %arg22: memref<!tpu.dma_semaphore, #tpu.memory_space<semaphore_mem>>, %arg23: memref<!tpu.dma_semaphore, #tpu.memory_space<semaphore_mem>>, %arg24: memref<!tpu.dma_semaphore, #tpu.memory_space<semaphore_mem>>, %arg25: memref<!tpu.dma_semaphore, #tpu.memory_space<semaphore_mem>>, %arg26: memref<!tpu.dma_semaphore, #tpu.memory_space<semaphore_mem>>, %arg27: memref<!tpu.dma_semaphore, #tpu.memory_space<semaphore_mem>>, %arg28: memref<!tpu.dma_semaphore, #tpu.memory_space<semaphore_mem>>, %arg29: memref<!tpu.dma_semaphore, #tpu.memory_space<semaphore_mem>>, %arg30: memref<!tpu.dma_semaphore, #tpu.memory_space<semaphore_mem>>, %arg31: memref<!tpu.dma_semaphore, #tpu.memory_space<semaphore_mem>>, %arg32: memref<!tpu.dma_semaphore, #tpu.memory_space<semaphore_mem>>, %arg33: memref<!tpu.dma_semaphore, #tpu.memory_space<semaphore_mem>>) attributes {dimension_semantics = [#tpu.dimension_semantics<core_parallel>, #tpu.dimension_semantics<subcore_parallel>], iteration_bounds = array<i64: 2, 16>, scalar_prefetch = 0 : i64, scratch_operands = 28 : i64, tpu.core_type = #tpu.core_type<sc_vector_subcore>, window_params = [{transform_indices = #map}, {transform_indices = #map1}, {transform_indices = #map1}, {transform_indices = #map1}]} {
    %mul3A = arith.constant 2 : i32
    %mul3A_0 = arith.muli %arg1, %mul3A : i32
    %add3A = arith.addi %mul3A_0, %arg0 : i32
    %broadcast_in_dim3A = arith.constant 0.000000e+00 : f32
    %broadcast_in_dim3A_1 = vector.broadcast %broadcast_in_dim3A : f32 to vector<16xf32>
    %scan3A = arith.constant 0 : i32
    %scan3A_2 = arith.constant 640 : i32
    %scan3A_3 = arith.addi %scan3A, %scan3A_2 : i32
    %scan3A_4 = arith.constant 1 : i32
    scf.for %scan3A_72 = %scan3A to %scan3A_3 step %scan3A_4  : i32 {
      %mul3A_73 = arith.constant 1 : i32
      %mul3A_74 = arith.muli %scan3A_72, %mul3A_73 : i32
      %add3A_75 = arith.constant 0 : i32
      %add3A_76 = arith.addi %add3A_75, %mul3A_74 : i32
      %swap3A = arith.index_cast %add3A_76 : i32 to index
      %swap3A_77 = arith.constant 0 : index
      %swap3A_78 = tpu.vector_load %arg17[%swap3A, %swap3A_77] {strides = array<i32>} : memref<640x48xf32, #tpu.memory_space<vmem>>, vector<16xf32>,
      tpu.vector_store %arg17[%swap3A, %swap3A_77], %broadcast_in_dim3A_1 {strides = array<i32>} : memref<640x48xf32, #tpu.memory_space<vmem>>, vector<16xf32>,
      %swap3A_79 = arith.index_cast %add3A_76 : i32 to index
      %swap3A_80 = arith.constant 16 : index
      %swap3A_81 = tpu.vector_load %arg17[%swap3A_79, %swap3A_80] {strides = array<i32>} : memref<640x48xf32, #tpu.memory_space<vmem>>, vector<16xf32>,
      tpu.vector_store %arg17[%swap3A_79, %swap3A_80], %broadcast_in_dim3A_1 {strides = array<i32>} : memref<640x48xf32, #tpu.memory_space<vmem>>, vector<16xf32>,
      %swap3A_82 = arith.index_cast %add3A_76 : i32 to index
      %swap3A_83 = arith.constant 32 : index
      %swap3A_84 = tpu.vector_load %arg17[%swap3A_82, %swap3A_83] {strides = array<i32>} : memref<640x48xf32, #tpu.memory_space<vmem>>, vector<16xf32>,
      tpu.vector_store %arg17[%swap3A_82, %swap3A_83], %broadcast_in_dim3A_1 {strides = array<i32>} : memref<640x48xf32, #tpu.memory_space<vmem>>, vector<16xf32>,
    }
    %scan3A_5 = arith.constant 640 : i32
    %mul3A_6 = arith.constant 640 : i32
    %mul3A_7 = arith.muli %arg1, %mul3A_6 : i32
    "tpu.region"() ({
      %run_scoped3A = tpu.sem_alloc : memref<!tpu.dma_semaphore, #tpu.memory_space<semaphore_mem>>
      %dma_start3A_72 = arith.constant 0 : i32
      %dma_start3A_73 = tpu.memref_slice %arg6[%mul3A_7, %dma_start3A_72] : memref<10240x48xf32, #tpu.memory_space<vmem_shared>> -> memref<640x48xf32, #tpu.memory_space<vmem_shared>>
      %dma_start3A_74 = arith.constant 0 : i32
      %dma_start3A_75 = tpu.memref_slice %arg6[%mul3A_7, %dma_start3A_74] : memref<10240x48xf32, #tpu.memory_space<vmem_shared>> -> memref<640x48xf32, #tpu.memory_space<vmem_shared>>
      tpu.enqueue_dma source(%arg17 : memref<640x48xf32, #tpu.memory_space<vmem>>) target(%dma_start3A_75 : memref<640x48xf32, #tpu.memory_space<vmem_shared>>) target_semaphore(%run_scoped3A : memref<!tpu.dma_semaphore, #tpu.memory_space<semaphore_mem>>)
      %dma_wait3A_76 = arith.constant 0 : i32
      %dma_wait3A_77 = tpu.memref_slice %arg6[%mul3A_7, %dma_wait3A_76] : memref<10240x48xf32, #tpu.memory_space<vmem_shared>> -> memref<640x48xf32, #tpu.memory_space<vmem_shared>>
      %dma_wait3A_78 = arith.constant 0 : i32
      %dma_wait3A_79 = tpu.memref_slice %arg6[%mul3A_7, %dma_wait3A_78] : memref<10240x48xf32, #tpu.memory_space<vmem_shared>> -> memref<640x48xf32, #tpu.memory_space<vmem_shared>>
      tpu.wait_dma2 semaphore(%run_scoped3A : memref<!tpu.dma_semaphore, #tpu.memory_space<semaphore_mem>>) src(%arg17 : memref<640x48xf32, #tpu.memory_space<vmem>>) dst(%dma_wait3A_79 : memref<640x48xf32, #tpu.memory_space<vmem_shared>>)
      tpu.yield
    }) : () -> ()
    "tpu.region"() ({
      %run_scoped3A = tpu.sem_alloc : memref<!tpu.dma_semaphore, #tpu.memory_space<semaphore_mem>>
      %dma_start3A_72 = arith.constant 0 : i32
      %dma_start3A_73 = arith.constant 0 : i32
      %dma_start3A_74 = tpu.memref_slice %arg3[%add3A, %dma_start3A_72, %dma_start3A_73] : memref<32x80x128xi32, #tpu.memory_space<hbm>> -> memref<1x80x128xi32, #tpu.memory_space<hbm>>
      %dma_start3A_75 = tpu.memref_squeeze %dma_start3A_74 : memref<1x80x128xi32, #tpu.memory_space<hbm>> -> memref<80x128xi32, #tpu.memory_space<hbm>>
      %dma_start3A_76 = arith.constant 0 : i32
      %dma_start3A_77 = arith.constant 0 : i32
      %dma_start3A_78 = tpu.memref_slice %arg3[%add3A, %dma_start3A_76, %dma_start3A_77] : memref<32x80x128xi32, #tpu.memory_space<hbm>> -> memref<1x80x128xi32, #tpu.memory_space<hbm>>
      %dma_start3A_79 = tpu.memref_squeeze %dma_start3A_78 : memref<1x80x128xi32, #tpu.memory_space<hbm>> -> memref<80x128xi32, #tpu.memory_space<hbm>>
      tpu.enqueue_dma source(%dma_start3A_79 : memref<80x128xi32, #tpu.memory_space<hbm>>) target(%arg7 : memref<80x128xi32, #tpu.memory_space<vmem>>) target_semaphore(%run_scoped3A : memref<!tpu.dma_semaphore, #tpu.memory_space<semaphore_mem>>)
      %dma_wait3A_80 = arith.constant 0 : i32
      %dma_wait3A_81 = arith.constant 0 : i32
      %dma_wait3A_82 = tpu.memref_slice %arg3[%add3A, %dma_wait3A_80, %dma_wait3A_81] : memref<32x80x128xi32, #tpu.memory_space<hbm>> -> memref<1x80x128xi32, #tpu.memory_space<hbm>>
      %dma_wait3A_83 = tpu.memref_squeeze %dma_wait3A_82 : memref<1x80x128xi32, #tpu.memory_space<hbm>> -> memref<80x128xi32, #tpu.memory_space<hbm>>
      %dma_wait3A_84 = arith.constant 0 : i32
      %dma_wait3A_85 = arith.constant 0 : i32
      %dma_wait3A_86 = tpu.memref_slice %arg3[%add3A, %dma_wait3A_84, %dma_wait3A_85] : memref<32x80x128xi32, #tpu.memory_space<hbm>> -> memref<1x80x128xi32, #tpu.memory_space<hbm>>
      %dma_wait3A_87 = tpu.memref_squeeze %dma_wait3A_86 : memref<1x80x128xi32, #tpu.memory_space<hbm>> -> memref<80x128xi32, #tpu.memory_space<hbm>>
      tpu.wait_dma2 semaphore(%run_scoped3A : memref<!tpu.dma_semaphore, #tpu.memory_space<semaphore_mem>>) src(%dma_wait3A_87 : memref<80x128xi32, #tpu.memory_space<hbm>>) dst(%arg7 : memref<80x128xi32, #tpu.memory_space<vmem>>)
      tpu.yield
    }) : () -> ()
    "tpu.region"() ({
      %run_scoped3A = tpu.sem_alloc : memref<!tpu.dma_semaphore, #tpu.memory_space<semaphore_mem>>
      %dma_start3A_72 = arith.constant 0 : i32
      %dma_start3A_73 = arith.constant 0 : i32
      %dma_start3A_74 = tpu.memref_slice %arg4[%add3A, %dma_start3A_72, %dma_start3A_73] : memref<32x80x128xi32, #tpu.memory_space<hbm>> -> memref<1x80x128xi32, #tpu.memory_space<hbm>>
      %dma_start3A_75 = tpu.memref_squeeze %dma_start3A_74 : memref<1x80x128xi32, #tpu.memory_space<hbm>> -> memref<80x128xi32, #tpu.memory_space<hbm>>
      %dma_start3A_76 = arith.constant 0 : i32
      %dma_start3A_77 = arith.constant 0 : i32
      %dma_start3A_78 = tpu.memref_slice %arg4[%add3A, %dma_start3A_76, %dma_start3A_77] : memref<32x80x128xi32, #tpu.memory_space<hbm>> -> memref<1x80x128xi32, #tpu.memory_space<hbm>>
      %dma_start3A_79 = tpu.memref_squeeze %dma_start3A_78 : memref<1x80x128xi32, #tpu.memory_space<hbm>> -> memref<80x128xi32, #tpu.memory_space<hbm>>
      tpu.enqueue_dma source(%dma_start3A_79 : memref<80x128xi32, #tpu.memory_space<hbm>>) target(%arg8 : memref<80x128xi32, #tpu.memory_space<vmem>>) target_semaphore(%run_scoped3A : memref<!tpu.dma_semaphore, #tpu.memory_space<semaphore_mem>>)
      %dma_wait3A_80 = arith.constant 0 : i32
      %dma_wait3A_81 = arith.constant 0 : i32
      %dma_wait3A_82 = tpu.memref_slice %arg4[%add3A, %dma_wait3A_80, %dma_wait3A_81] : memref<32x80x128xi32, #tpu.memory_space<hbm>> -> memref<1x80x128xi32, #tpu.memory_space<hbm>>
      %dma_wait3A_83 = tpu.memref_squeeze %dma_wait3A_82 : memref<1x80x128xi32, #tpu.memory_space<hbm>> -> memref<80x128xi32, #tpu.memory_space<hbm>>
      %dma_wait3A_84 = arith.constant 0 : i32
      %dma_wait3A_85 = arith.constant 0 : i32
      %dma_wait3A_86 = tpu.memref_slice %arg4[%add3A, %dma_wait3A_84, %dma_wait3A_85] : memref<32x80x128xi32, #tpu.memory_space<hbm>> -> memref<1x80x128xi32, #tpu.memory_space<hbm>>
      %dma_wait3A_87 = tpu.memref_squeeze %dma_wait3A_86 : memref<1x80x128xi32, #tpu.memory_space<hbm>> -> memref<80x128xi32, #tpu.memory_space<hbm>>
      tpu.wait_dma2 semaphore(%run_scoped3A : memref<!tpu.dma_semaphore, #tpu.memory_space<semaphore_mem>>) src(%dma_wait3A_87 : memref<80x128xi32, #tpu.memory_space<hbm>>) dst(%arg8 : memref<80x128xi32, #tpu.memory_space<vmem>>)
      tpu.yield
    }) : () -> ()
    %barrier3A = arith.constant 0 : index
    tpu.barrier barrier_id(%barrier3A)
    %dma_start3A = arith.constant 0 : i32
    %dma_start3A_8 = arith.constant 0 : i32
    %dma_start3A_9 = tpu.memref_slice %arg7[%dma_start3A, %dma_start3A_8] : memref<80x128xi32, #tpu.memory_space<vmem>> -> memref<1x128xi32, #tpu.memory_space<vmem>>
    %dma_start3A_10 = tpu.memref_squeeze %dma_start3A_9 : memref<1x128xi32, #tpu.memory_space<vmem>> -> memref<128xi32, #tpu.memory_space<vmem>>
    %dma_start3A_11 = arith.constant 0 : i32
    %dma_start3A_12 = arith.constant 0 : i32
    %dma_start3A_13 = tpu.memref_slice %arg2[%dma_start3A_11, %dma_start3A_12] : memref<10240x48xf32, #tpu.memory_space<hbm>> -> memref<10240x48xf32, #tpu.memory_space<hbm>>
    tpu.enqueue_indirect_dma source(%dma_start3A_13 : memref<10240x48xf32, #tpu.memory_space<hbm>>) target(%arg9 : memref<128x48xf32, #tpu.memory_space<vmem>>) offsets(%dma_start3A_10 : memref<128xi32, #tpu.memory_space<vmem>>) semaphore(%arg18 : memref<!tpu.dma_semaphore, #tpu.memory_space<semaphore_mem>>)
    %dma_start3A_14 = arith.constant 1 : i32
    %dma_start3A_15 = arith.constant 0 : i32
    %dma_start3A_16 = tpu.memref_slice %arg7[%dma_start3A_14, %dma_start3A_15] : memref<80x128xi32, #tpu.memory_space<vmem>> -> memref<1x128xi32, #tpu.memory_space<vmem>>
    %dma_start3A_17 = tpu.memref_squeeze %dma_start3A_16 : memref<1x128xi32, #tpu.memory_space<vmem>> -> memref<128xi32, #tpu.memory_space<vmem>>
    %dma_start3A_18 = arith.constant 0 : i32
    %dma_start3A_19 = arith.constant 0 : i32
    %dma_start3A_20 = tpu.memref_slice %arg2[%dma_start3A_18, %dma_start3A_19] : memref<10240x48xf32, #tpu.memory_space<hbm>> -> memref<10240x48xf32, #tpu.memory_space<hbm>>
    tpu.enqueue_indirect_dma source(%dma_start3A_20 : memref<10240x48xf32, #tpu.memory_space<hbm>>) target(%arg10 : memref<128x48xf32, #tpu.memory_space<vmem>>) offsets(%dma_start3A_17 : memref<128xi32, #tpu.memory_space<vmem>>) semaphore(%arg19 : memref<!tpu.dma_semaphore, #tpu.memory_space<semaphore_mem>>)
    %dma_start3A_21 = arith.constant 2 : i32
    %dma_start3A_22 = arith.constant 0 : i32
    %dma_start3A_23 = tpu.memref_slice %arg7[%dma_start3A_21, %dma_start3A_22] : memref<80x128xi32, #tpu.memory_space<vmem>> -> memref<1x128xi32, #tpu.memory_space<vmem>>
    %dma_start3A_24 = tpu.memref_squeeze %dma_start3A_23 : memref<1x128xi32, #tpu.memory_space<vmem>> -> memref<128xi32, #tpu.memory_space<vmem>>
    %dma_start3A_25 = arith.constant 0 : i32
    %dma_start3A_26 = arith.constant 0 : i32
    %dma_start3A_27 = tpu.memref_slice %arg2[%dma_start3A_25, %dma_start3A_26] : memref<10240x48xf32, #tpu.memory_space<hbm>> -> memref<10240x48xf32, #tpu.memory_space<hbm>>
    tpu.enqueue_indirect_dma source(%dma_start3A_27 : memref<10240x48xf32, #tpu.memory_space<hbm>>) target(%arg11 : memref<128x48xf32, #tpu.memory_space<vmem>>) offsets(%dma_start3A_24 : memref<128xi32, #tpu.memory_space<vmem>>) semaphore(%arg20 : memref<!tpu.dma_semaphore, #tpu.memory_space<semaphore_mem>>)
    %dma_start3A_28 = arith.constant 3 : i32
    %dma_start3A_29 = arith.constant 0 : i32
    %dma_start3A_30 = tpu.memref_slice %arg7[%dma_start3A_28, %dma_start3A_29] : memref<80x128xi32, #tpu.memory_space<vmem>> -> memref<1x128xi32, #tpu.memory_space<vmem>>
    %dma_start3A_31 = tpu.memref_squeeze %dma_start3A_30 : memref<1x128xi32, #tpu.memory_space<vmem>> -> memref<128xi32, #tpu.memory_space<vmem>>
    %dma_start3A_32 = arith.constant 0 : i32
    %dma_start3A_33 = arith.constant 0 : i32
    %dma_start3A_34 = tpu.memref_slice %arg2[%dma_start3A_32, %dma_start3A_33] : memref<10240x48xf32, #tpu.memory_space<hbm>> -> memref<10240x48xf32, #tpu.memory_space<hbm>>
    tpu.enqueue_indirect_dma source(%dma_start3A_34 : memref<10240x48xf32, #tpu.memory_space<hbm>>) target(%arg12 : memref<128x48xf32, #tpu.memory_space<vmem>>) offsets(%dma_start3A_31 : memref<128xi32, #tpu.memory_space<vmem>>) semaphore(%arg21 : memref<!tpu.dma_semaphore, #tpu.memory_space<semaphore_mem>>)
    %scan3A_35 = arith.constant 0 : i32
    %scan3A_36 = arith.constant 10 : i32
    %scan3A_37 = arith.addi %scan3A_35, %scan3A_36 : i32
    %scan3A_38 = arith.constant 1 : i32
    scf.for %scan3A_72 = %scan3A_35 to %scan3A_37 step %scan3A_38  : i32 {
      %mul3A_73 = arith.constant 1 : i32
      %mul3A_74 = arith.muli %scan3A_72, %mul3A_73 : i32
      %add3A_75 = arith.constant 0 : i32
      %add3A_76 = arith.addi %add3A_75, %mul3A_74 : i32
      %mul3A_77 = arith.constant 8 : i32
      %mul3A_78 = arith.muli %add3A_76, %mul3A_77 : i32
      %add3A_79 = arith.constant 0 : i32
      %add3A_80 = arith.addi %mul3A_78, %add3A_79 : i32
      %dma_wait3A_81 = arith.constant 0 : i32
      %dma_wait3A_82 = tpu.memref_slice %arg7[%add3A_80, %dma_wait3A_81] : memref<80x128xi32, #tpu.memory_space<vmem>> -> memref<1x128xi32, #tpu.memory_space<vmem>>
      %dma_wait3A_83 = tpu.memref_squeeze %dma_wait3A_82 : memref<1x128xi32, #tpu.memory_space<vmem>> -> memref<128xi32, #tpu.memory_space<vmem>>
      %dma_wait3A_84 = arith.constant 0 : i32
      %dma_wait3A_85 = arith.constant 0 : i32
      %dma_wait3A_86 = tpu.memref_slice %arg2[%dma_wait3A_84, %dma_wait3A_85] : memref<10240x48xf32, #tpu.memory_space<hbm>> -> memref<10240x48xf32, #tpu.memory_space<hbm>>
      tpu.wait_indirect_dma semaphore(%arg18 : memref<!tpu.dma_semaphore, #tpu.memory_space<semaphore_mem>>) src(%dma_wait3A_86 : memref<10240x48xf32, #tpu.memory_space<hbm>>) dst(%arg9 : memref<128x48xf32, #tpu.memory_space<vmem>>)
      %dma_start3A_87 = arith.constant 0 : i32
      %dma_start3A_88 = tpu.memref_slice %arg8[%add3A_80, %dma_start3A_87] : memref<80x128xi32, #tpu.memory_space<vmem>> -> memref<1x128xi32, #tpu.memory_space<vmem>>
      %dma_start3A_89 = tpu.memref_squeeze %dma_start3A_88 : memref<1x128xi32, #tpu.memory_space<vmem>> -> memref<128xi32, #tpu.memory_space<vmem>>
      %dma_start3A_90 = arith.constant 0 : i32
      %dma_start3A_91 = arith.constant 0 : i32
      %dma_start3A_92 = tpu.memref_slice %arg6[%dma_start3A_90, %dma_start3A_91] : memref<10240x48xf32, #tpu.memory_space<vmem_shared>> -> memref<10240x48xf32, #tpu.memory_space<vmem_shared>>
      tpu.enqueue_indirect_dma source(%arg9 : memref<128x48xf32, #tpu.memory_space<vmem>>) target(%dma_start3A_92 : memref<10240x48xf32, #tpu.memory_space<vmem_shared>>) offsets(%dma_start3A_89 : memref<128xi32, #tpu.memory_space<vmem>>) semaphore(%arg26 : memref<!tpu.dma_semaphore, #tpu.memory_space<semaphore_mem>>) {add = true}
      %gt3A = arith.constant 0 : i32
      %gt3A_93 = arith.cmpi sgt, %add3A_76, %gt3A : i32
      %convert_element_type3A = arith.extui %gt3A_93 : i1 to i32
      %cond3A = arith.constant 0 : i32
      %cond3A_94 = arith.cmpi ne, %convert_element_type3A, %cond3A : i32
      scf.if %cond3A_94 {
        %sub3A_304 = arith.constant 4 : i32
        %sub3A_305 = arith.subi %add3A_80, %sub3A_304 : i32
        %dma_wait3A_306 = arith.constant 0 : i32
        %dma_wait3A_307 = tpu.memref_slice %arg8[%sub3A_305, %dma_wait3A_306] : memref<80x128xi32, #tpu.memory_space<vmem>> -> memref<1x128xi32, #tpu.memory_space<vmem>>
        %dma_wait3A_308 = tpu.memref_squeeze %dma_wait3A_307 : memref<1x128xi32, #tpu.memory_space<vmem>> -> memref<128xi32, #tpu.memory_space<vmem>>
        %dma_wait3A_309 = arith.constant 0 : i32
        %dma_wait3A_310 = arith.constant 0 : i32
        %dma_wait3A_311 = tpu.memref_slice %arg6[%dma_wait3A_309, %dma_wait3A_310] : memref<10240x48xf32, #tpu.memory_space<vmem_shared>> -> memref<10240x48xf32, #tpu.memory_space<vmem_shared>>
        tpu.wait_indirect_dma semaphore(%arg30 : memref<!tpu.dma_semaphore, #tpu.memory_space<semaphore_mem>>) src(%arg13 : memref<128x48xf32, #tpu.memory_space<vmem>>) dst(%dma_wait3A_311 : memref<10240x48xf32, #tpu.memory_space<vmem_shared>>)
      } else {
      }
      %add3A_95 = arith.constant 4 : i32
      %add3A_96 = arith.addi %add3A_80, %add3A_95 : i32
      %dma_start3A_97 = arith.constant 0 : i32
      %dma_start3A_98 = tpu.memref_slice %arg7[%add3A_96, %dma_start3A_97] : memref<80x128xi32, #tpu.memory_space<vmem>> -> memref<1x128xi32, #tpu.memory_space<vmem>>
      %dma_start3A_99 = tpu.memref_squeeze %dma_start3A_98 : memref<1x128xi32, #tpu.memory_space<vmem>> -> memref<128xi32, #tpu.memory_space<vmem>>
      %dma_start3A_100 = arith.constant 0 : i32
      %dma_start3A_101 = arith.constant 0 : i32
      %dma_start3A_102 = tpu.memref_slice %arg2[%dma_start3A_100, %dma_start3A_101] : memref<10240x48xf32, #tpu.memory_space<hbm>> -> memref<10240x48xf32, #tpu.memory_space<hbm>>
      tpu.enqueue_indirect_dma source(%dma_start3A_102 : memref<10240x48xf32, #tpu.memory_space<hbm>>) target(%arg13 : memref<128x48xf32, #tpu.memory_space<vmem>>) offsets(%dma_start3A_99 : memref<128xi32, #tpu.memory_space<vmem>>) semaphore(%arg22 : memref<!tpu.dma_semaphore, #tpu.memory_space<semaphore_mem>>)
      %mul3A_103 = arith.constant 8 : i32
      %mul3A_104 = arith.muli %add3A_76, %mul3A_103 : i32
      %add3A_105 = arith.constant 1 : i32
      %add3A_106 = arith.addi %mul3A_104, %add3A_105 : i32
      %dma_wait3A_107 = arith.constant 0 : i32
      %dma_wait3A_108 = tpu.memref_slice %arg7[%add3A_106, %dma_wait3A_107] : memref<80x128xi32, #tpu.memory_space<vmem>> -> memref<1x128xi32, #tpu.memory_space<vmem>>
      %dma_wait3A_109 = tpu.memref_squeeze %dma_wait3A_108 : memref<1x128xi32, #tpu.memory_space<vmem>> -> memref<128xi32, #tpu.memory_space<vmem>>
      %dma_wait3A_110 = arith.constant 0 : i32
      %dma_wait3A_111 = arith.constant 0 : i32
      %dma_wait3A_112 = tpu.memref_slice %arg2[%dma_wait3A_110, %dma_wait3A_111] : memref<10240x48xf32, #tpu.memory_space<hbm>> -> memref<10240x48xf32, #tpu.memory_space<hbm>>
      tpu.wait_indirect_dma semaphore(%arg19 : memref<!tpu.dma_semaphore, #tpu.memory_space<semaphore_mem>>) src(%dma_wait3A_112 : memref<10240x48xf32, #tpu.memory_space<hbm>>) dst(%arg10 : memref<128x48xf32, #tpu.memory_space<vmem>>)
      %dma_start3A_113 = arith.constant 0 : i32
      %dma_start3A_114 = tpu.memref_slice %arg8[%add3A_106, %dma_start3A_113] : memref<80x128xi32, #tpu.memory_space<vmem>> -> memref<1x128xi32, #tpu.memory_space<vmem>>
      %dma_start3A_115 = tpu.memref_squeeze %dma_start3A_114 : memref<1x128xi32, #tpu.memory_space<vmem>> -> memref<128xi32, #tpu.memory_space<vmem>>
      %dma_start3A_116 = arith.constant 0 : i32
      %dma_start3A_117 = arith.constant 0 : i32
      %dma_start3A_118 = tpu.memref_slice %arg6[%dma_start3A_116, %dma_start3A_117] : memref<10240x48xf32, #tpu.memory_space<vmem_shared>> -> memref<10240x48xf32, #tpu.memory_space<vmem_shared>>
      tpu.enqueue_indirect_dma source(%arg10 : memref<128x48xf32, #tpu.memory_space<vmem>>) target(%dma_start3A_118 : memref<10240x48xf32, #tpu.memory_space<vmem_shared>>) offsets(%dma_start3A_115 : memref<128xi32, #tpu.memory_space<vmem>>) semaphore(%arg27 : memref<!tpu.dma_semaphore, #tpu.memory_space<semaphore_mem>>) {add = true}
      %gt3A_119 = arith.constant 0 : i32
      %gt3A_120 = arith.cmpi sgt, %add3A_76, %gt3A_119 : i32
      %convert_element_type3A_121 = arith.extui %gt3A_120 : i1 to i32
      %cond3A_122 = arith.constant 0 : i32
      %cond3A_123 = arith.cmpi ne, %convert_element_type3A_121, %cond3A_122 : i32
      scf.if %cond3A_123 {
        %sub3A_304 = arith.constant 4 : i32
        %sub3A_305 = arith.subi %add3A_106, %sub3A_304 : i32
        %dma_wait3A_306 = arith.constant 0 : i32
        %dma_wait3A_307 = tpu.memref_slice %arg8[%sub3A_305, %dma_wait3A_306] : memref<80x128xi32, #tpu.memory_space<vmem>> -> memref<1x128xi32, #tpu.memory_space<vmem>>
        %dma_wait3A_308 = tpu.memref_squeeze %dma_wait3A_307 : memref<1x128xi32, #tpu.memory_space<vmem>> -> memref<128xi32, #tpu.memory_space<vmem>>
        %dma_wait3A_309 = arith.constant 0 : i32
        %dma_wait3A_310 = arith.constant 0 : i32
        %dma_wait3A_311 = tpu.memref_slice %arg6[%dma_wait3A_309, %dma_wait3A_310] : memref<10240x48xf32, #tpu.memory_space<vmem_shared>> -> memref<10240x48xf32, #tpu.memory_space<vmem_shared>>
        tpu.wait_indirect_dma semaphore(%arg31 : memref<!tpu.dma_semaphore, #tpu.memory_space<semaphore_mem>>) src(%arg14 : memref<128x48xf32, #tpu.memory_space<vmem>>) dst(%dma_wait3A_311 : memref<10240x48xf32, #tpu.memory_space<vmem_shared>>)
      } else {
      }
      %add3A_124 = arith.constant 4 : i32
      %add3A_125 = arith.addi %add3A_106, %add3A_124 : i32
      %dma_start3A_126 = arith.constant 0 : i32
      %dma_start3A_127 = tpu.memref_slice %arg7[%add3A_125, %dma_start3A_126] : memref<80x128xi32, #tpu.memory_space<vmem>> -> memref<1x128xi32, #tpu.memory_space<vmem>>
      %dma_start3A_128 = tpu.memref_squeeze %dma_start3A_127 : memref<1x128xi32, #tpu.memory_space<vmem>> -> memref<128xi32, #tpu.memory_space<vmem>>
      %dma_start3A_129 = arith.constant 0 : i32
      %dma_start3A_130 = arith.constant 0 : i32
      %dma_start3A_131 = tpu.memref_slice %arg2[%dma_start3A_129, %dma_start3A_130] : memref<10240x48xf32, #tpu.memory_space<hbm>> -> memref<10240x48xf32, #tpu.memory_space<hbm>>
      tpu.enqueue_indirect_dma source(%dma_start3A_131 : memref<10240x48xf32, #tpu.memory_space<hbm>>) target(%arg14 : memref<128x48xf32, #tpu.memory_space<vmem>>) offsets(%dma_start3A_128 : memref<128xi32, #tpu.memory_space<vmem>>) semaphore(%arg23 : memref<!tpu.dma_semaphore, #tpu.memory_space<semaphore_mem>>)
      %mul3A_132 = arith.constant 8 : i32
      %mul3A_133 = arith.muli %add3A_76, %mul3A_132 : i32
      %add3A_134 = arith.constant 2 : i32
      %add3A_135 = arith.addi %mul3A_133, %add3A_134 : i32
      %dma_wait3A_136 = arith.constant 0 : i32
      %dma_wait3A_137 = tpu.memref_slice %arg7[%add3A_135, %dma_wait3A_136] : memref<80x128xi32, #tpu.memory_space<vmem>> -> memref<1x128xi32, #tpu.memory_space<vmem>>
      %dma_wait3A_138 = tpu.memref_squeeze %dma_wait3A_137 : memref<1x128xi32, #tpu.memory_space<vmem>> -> memref<128xi32, #tpu.memory_space<vmem>>
      %dma_wait3A_139 = arith.constant 0 : i32
      %dma_wait3A_140 = arith.constant 0 : i32
      %dma_wait3A_141 = tpu.memref_slice %arg2[%dma_wait3A_139, %dma_wait3A_140] : memref<10240x48xf32, #tpu.memory_space<hbm>> -> memref<10240x48xf32, #tpu.memory_space<hbm>>
      tpu.wait_indirect_dma semaphore(%arg20 : memref<!tpu.dma_semaphore, #tpu.memory_space<semaphore_mem>>) src(%dma_wait3A_141 : memref<10240x48xf32, #tpu.memory_space<hbm>>) dst(%arg11 : memref<128x48xf32, #tpu.memory_space<vmem>>)
      %dma_start3A_142 = arith.constant 0 : i32
      %dma_start3A_143 = tpu.memref_slice %arg8[%add3A_135, %dma_start3A_142] : memref<80x128xi32, #tpu.memory_space<vmem>> -> memref<1x128xi32, #tpu.memory_space<vmem>>
      %dma_start3A_144 = tpu.memref_squeeze %dma_start3A_143 : memref<1x128xi32, #tpu.memory_space<vmem>> -> memref<128xi32, #tpu.memory_space<vmem>>
      %dma_start3A_145 = arith.constant 0 : i32
      %dma_start3A_146 = arith.constant 0 : i32
      %dma_start3A_147 = tpu.memref_slice %arg6[%dma_start3A_145, %dma_start3A_146] : memref<10240x48xf32, #tpu.memory_space<vmem_shared>> -> memref<10240x48xf32, #tpu.memory_space<vmem_shared>>
      tpu.enqueue_indirect_dma source(%arg11 : memref<128x48xf32, #tpu.memory_space<vmem>>) target(%dma_start3A_147 : memref<10240x48xf32, #tpu.memory_space<vmem_shared>>) offsets(%dma_start3A_144 : memref<128xi32, #tpu.memory_space<vmem>>) semaphore(%arg28 : memref<!tpu.dma_semaphore, #tpu.memory_space<semaphore_mem>>) {add = true}
      %gt3A_148 = arith.constant 0 : i32
      %gt3A_149 = arith.cmpi sgt, %add3A_76, %gt3A_148 : i32
      %convert_element_type3A_150 = arith.extui %gt3A_149 : i1 to i32
      %cond3A_151 = arith.constant 0 : i32
      %cond3A_152 = arith.cmpi ne, %convert_element_type3A_150, %cond3A_151 : i32
      scf.if %cond3A_152 {
        %sub3A_304 = arith.constant 4 : i32
        %sub3A_305 = arith.subi %add3A_135, %sub3A_304 : i32
        %dma_wait3A_306 = arith.constant 0 : i32
        %dma_wait3A_307 = tpu.memref_slice %arg8[%sub3A_305, %dma_wait3A_306] : memref<80x128xi32, #tpu.memory_space<vmem>> -> memref<1x128xi32, #tpu.memory_space<vmem>>
        %dma_wait3A_308 = tpu.memref_squeeze %dma_wait3A_307 : memref<1x128xi32, #tpu.memory_space<vmem>> -> memref<128xi32, #tpu.memory_space<vmem>>
        %dma_wait3A_309 = arith.constant 0 : i32
        %dma_wait3A_310 = arith.constant 0 : i32
        %dma_wait3A_311 = tpu.memref_slice %arg6[%dma_wait3A_309, %dma_wait3A_310] : memref<10240x48xf32, #tpu.memory_space<vmem_shared>> -> memref<10240x48xf32, #tpu.memory_space<vmem_shared>>
        tpu.wait_indirect_dma semaphore(%arg32 : memref<!tpu.dma_semaphore, #tpu.memory_space<semaphore_mem>>) src(%arg15 : memref<128x48xf32, #tpu.memory_space<vmem>>) dst(%dma_wait3A_311 : memref<10240x48xf32, #tpu.memory_space<vmem_shared>>)
      } else {
      }
      %add3A_153 = arith.constant 4 : i32
      %add3A_154 = arith.addi %add3A_135, %add3A_153 : i32
      %dma_start3A_155 = arith.constant 0 : i32
      %dma_start3A_156 = tpu.memref_slice %arg7[%add3A_154, %dma_start3A_155] : memref<80x128xi32, #tpu.memory_space<vmem>> -> memref<1x128xi32, #tpu.memory_space<vmem>>
      %dma_start3A_157 = tpu.memref_squeeze %dma_start3A_156 : memref<1x128xi32, #tpu.memory_space<vmem>> -> memref<128xi32, #tpu.memory_space<vmem>>
      %dma_start3A_158 = arith.constant 0 : i32
      %dma_start3A_159 = arith.constant 0 : i32
      %dma_start3A_160 = tpu.memref_slice %arg2[%dma_start3A_158, %dma_start3A_159] : memref<10240x48xf32, #tpu.memory_space<hbm>> -> memref<10240x48xf32, #tpu.memory_space<hbm>>
      tpu.enqueue_indirect_dma source(%dma_start3A_160 : memref<10240x48xf32, #tpu.memory_space<hbm>>) target(%arg15 : memref<128x48xf32, #tpu.memory_space<vmem>>) offsets(%dma_start3A_157 : memref<128xi32, #tpu.memory_space<vmem>>) semaphore(%arg24 : memref<!tpu.dma_semaphore, #tpu.memory_space<semaphore_mem>>)
      %mul3A_161 = arith.constant 8 : i32
      %mul3A_162 = arith.muli %add3A_76, %mul3A_161 : i32
      %add3A_163 = arith.constant 3 : i32
      %add3A_164 = arith.addi %mul3A_162, %add3A_163 : i32
      %dma_wait3A_165 = arith.constant 0 : i32
      %dma_wait3A_166 = tpu.memref_slice %arg7[%add3A_164, %dma_wait3A_165] : memref<80x128xi32, #tpu.memory_space<vmem>> -> memref<1x128xi32, #tpu.memory_space<vmem>>
      %dma_wait3A_167 = tpu.memref_squeeze %dma_wait3A_166 : memref<1x128xi32, #tpu.memory_space<vmem>> -> memref<128xi32, #tpu.memory_space<vmem>>
      %dma_wait3A_168 = arith.constant 0 : i32
      %dma_wait3A_169 = arith.constant 0 : i32
      %dma_wait3A_170 = tpu.memref_slice %arg2[%dma_wait3A_168, %dma_wait3A_169] : memref<10240x48xf32, #tpu.memory_space<hbm>> -> memref<10240x48xf32, #tpu.memory_space<hbm>>
      tpu.wait_indirect_dma semaphore(%arg21 : memref<!tpu.dma_semaphore, #tpu.memory_space<semaphore_mem>>) src(%dma_wait3A_170 : memref<10240x48xf32, #tpu.memory_space<hbm>>) dst(%arg12 : memref<128x48xf32, #tpu.memory_space<vmem>>)
      %dma_start3A_171 = arith.constant 0 : i32
      %dma_start3A_172 = tpu.memref_slice %arg8[%add3A_164, %dma_start3A_171] : memref<80x128xi32, #tpu.memory_space<vmem>> -> memref<1x128xi32, #tpu.memory_space<vmem>>
      %dma_start3A_173 = tpu.memref_squeeze %dma_start3A_172 : memref<1x128xi32, #tpu.memory_space<vmem>> -> memref<128xi32, #tpu.memory_space<vmem>>
      %dma_start3A_174 = arith.constant 0 : i32
      %dma_start3A_175 = arith.constant 0 : i32
      %dma_start3A_176 = tpu.memref_slice %arg6[%dma_start3A_174, %dma_start3A_175] : memref<10240x48xf32, #tpu.memory_space<vmem_shared>> -> memref<10240x48xf32, #tpu.memory_space<vmem_shared>>
      tpu.enqueue_indirect_dma source(%arg12 : memref<128x48xf32, #tpu.memory_space<vmem>>) target(%dma_start3A_176 : memref<10240x48xf32, #tpu.memory_space<vmem_shared>>) offsets(%dma_start3A_173 : memref<128xi32, #tpu.memory_space<vmem>>) semaphore(%arg29 : memref<!tpu.dma_semaphore, #tpu.memory_space<semaphore_mem>>) {add = true}
      %gt3A_177 = arith.constant 0 : i32
      %gt3A_178 = arith.cmpi sgt, %add3A_76, %gt3A_177 : i32
      %convert_element_type3A_179 = arith.extui %gt3A_178 : i1 to i32
      %cond3A_180 = arith.constant 0 : i32
      %cond3A_181 = arith.cmpi ne, %convert_element_type3A_179, %cond3A_180 : i32
      scf.if %cond3A_181 {
        %sub3A_304 = arith.constant 4 : i32
        %sub3A_305 = arith.subi %add3A_164, %sub3A_304 : i32
        %dma_wait3A_306 = arith.constant 0 : i32
        %dma_wait3A_307 = tpu.memref_slice %arg8[%sub3A_305, %dma_wait3A_306] : memref<80x128xi32, #tpu.memory_space<vmem>> -> memref<1x128xi32, #tpu.memory_space<vmem>>
        %dma_wait3A_308 = tpu.memref_squeeze %dma_wait3A_307 : memref<1x128xi32, #tpu.memory_space<vmem>> -> memref<128xi32, #tpu.memory_space<vmem>>
        %dma_wait3A_309 = arith.constant 0 : i32
        %dma_wait3A_310 = arith.constant 0 : i32
        %dma_wait3A_311 = tpu.memref_slice %arg6[%dma_wait3A_309, %dma_wait3A_310] : memref<10240x48xf32, #tpu.memory_space<vmem_shared>> -> memref<10240x48xf32, #tpu.memory_space<vmem_shared>>
        tpu.wait_indirect_dma semaphore(%arg33 : memref<!tpu.dma_semaphore, #tpu.memory_space<semaphore_mem>>) src(%arg16 : memref<128x48xf32, #tpu.memory_space<vmem>>) dst(%dma_wait3A_311 : memref<10240x48xf32, #tpu.memory_space<vmem_shared>>)
      } else {
      }
      %add3A_182 = arith.constant 4 : i32
      %add3A_183 = arith.addi %add3A_164, %add3A_182 : i32
      %dma_start3A_184 = arith.constant 0 : i32
      %dma_start3A_185 = tpu.memref_slice %arg7[%add3A_183, %dma_start3A_184] : memref<80x128xi32, #tpu.memory_space<vmem>> -> memref<1x128xi32, #tpu.memory_space<vmem>>
      %dma_start3A_186 = tpu.memref_squeeze %dma_start3A_185 : memref<1x128xi32, #tpu.memory_space<vmem>> -> memref<128xi32, #tpu.memory_space<vmem>>
      %dma_start3A_187 = arith.constant 0 : i32
      %dma_start3A_188 = arith.constant 0 : i32
      %dma_start3A_189 = tpu.memref_slice %arg2[%dma_start3A_187, %dma_start3A_188] : memref<10240x48xf32, #tpu.memory_space<hbm>> -> memref<10240x48xf32, #tpu.memory_space<hbm>>
      tpu.enqueue_indirect_dma source(%dma_start3A_189 : memref<10240x48xf32, #tpu.memory_space<hbm>>) target(%arg16 : memref<128x48xf32, #tpu.memory_space<vmem>>) offsets(%dma_start3A_186 : memref<128xi32, #tpu.memory_space<vmem>>) semaphore(%arg25 : memref<!tpu.dma_semaphore, #tpu.memory_space<semaphore_mem>>)
      %mul3A_190 = arith.constant 8 : i32
      %mul3A_191 = arith.muli %add3A_76, %mul3A_190 : i32
      %add3A_192 = arith.constant 4 : i32
      %add3A_193 = arith.addi %mul3A_191, %add3A_192 : i32
      %dma_wait3A_194 = arith.constant 0 : i32
      %dma_wait3A_195 = tpu.memref_slice %arg7[%add3A_193, %dma_wait3A_194] : memref<80x128xi32, #tpu.memory_space<vmem>> -> memref<1x128xi32, #tpu.memory_space<vmem>>
      %dma_wait3A_196 = tpu.memref_squeeze %dma_wait3A_195 : memref<1x128xi32, #tpu.memory_space<vmem>> -> memref<128xi32, #tpu.memory_space<vmem>>
      %dma_wait3A_197 = arith.constant 0 : i32
      %dma_wait3A_198 = arith.constant 0 : i32
      %dma_wait3A_199 = tpu.memref_slice %arg2[%dma_wait3A_197, %dma_wait3A_198] : memref<10240x48xf32, #tpu.memory_space<hbm>> -> memref<10240x48xf32, #tpu.memory_space<hbm>>
      tpu.wait_indirect_dma semaphore(%arg22 : memref<!tpu.dma_semaphore, #tpu.memory_space<semaphore_mem>>) src(%dma_wait3A_199 : memref<10240x48xf32, #tpu.memory_space<hbm>>) dst(%arg13 : memref<128x48xf32, #tpu.memory_space<vmem>>)
      %dma_start3A_200 = arith.constant 0 : i32
      %dma_start3A_201 = tpu.memref_slice %arg8[%add3A_193, %dma_start3A_200] : memref<80x128xi32, #tpu.memory_space<vmem>> -> memref<1x128xi32, #tpu.memory_space<vmem>>
      %dma_start3A_202 = tpu.memref_squeeze %dma_start3A_201 : memref<1x128xi32, #tpu.memory_space<vmem>> -> memref<128xi32, #tpu.memory_space<vmem>>
      %dma_start3A_203 = arith.constant 0 : i32
      %dma_start3A_204 = arith.constant 0 : i32
      %dma_start3A_205 = tpu.memref_slice %arg6[%dma_start3A_203, %dma_start3A_204] : memref<10240x48xf32, #tpu.memory_space<vmem_shared>> -> memref<10240x48xf32, #tpu.memory_space<vmem_shared>>
      tpu.enqueue_indirect_dma source(%arg13 : memref<128x48xf32, #tpu.memory_space<vmem>>) target(%dma_start3A_205 : memref<10240x48xf32, #tpu.memory_space<vmem_shared>>) offsets(%dma_start3A_202 : memref<128xi32, #tpu.memory_space<vmem>>) semaphore(%arg30 : memref<!tpu.dma_semaphore, #tpu.memory_space<semaphore_mem>>) {add = true}
      %sub3A = arith.constant 4 : i32
      %sub3A_206 = arith.subi %add3A_193, %sub3A : i32
      %dma_wait3A_207 = arith.constant 0 : i32
      %dma_wait3A_208 = tpu.memref_slice %arg8[%sub3A_206, %dma_wait3A_207] : memref<80x128xi32, #tpu.memory_space<vmem>> -> memref<1x128xi32, #tpu.memory_space<vmem>>
      %dma_wait3A_209 = tpu.memref_squeeze %dma_wait3A_208 : memref<1x128xi32, #tpu.memory_space<vmem>> -> memref<128xi32, #tpu.memory_space<vmem>>
      %dma_wait3A_210 = arith.constant 0 : i32
      %dma_wait3A_211 = arith.constant 0 : i32
      %dma_wait3A_212 = tpu.memref_slice %arg6[%dma_wait3A_210, %dma_wait3A_211] : memref<10240x48xf32, #tpu.memory_space<vmem_shared>> -> memref<10240x48xf32, #tpu.memory_space<vmem_shared>>
      tpu.wait_indirect_dma semaphore(%arg26 : memref<!tpu.dma_semaphore, #tpu.memory_space<semaphore_mem>>) src(%arg9 : memref<128x48xf32, #tpu.memory_space<vmem>>) dst(%dma_wait3A_212 : memref<10240x48xf32, #tpu.memory_space<vmem_shared>>)
      %lt3A = arith.constant 9 : i32
      %lt3A_213 = arith.cmpi slt, %add3A_76, %lt3A : i32
      %convert_element_type3A_214 = arith.extui %lt3A_213 : i1 to i32
      %cond3A_215 = arith.constant 0 : i32
      %cond3A_216 = arith.cmpi ne, %convert_element_type3A_214, %cond3A_215 : i32
      scf.if %cond3A_216 {
        %add3A_304 = arith.constant 4 : i32
        %add3A_305 = arith.addi %add3A_193, %add3A_304 : i32
        %dma_start3A_306 = arith.constant 0 : i32
        %dma_start3A_307 = tpu.memref_slice %arg7[%add3A_305, %dma_start3A_306] : memref<80x128xi32, #tpu.memory_space<vmem>> -> memref<1x128xi32, #tpu.memory_space<vmem>>
        %dma_start3A_308 = tpu.memref_squeeze %dma_start3A_307 : memref<1x128xi32, #tpu.memory_space<vmem>> -> memref<128xi32, #tpu.memory_space<vmem>>
        %dma_start3A_309 = arith.constant 0 : i32
        %dma_start3A_310 = arith.constant 0 : i32
        %dma_start3A_311 = tpu.memref_slice %arg2[%dma_start3A_309, %dma_start3A_310] : memref<10240x48xf32, #tpu.memory_space<hbm>> -> memref<10240x48xf32, #tpu.memory_space<hbm>>
        tpu.enqueue_indirect_dma source(%dma_start3A_311 : memref<10240x48xf32, #tpu.memory_space<hbm>>) target(%arg9 : memref<128x48xf32, #tpu.memory_space<vmem>>) offsets(%dma_start3A_308 : memref<128xi32, #tpu.memory_space<vmem>>) semaphore(%arg18 : memref<!tpu.dma_semaphore, #tpu.memory_space<semaphore_mem>>)
      } else {
      }
      %mul3A_217 = arith.constant 8 : i32
      %mul3A_218 = arith.muli %add3A_76, %mul3A_217 : i32
      %add3A_219 = arith.constant 5 : i32
      %add3A_220 = arith.addi %mul3A_218, %add3A_219 : i32
      %dma_wait3A_221 = arith.constant 0 : i32
      %dma_wait3A_222 = tpu.memref_slice %arg7[%add3A_220, %dma_wait3A_221] : memref<80x128xi32, #tpu.memory_space<vmem>> -> memref<1x128xi32, #tpu.memory_space<vmem>>
      %dma_wait3A_223 = tpu.memref_squeeze %dma_wait3A_222 : memref<1x128xi32, #tpu.memory_space<vmem>> -> memref<128xi32, #tpu.memory_space<vmem>>
      %dma_wait3A_224 = arith.constant 0 : i32
      %dma_wait3A_225 = arith.constant 0 : i32
      %dma_wait3A_226 = tpu.memref_slice %arg2[%dma_wait3A_224, %dma_wait3A_225] : memref<10240x48xf32, #tpu.memory_space<hbm>> -> memref<10240x48xf32, #tpu.memory_space<hbm>>
      tpu.wait_indirect_dma semaphore(%arg23 : memref<!tpu.dma_semaphore, #tpu.memory_space<semaphore_mem>>) src(%dma_wait3A_226 : memref<10240x48xf32, #tpu.memory_space<hbm>>) dst(%arg14 : memref<128x48xf32, #tpu.memory_space<vmem>>)
      %dma_start3A_227 = arith.constant 0 : i32
      %dma_start3A_228 = tpu.memref_slice %arg8[%add3A_220, %dma_start3A_227] : memref<80x128xi32, #tpu.memory_space<vmem>> -> memref<1x128xi32, #tpu.memory_space<vmem>>
      %dma_start3A_229 = tpu.memref_squeeze %dma_start3A_228 : memref<1x128xi32, #tpu.memory_space<vmem>> -> memref<128xi32, #tpu.memory_space<vmem>>
      %dma_start3A_230 = arith.constant 0 : i32
      %dma_start3A_231 = arith.constant 0 : i32
      %dma_start3A_232 = tpu.memref_slice %arg6[%dma_start3A_230, %dma_start3A_231] : memref<10240x48xf32, #tpu.memory_space<vmem_shared>> -> memref<10240x48xf32, #tpu.memory_space<vmem_shared>>
      tpu.enqueue_indirect_dma source(%arg14 : memref<128x48xf32, #tpu.memory_space<vmem>>) target(%dma_start3A_232 : memref<10240x48xf32, #tpu.memory_space<vmem_shared>>) offsets(%dma_start3A_229 : memref<128xi32, #tpu.memory_space<vmem>>) semaphore(%arg31 : memref<!tpu.dma_semaphore, #tpu.memory_space<semaphore_mem>>) {add = true}
      %sub3A_233 = arith.constant 4 : i32
      %sub3A_234 = arith.subi %add3A_220, %sub3A_233 : i32
      %dma_wait3A_235 = arith.constant 0 : i32
      %dma_wait3A_236 = tpu.memref_slice %arg8[%sub3A_234, %dma_wait3A_235] : memref<80x128xi32, #tpu.memory_space<vmem>> -> memref<1x128xi32, #tpu.memory_space<vmem>>
      %dma_wait3A_237 = tpu.memref_squeeze %dma_wait3A_236 : memref<1x128xi32, #tpu.memory_space<vmem>> -> memref<128xi32, #tpu.memory_space<vmem>>
      %dma_wait3A_238 = arith.constant 0 : i32
      %dma_wait3A_239 = arith.constant 0 : i32
      %dma_wait3A_240 = tpu.memref_slice %arg6[%dma_wait3A_238, %dma_wait3A_239] : memref<10240x48xf32, #tpu.memory_space<vmem_shared>> -> memref<10240x48xf32, #tpu.memory_space<vmem_shared>>
      tpu.wait_indirect_dma semaphore(%arg27 : memref<!tpu.dma_semaphore, #tpu.memory_space<semaphore_mem>>) src(%arg10 : memref<128x48xf32, #tpu.memory_space<vmem>>) dst(%dma_wait3A_240 : memref<10240x48xf32, #tpu.memory_space<vmem_shared>>)
      %lt3A_241 = arith.constant 9 : i32
      %lt3A_242 = arith.cmpi slt, %add3A_76, %lt3A_241 : i32
      %convert_element_type3A_243 = arith.extui %lt3A_242 : i1 to i32
      %cond3A_244 = arith.constant 0 : i32
      %cond3A_245 = arith.cmpi ne, %convert_element_type3A_243, %cond3A_244 : i32
      scf.if %cond3A_245 {
        %add3A_304 = arith.constant 4 : i32
        %add3A_305 = arith.addi %add3A_220, %add3A_304 : i32
        %dma_start3A_306 = arith.constant 0 : i32
        %dma_start3A_307 = tpu.memref_slice %arg7[%add3A_305, %dma_start3A_306] : memref<80x128xi32, #tpu.memory_space<vmem>> -> memref<1x128xi32, #tpu.memory_space<vmem>>
        %dma_start3A_308 = tpu.memref_squeeze %dma_start3A_307 : memref<1x128xi32, #tpu.memory_space<vmem>> -> memref<128xi32, #tpu.memory_space<vmem>>
        %dma_start3A_309 = arith.constant 0 : i32
        %dma_start3A_310 = arith.constant 0 : i32
        %dma_start3A_311 = tpu.memref_slice %arg2[%dma_start3A_309, %dma_start3A_310] : memref<10240x48xf32, #tpu.memory_space<hbm>> -> memref<10240x48xf32, #tpu.memory_space<hbm>>
        tpu.enqueue_indirect_dma source(%dma_start3A_311 : memref<10240x48xf32, #tpu.memory_space<hbm>>) target(%arg10 : memref<128x48xf32, #tpu.memory_space<vmem>>) offsets(%dma_start3A_308 : memref<128xi32, #tpu.memory_space<vmem>>) semaphore(%arg19 : memref<!tpu.dma_semaphore, #tpu.memory_space<semaphore_mem>>)
      } else {
      }
      %mul3A_246 = arith.constant 8 : i32
      %mul3A_247 = arith.muli %add3A_76, %mul3A_246 : i32
      %add3A_248 = arith.constant 6 : i32
      %add3A_249 = arith.addi %mul3A_247, %add3A_248 : i32
      %dma_wait3A_250 = arith.constant 0 : i32
      %dma_wait3A_251 = tpu.memref_slice %arg7[%add3A_249, %dma_wait3A_250] : memref<80x128xi32, #tpu.memory_space<vmem>> -> memref<1x128xi32, #tpu.memory_space<vmem>>
      %dma_wait3A_252 = tpu.memref_squeeze %dma_wait3A_251 : memref<1x128xi32, #tpu.memory_space<vmem>> -> memref<128xi32, #tpu.memory_space<vmem>>
      %dma_wait3A_253 = arith.constant 0 : i32
      %dma_wait3A_254 = arith.constant 0 : i32
      %dma_wait3A_255 = tpu.memref_slice %arg2[%dma_wait3A_253, %dma_wait3A_254] : memref<10240x48xf32, #tpu.memory_space<hbm>> -> memref<10240x48xf32, #tpu.memory_space<hbm>>
      tpu.wait_indirect_dma semaphore(%arg24 : memref<!tpu.dma_semaphore, #tpu.memory_space<semaphore_mem>>) src(%dma_wait3A_255 : memref<10240x48xf32, #tpu.memory_space<hbm>>) dst(%arg15 : memref<128x48xf32, #tpu.memory_space<vmem>>)
      %dma_start3A_256 = arith.constant 0 : i32
      %dma_start3A_257 = tpu.memref_slice %arg8[%add3A_249, %dma_start3A_256] : memref<80x128xi32, #tpu.memory_space<vmem>> -> memref<1x128xi32, #tpu.memory_space<vmem>>
      %dma_start3A_258 = tpu.memref_squeeze %dma_start3A_257 : memref<1x128xi32, #tpu.memory_space<vmem>> -> memref<128xi32, #tpu.memory_space<vmem>>
      %dma_start3A_259 = arith.constant 0 : i32
      %dma_start3A_260 = arith.constant 0 : i32
      %dma_start3A_261 = tpu.memref_slice %arg6[%dma_start3A_259, %dma_start3A_260] : memref<10240x48xf32, #tpu.memory_space<vmem_shared>> -> memref<10240x48xf32, #tpu.memory_space<vmem_shared>>
      tpu.enqueue_indirect_dma source(%arg15 : memref<128x48xf32, #tpu.memory_space<vmem>>) target(%dma_start3A_261 : memref<10240x48xf32, #tpu.memory_space<vmem_shared>>) offsets(%dma_start3A_258 : memref<128xi32, #tpu.memory_space<vmem>>) semaphore(%arg32 : memref<!tpu.dma_semaphore, #tpu.memory_space<semaphore_mem>>) {add = true}
      %sub3A_262 = arith.constant 4 : i32
      %sub3A_263 = arith.subi %add3A_249, %sub3A_262 : i32
      %dma_wait3A_264 = arith.constant 0 : i32
      %dma_wait3A_265 = tpu.memref_slice %arg8[%sub3A_263, %dma_wait3A_264] : memref<80x128xi32, #tpu.memory_space<vmem>> -> memref<1x128xi32, #tpu.memory_space<vmem>>
      %dma_wait3A_266 = tpu.memref_squeeze %dma_wait3A_265 : memref<1x128xi32, #tpu.memory_space<vmem>> -> memref<128xi32, #tpu.memory_space<vmem>>
      %dma_wait3A_267 = arith.constant 0 : i32
      %dma_wait3A_268 = arith.constant 0 : i32
      %dma_wait3A_269 = tpu.memref_slice %arg6[%dma_wait3A_267, %dma_wait3A_268] : memref<10240x48xf32, #tpu.memory_space<vmem_shared>> -> memref<10240x48xf32, #tpu.memory_space<vmem_shared>>
      tpu.wait_indirect_dma semaphore(%arg28 : memref<!tpu.dma_semaphore, #tpu.memory_space<semaphore_mem>>) src(%arg11 : memref<128x48xf32, #tpu.memory_space<vmem>>) dst(%dma_wait3A_269 : memref<10240x48xf32, #tpu.memory_space<vmem_shared>>)
      %lt3A_270 = arith.constant 9 : i32
      %lt3A_271 = arith.cmpi slt, %add3A_76, %lt3A_270 : i32
      %convert_element_type3A_272 = arith.extui %lt3A_271 : i1 to i32
      %cond3A_273 = arith.constant 0 : i32
      %cond3A_274 = arith.cmpi ne, %convert_element_type3A_272, %cond3A_273 : i32
      scf.if %cond3A_274 {
        %add3A_304 = arith.constant 4 : i32
        %add3A_305 = arith.addi %add3A_249, %add3A_304 : i32
        %dma_start3A_306 = arith.constant 0 : i32
        %dma_start3A_307 = tpu.memref_slice %arg7[%add3A_305, %dma_start3A_306] : memref<80x128xi32, #tpu.memory_space<vmem>> -> memref<1x128xi32, #tpu.memory_space<vmem>>
        %dma_start3A_308 = tpu.memref_squeeze %dma_start3A_307 : memref<1x128xi32, #tpu.memory_space<vmem>> -> memref<128xi32, #tpu.memory_space<vmem>>
        %dma_start3A_309 = arith.constant 0 : i32
        %dma_start3A_310 = arith.constant 0 : i32
        %dma_start3A_311 = tpu.memref_slice %arg2[%dma_start3A_309, %dma_start3A_310] : memref<10240x48xf32, #tpu.memory_space<hbm>> -> memref<10240x48xf32, #tpu.memory_space<hbm>>
        tpu.enqueue_indirect_dma source(%dma_start3A_311 : memref<10240x48xf32, #tpu.memory_space<hbm>>) target(%arg11 : memref<128x48xf32, #tpu.memory_space<vmem>>) offsets(%dma_start3A_308 : memref<128xi32, #tpu.memory_space<vmem>>) semaphore(%arg20 : memref<!tpu.dma_semaphore, #tpu.memory_space<semaphore_mem>>)
      } else {
      }
      %mul3A_275 = arith.constant 8 : i32
      %mul3A_276 = arith.muli %add3A_76, %mul3A_275 : i32
      %add3A_277 = arith.constant 7 : i32
      %add3A_278 = arith.addi %mul3A_276, %add3A_277 : i32
      %dma_wait3A_279 = arith.constant 0 : i32
      %dma_wait3A_280 = tpu.memref_slice %arg7[%add3A_278, %dma_wait3A_279] : memref<80x128xi32, #tpu.memory_space<vmem>> -> memref<1x128xi32, #tpu.memory_space<vmem>>
      %dma_wait3A_281 = tpu.memref_squeeze %dma_wait3A_280 : memref<1x128xi32, #tpu.memory_space<vmem>> -> memref<128xi32, #tpu.memory_space<vmem>>
      %dma_wait3A_282 = arith.constant 0 : i32
      %dma_wait3A_283 = arith.constant 0 : i32
      %dma_wait3A_284 = tpu.memref_slice %arg2[%dma_wait3A_282, %dma_wait3A_283] : memref<10240x48xf32, #tpu.memory_space<hbm>> -> memref<10240x48xf32, #tpu.memory_space<hbm>>
      tpu.wait_indirect_dma semaphore(%arg25 : memref<!tpu.dma_semaphore, #tpu.memory_space<semaphore_mem>>) src(%dma_wait3A_284 : memref<10240x48xf32, #tpu.memory_space<hbm>>) dst(%arg16 : memref<128x48xf32, #tpu.memory_space<vmem>>)
      %dma_start3A_285 = arith.constant 0 : i32
      %dma_start3A_286 = tpu.memref_slice %arg8[%add3A_278, %dma_start3A_285] : memref<80x128xi32, #tpu.memory_space<vmem>> -> memref<1x128xi32, #tpu.memory_space<vmem>>
      %dma_start3A_287 = tpu.memref_squeeze %dma_start3A_286 : memref<1x128xi32, #tpu.memory_space<vmem>> -> memref<128xi32, #tpu.memory_space<vmem>>
      %dma_start3A_288 = arith.constant 0 : i32
      %dma_start3A_289 = arith.constant 0 : i32
      %dma_start3A_290 = tpu.memref_slice %arg6[%dma_start3A_288, %dma_start3A_289] : memref<10240x48xf32, #tpu.memory_space<vmem_shared>> -> memref<10240x48xf32, #tpu.memory_space<vmem_shared>>
      tpu.enqueue_indirect_dma source(%arg16 : memref<128x48xf32, #tpu.memory_space<vmem>>) target(%dma_start3A_290 : memref<10240x48xf32, #tpu.memory_space<vmem_shared>>) offsets(%dma_start3A_287 : memref<128xi32, #tpu.memory_space<vmem>>) semaphore(%arg33 : memref<!tpu.dma_semaphore, #tpu.memory_space<semaphore_mem>>) {add = true}
      %sub3A_291 = arith.constant 4 : i32
      %sub3A_292 = arith.subi %add3A_278, %sub3A_291 : i32
      %dma_wait3A_293 = arith.constant 0 : i32
      %dma_wait3A_294 = tpu.memref_slice %arg8[%sub3A_292, %dma_wait3A_293] : memref<80x128xi32, #tpu.memory_space<vmem>> -> memref<1x128xi32, #tpu.memory_space<vmem>>
      %dma_wait3A_295 = tpu.memref_squeeze %dma_wait3A_294 : memref<1x128xi32, #tpu.memory_space<vmem>> -> memref<128xi32, #tpu.memory_space<vmem>>
      %dma_wait3A_296 = arith.constant 0 : i32
      %dma_wait3A_297 = arith.constant 0 : i32
      %dma_wait3A_298 = tpu.memref_slice %arg6[%dma_wait3A_296, %dma_wait3A_297] : memref<10240x48xf32, #tpu.memory_space<vmem_shared>> -> memref<10240x48xf32, #tpu.memory_space<vmem_shared>>
      tpu.wait_indirect_dma semaphore(%arg29 : memref<!tpu.dma_semaphore, #tpu.memory_space<semaphore_mem>>) src(%arg12 : memref<128x48xf32, #tpu.memory_space<vmem>>) dst(%dma_wait3A_298 : memref<10240x48xf32, #tpu.memory_space<vmem_shared>>)
      %lt3A_299 = arith.constant 9 : i32
      %lt3A_300 = arith.cmpi slt, %add3A_76, %lt3A_299 : i32
      %convert_element_type3A_301 = arith.extui %lt3A_300 : i1 to i32
      %cond3A_302 = arith.constant 0 : i32
      %cond3A_303 = arith.cmpi ne, %convert_element_type3A_301, %cond3A_302 : i32
      scf.if %cond3A_303 {
        %add3A_304 = arith.constant 4 : i32
        %add3A_305 = arith.addi %add3A_278, %add3A_304 : i32
        %dma_start3A_306 = arith.constant 0 : i32
        %dma_start3A_307 = tpu.memref_slice %arg7[%add3A_305, %dma_start3A_306] : memref<80x128xi32, #tpu.memory_space<vmem>> -> memref<1x128xi32, #tpu.memory_space<vmem>>
        %dma_start3A_308 = tpu.memref_squeeze %dma_start3A_307 : memref<1x128xi32, #tpu.memory_space<vmem>> -> memref<128xi32, #tpu.memory_space<vmem>>
        %dma_start3A_309 = arith.constant 0 : i32
        %dma_start3A_310 = arith.constant 0 : i32
        %dma_start3A_311 = tpu.memref_slice %arg2[%dma_start3A_309, %dma_start3A_310] : memref<10240x48xf32, #tpu.memory_space<hbm>> -> memref<10240x48xf32, #tpu.memory_space<hbm>>
        tpu.enqueue_indirect_dma source(%dma_start3A_311 : memref<10240x48xf32, #tpu.memory_space<hbm>>) target(%arg12 : memref<128x48xf32, #tpu.memory_space<vmem>>) offsets(%dma_start3A_308 : memref<128xi32, #tpu.memory_space<vmem>>) semaphore(%arg21 : memref<!tpu.dma_semaphore, #tpu.memory_space<semaphore_mem>>)
      } else {
      }
    }
    %scan3A_39 = arith.constant 10 : i32
    %dma_wait3A = arith.constant 76 : i32
    %dma_wait3A_40 = arith.constant 0 : i32
    %dma_wait3A_41 = tpu.memref_slice %arg8[%dma_wait3A, %dma_wait3A_40] : memref<80x128xi32, #tpu.memory_space<vmem>> -> memref<1x128xi32, #tpu.memory_space<vmem>>
    %dma_wait3A_42 = tpu.memref_squeeze %dma_wait3A_41 : memref<1x128xi32, #tpu.memory_space<vmem>> -> memref<128xi32, #tpu.memory_space<vmem>>
    %dma_wait3A_43 = arith.constant 0 : i32
    %dma_wait3A_44 = arith.constant 0 : i32
    %dma_wait3A_45 = tpu.memref_slice %arg6[%dma_wait3A_43, %dma_wait3A_44] : memref<10240x48xf32, #tpu.memory_space<vmem_shared>> -> memref<10240x48xf32, #tpu.memory_space<vmem_shared>>
    tpu.wait_indirect_dma semaphore(%arg30 : memref<!tpu.dma_semaphore, #tpu.memory_space<semaphore_mem>>) src(%arg13 : memref<128x48xf32, #tpu.memory_space<vmem>>) dst(%dma_wait3A_45 : memref<10240x48xf32, #tpu.memory_space<vmem_shared>>)
    %dma_wait3A_46 = arith.constant 77 : i32
    %dma_wait3A_47 = arith.constant 0 : i32
    %dma_wait3A_48 = tpu.memref_slice %arg8[%dma_wait3A_46, %dma_wait3A_47] : memref<80x128xi32, #tpu.memory_space<vmem>> -> memref<1x128xi32, #tpu.memory_space<vmem>>
    %dma_wait3A_49 = tpu.memref_squeeze %dma_wait3A_48 : memref<1x128xi32, #tpu.memory_space<vmem>> -> memref<128xi32, #tpu.memory_space<vmem>>
    %dma_wait3A_50 = arith.constant 0 : i32
    %dma_wait3A_51 = arith.constant 0 : i32
    %dma_wait3A_52 = tpu.memref_slice %arg6[%dma_wait3A_50, %dma_wait3A_51] : memref<10240x48xf32, #tpu.memory_space<vmem_shared>> -> memref<10240x48xf32, #tpu.memory_space<vmem_shared>>
    tpu.wait_indirect_dma semaphore(%arg31 : memref<!tpu.dma_semaphore, #tpu.memory_space<semaphore_mem>>) src(%arg14 : memref<128x48xf32, #tpu.memory_space<vmem>>) dst(%dma_wait3A_52 : memref<10240x48xf32, #tpu.memory_space<vmem_shared>>)
    %dma_wait3A_53 = arith.constant 78 : i32
    %dma_wait3A_54 = arith.constant 0 : i32
    %dma_wait3A_55 = tpu.memref_slice %arg8[%dma_wait3A_53, %dma_wait3A_54] : memref<80x128xi32, #tpu.memory_space<vmem>> -> memref<1x128xi32, #tpu.memory_space<vmem>>
    %dma_wait3A_56 = tpu.memref_squeeze %dma_wait3A_55 : memref<1x128xi32, #tpu.memory_space<vmem>> -> memref<128xi32, #tpu.memory_space<vmem>>
    %dma_wait3A_57 = arith.constant 0 : i32
    %dma_wait3A_58 = arith.constant 0 : i32
    %dma_wait3A_59 = tpu.memref_slice %arg6[%dma_wait3A_57, %dma_wait3A_58] : memref<10240x48xf32, #tpu.memory_space<vmem_shared>> -> memref<10240x48xf32, #tpu.memory_space<vmem_shared>>
    tpu.wait_indirect_dma semaphore(%arg32 : memref<!tpu.dma_semaphore, #tpu.memory_space<semaphore_mem>>) src(%arg15 : memref<128x48xf32, #tpu.memory_space<vmem>>) dst(%dma_wait3A_59 : memref<10240x48xf32, #tpu.memory_space<vmem_shared>>)
    %dma_wait3A_60 = arith.constant 79 : i32
    %dma_wait3A_61 = arith.constant 0 : i32
    %dma_wait3A_62 = tpu.memref_slice %arg8[%dma_wait3A_60, %dma_wait3A_61] : memref<80x128xi32, #tpu.memory_space<vmem>> -> memref<1x128xi32, #tpu.memory_space<vmem>>
    %dma_wait3A_63 = tpu.memref_squeeze %dma_wait3A_62 : memref<1x128xi32, #tpu.memory_space<vmem>> -> memref<128xi32, #tpu.memory_space<vmem>>
    %dma_wait3A_64 = arith.constant 0 : i32
    %dma_wait3A_65 = arith.constant 0 : i32
    %dma_wait3A_66 = tpu.memref_slice %arg6[%dma_wait3A_64, %dma_wait3A_65] : memref<10240x48xf32, #tpu.memory_space<vmem_shared>> -> memref<10240x48xf32, #tpu.memory_space<vmem_shared>>
    tpu.wait_indirect_dma semaphore(%arg33 : memref<!tpu.dma_semaphore, #tpu.memory_space<semaphore_mem>>) src(%arg16 : memref<128x48xf32, #tpu.memory_space<vmem>>) dst(%dma_wait3A_66 : memref<10240x48xf32, #tpu.memory_space<vmem_shared>>)
    %barrier3A_67 = arith.constant 0 : index
    tpu.barrier barrier_id(%barrier3A_67)
    %mul3A_68 = arith.constant 640 : i32
    %mul3A_69 = arith.muli %arg1, %mul3A_68 : i32
    "tpu.region"() ({
      %run_scoped3A = tpu.sem_alloc : memref<!tpu.dma_semaphore, #tpu.memory_space<semaphore_mem>>
      %dma_start3A_72 = arith.constant 0 : i32
      %dma_start3A_73 = tpu.memref_slice %arg6[%mul3A_69, %dma_start3A_72] : memref<10240x48xf32, #tpu.memory_space<vmem_shared>> -> memref<640x48xf32, #tpu.memory_space<vmem_shared>>
      %dma_start3A_74 = arith.constant 0 : i32
      %dma_start3A_75 = tpu.memref_slice %arg6[%mul3A_69, %dma_start3A_74] : memref<10240x48xf32, #tpu.memory_space<vmem_shared>> -> memref<640x48xf32, #tpu.memory_space<vmem_shared>>
      tpu.enqueue_dma source(%dma_start3A_75 : memref<640x48xf32, #tpu.memory_space<vmem_shared>>) target(%arg17 : memref<640x48xf32, #tpu.memory_space<vmem>>) target_semaphore(%run_scoped3A : memref<!tpu.dma_semaphore, #tpu.memory_space<semaphore_mem>>)
      %dma_wait3A_76 = arith.constant 0 : i32
      %dma_wait3A_77 = tpu.memref_slice %arg6[%mul3A_69, %dma_wait3A_76] : memref<10240x48xf32, #tpu.memory_space<vmem_shared>> -> memref<640x48xf32, #tpu.memory_space<vmem_shared>>
      %dma_wait3A_78 = arith.constant 0 : i32
      %dma_wait3A_79 = tpu.memref_slice %arg6[%mul3A_69, %dma_wait3A_78] : memref<10240x48xf32, #tpu.memory_space<vmem_shared>> -> memref<640x48xf32, #tpu.memory_space<vmem_shared>>
      tpu.wait_dma2 semaphore(%run_scoped3A : memref<!tpu.dma_semaphore, #tpu.memory_space<semaphore_mem>>) src(%dma_wait3A_79 : memref<640x48xf32, #tpu.memory_space<vmem_shared>>) dst(%arg17 : memref<640x48xf32, #tpu.memory_space<vmem>>)
      tpu.yield
    }) : () -> ()
    %mul3A_70 = arith.constant 640 : i32
    %mul3A_71 = arith.muli %arg1, %mul3A_70 : i32
    "tpu.region"() ({
      %run_scoped3A = tpu.sem_alloc : memref<!tpu.dma_semaphore, #tpu.memory_space<semaphore_mem>>
      %dma_start3A_72 = arith.constant 0 : i32
      %dma_start3A_73 = tpu.memref_slice %arg5[%arg0, %mul3A_71, %dma_start3A_72] : memref<2x10240x48xf32, #tpu.memory_space<hbm>> -> memref<1x640x48xf32, #tpu.memory_space<hbm>>
      %dma_start3A_74 = tpu.memref_squeeze %dma_start3A_73 : memref<1x640x48xf32, #tpu.memory_space<hbm>> -> memref<640x48xf32, #tpu.memory_space<hbm>>
      %dma_start3A_75 = arith.constant 0 : i32
      %dma_start3A_76 = tpu.memref_slice %arg5[%arg0, %mul3A_71, %dma_start3A_75] : memref<2x10240x48xf32, #tpu.memory_space<hbm>> -> memref<1x640x48xf32, #tpu.memory_space<hbm>>
      %dma_start3A_77 = tpu.memref_squeeze %dma_start3A_76 : memref<1x640x48xf32, #tpu.memory_space<hbm>> -> memref<640x48xf32, #tpu.memory_space<hbm>>
      tpu.enqueue_dma source(%arg17 : memref<640x48xf32, #tpu.memory_space<vmem>>) target(%dma_start3A_77 : memref<640x48xf32, #tpu.memory_space<hbm>>) target_semaphore(%run_scoped3A : memref<!tpu.dma_semaphore, #tpu.memory_space<semaphore_mem>>)
      %dma_wait3A_78 = arith.constant 0 : i32
      %dma_wait3A_79 = tpu.memref_slice %arg5[%arg0, %mul3A_71, %dma_wait3A_78] : memref<2x10240x48xf32, #tpu.memory_space<hbm>> -> memref<1x640x48xf32, #tpu.memory_space<hbm>>
      %dma_wait3A_80 = tpu.memref_squeeze %dma_wait3A_79 : memref<1x640x48xf32, #tpu.memory_space<hbm>> -> memref<640x48xf32, #tpu.memory_space<hbm>>
      %dma_wait3A_81 = arith.constant 0 : i32
      %dma_wait3A_82 = tpu.memref_slice %arg5[%arg0, %mul3A_71, %dma_wait3A_81] : memref<2x10240x48xf32, #tpu.memory_space<hbm>> -> memref<1x640x48xf32, #tpu.memory_space<hbm>>
      %dma_wait3A_83 = tpu.memref_squeeze %dma_wait3A_82 : memref<1x640x48xf32, #tpu.memory_space<hbm>> -> memref<640x48xf32, #tpu.memory_space<hbm>>
      tpu.wait_dma2 semaphore(%run_scoped3A : memref<!tpu.dma_semaphore, #tpu.memory_space<semaphore_mem>>) src(%arg17 : memref<640x48xf32, #tpu.memory_space<vmem>>) dst(%dma_wait3A_83 : memref<640x48xf32, #tpu.memory_space<hbm>>)
      tpu.yield
    }) : () -> ()
    return
  }
}

#map = affine_map<(d0, d1) -> (0, 0)>
module attributes {stable_mosaic.version = 14 : i64} {
  func.func @_sc_degree(%arg0: i32, %arg1: i32, %arg2: memref<32x10240xi32, #tpu.memory_space<hbm>>, %arg3: memref<32x10240xf32, #tpu.memory_space<hbm>>, %arg4: memref<10240xi32, #tpu.memory_space<vmem>>, %arg5: memref<10240xf32, #tpu.memory_space<vmem>>) attributes {dimension_semantics = [#tpu.dimension_semantics<core_parallel>, #tpu.dimension_semantics<subcore_parallel>], iteration_bounds = array<i64: 2, 16>, scalar_prefetch = 0 : i64, scratch_operands = 2 : i64, tpu.core_type = #tpu.core_type<sc_vector_subcore>, window_params = [{transform_indices = #map}, {transform_indices = #map}]} {
    %mul3A = arith.constant 2 : i32
    %mul3A_0 = arith.muli %arg1, %mul3A : i32
    %add3A = arith.addi %mul3A_0, %arg0 : i32
    %broadcast_in_dim3A = arith.constant 0.000000e+00 : f32
    %broadcast_in_dim3A_1 = vector.broadcast %broadcast_in_dim3A : f32 to vector<16xf32>
    %scan3A = arith.constant 0 : i32
    %scan3A_2 = arith.constant 640 : i32
    %scan3A_3 = arith.addi %scan3A, %scan3A_2 : i32
    %scan3A_4 = arith.constant 1 : i32
    scf.for %scan3A_13 = %scan3A to %scan3A_3 step %scan3A_4  : i32 {
      %mul3A_14 = arith.constant 1 : i32
      %mul3A_15 = arith.muli %scan3A_13, %mul3A_14 : i32
      %add3A_16 = arith.constant 0 : i32
      %add3A_17 = arith.addi %add3A_16, %mul3A_15 : i32
      %mul3A_18 = arith.constant 16 : i32
      %mul3A_19 = arith.muli %add3A_17, %mul3A_18 : i32
      %swap3A = arith.index_cast %mul3A_19 : i32 to index
      %swap3A_20 = tpu.vector_load %arg5[%swap3A] {strides = array<i32>} : memref<10240xf32, #tpu.memory_space<vmem>>, vector<16xf32>,
      tpu.vector_store %arg5[%swap3A], %broadcast_in_dim3A_1 {strides = array<i32>} : memref<10240xf32, #tpu.memory_space<vmem>>, vector<16xf32>,
    }
    %scan3A_5 = arith.constant 640 : i32
    "tpu.region"() ({
      %run_scoped3A = tpu.sem_alloc : memref<!tpu.dma_semaphore, #tpu.memory_space<semaphore_mem>>
      %dma_start3A = arith.constant 0 : i32
      %dma_start3A_13 = tpu.memref_slice %arg2[%add3A, %dma_start3A] : memref<32x10240xi32, #tpu.memory_space<hbm>> -> memref<1x10240xi32, #tpu.memory_space<hbm>>
      %dma_start3A_14 = tpu.memref_squeeze %dma_start3A_13 : memref<1x10240xi32, #tpu.memory_space<hbm>> -> memref<10240xi32, #tpu.memory_space<hbm>>
      %dma_start3A_15 = arith.constant 0 : i32
      %dma_start3A_16 = tpu.memref_slice %arg2[%add3A, %dma_start3A_15] : memref<32x10240xi32, #tpu.memory_space<hbm>> -> memref<1x10240xi32, #tpu.memory_space<hbm>>
      %dma_start3A_17 = tpu.memref_squeeze %dma_start3A_16 : memref<1x10240xi32, #tpu.memory_space<hbm>> -> memref<10240xi32, #tpu.memory_space<hbm>>
      tpu.enqueue_dma source(%dma_start3A_17 : memref<10240xi32, #tpu.memory_space<hbm>>) target(%arg4 : memref<10240xi32, #tpu.memory_space<vmem>>) target_semaphore(%run_scoped3A : memref<!tpu.dma_semaphore, #tpu.memory_space<semaphore_mem>>)
      %dma_wait3A = arith.constant 0 : i32
      %dma_wait3A_18 = tpu.memref_slice %arg2[%add3A, %dma_wait3A] : memref<32x10240xi32, #tpu.memory_space<hbm>> -> memref<1x10240xi32, #tpu.memory_space<hbm>>
      %dma_wait3A_19 = tpu.memref_squeeze %dma_wait3A_18 : memref<1x10240xi32, #tpu.memory_space<hbm>> -> memref<10240xi32, #tpu.memory_space<hbm>>
      %dma_wait3A_20 = arith.constant 0 : i32
      %dma_wait3A_21 = tpu.memref_slice %arg2[%add3A, %dma_wait3A_20] : memref<32x10240xi32, #tpu.memory_space<hbm>> -> memref<1x10240xi32, #tpu.memory_space<hbm>>
      %dma_wait3A_22 = tpu.memref_squeeze %dma_wait3A_21 : memref<1x10240xi32, #tpu.memory_space<hbm>> -> memref<10240xi32, #tpu.memory_space<hbm>>
      tpu.wait_dma2 semaphore(%run_scoped3A : memref<!tpu.dma_semaphore, #tpu.memory_space<semaphore_mem>>) src(%dma_wait3A_22 : memref<10240xi32, #tpu.memory_space<hbm>>) dst(%arg4 : memref<10240xi32, #tpu.memory_space<vmem>>)
      tpu.yield
    }) : () -> ()
    %broadcast_in_dim3A_6 = arith.constant 1.000000e+00 : f32
    %broadcast_in_dim3A_7 = vector.broadcast %broadcast_in_dim3A_6 : f32 to vector<16xf32>
    %scan3A_8 = arith.constant 0 : i32
    %scan3A_9 = arith.constant 640 : i32
    %scan3A_10 = arith.addi %scan3A_8, %scan3A_9 : i32
    %scan3A_11 = arith.constant 1 : i32
    scf.for %scan3A_13 = %scan3A_8 to %scan3A_10 step %scan3A_11  : i32 {
      %mul3A_14 = arith.constant 1 : i32
      %mul3A_15 = arith.muli %scan3A_13, %mul3A_14 : i32
      %add3A_16 = arith.constant 0 : i32
      %add3A_17 = arith.addi %add3A_16, %mul3A_15 : i32
      %mul3A_18 = arith.constant 16 : i32
      %mul3A_19 = arith.muli %add3A_17, %mul3A_18 : i32
      %get3A = arith.index_cast %mul3A_19 : i32 to index
      %get3A_20 = tpu.vector_load %arg4[%get3A] {strides = array<i32>} : memref<10240xi32, #tpu.memory_space<vmem>>, vector<16xi32>,
      tpu.vector_store_idx %arg5[%get3A_20], %broadcast_in_dim3A_7 {add = true} : memref<10240xf32, #tpu.memory_space<vmem>>[vector<16xi32>], vector<16xf32>,
    }
    %scan3A_12 = arith.constant 640 : i32
    "tpu.region"() ({
      %run_scoped3A = tpu.sem_alloc : memref<!tpu.dma_semaphore, #tpu.memory_space<semaphore_mem>>
      %dma_start3A = arith.constant 0 : i32
      %dma_start3A_13 = tpu.memref_slice %arg3[%add3A, %dma_start3A] : memref<32x10240xf32, #tpu.memory_space<hbm>> -> memref<1x10240xf32, #tpu.memory_space<hbm>>
      %dma_start3A_14 = tpu.memref_squeeze %dma_start3A_13 : memref<1x10240xf32, #tpu.memory_space<hbm>> -> memref<10240xf32, #tpu.memory_space<hbm>>
      %dma_start3A_15 = arith.constant 0 : i32
      %dma_start3A_16 = tpu.memref_slice %arg3[%add3A, %dma_start3A_15] : memref<32x10240xf32, #tpu.memory_space<hbm>> -> memref<1x10240xf32, #tpu.memory_space<hbm>>
      %dma_start3A_17 = tpu.memref_squeeze %dma_start3A_16 : memref<1x10240xf32, #tpu.memory_space<hbm>> -> memref<10240xf32, #tpu.memory_space<hbm>>
      tpu.enqueue_dma source(%arg5 : memref<10240xf32, #tpu.memory_space<vmem>>) target(%dma_start3A_17 : memref<10240xf32, #tpu.memory_space<hbm>>) target_semaphore(%run_scoped3A : memref<!tpu.dma_semaphore, #tpu.memory_space<semaphore_mem>>)
      %dma_wait3A = arith.constant 0 : i32
      %dma_wait3A_18 = tpu.memref_slice %arg3[%add3A, %dma_wait3A] : memref<32x10240xf32, #tpu.memory_space<hbm>> -> memref<1x10240xf32, #tpu.memory_space<hbm>>
      %dma_wait3A_19 = tpu.memref_squeeze %dma_wait3A_18 : memref<1x10240xf32, #tpu.memory_space<hbm>> -> memref<10240xf32, #tpu.memory_space<hbm>>
      %dma_wait3A_20 = arith.constant 0 : i32
      %dma_wait3A_21 = tpu.memref_slice %arg3[%add3A, %dma_wait3A_20] : memref<32x10240xf32, #tpu.memory_space<hbm>> -> memref<1x10240xf32, #tpu.memory_space<hbm>>
      %dma_wait3A_22 = tpu.memref_squeeze %dma_wait3A_21 : memref<1x10240xf32, #tpu.memory_space<hbm>> -> memref<10240xf32, #tpu.memory_space<hbm>>
      tpu.wait_dma2 semaphore(%run_scoped3A : memref<!tpu.dma_semaphore, #tpu.memory_space<semaphore_mem>>) src(%arg5 : memref<10240xf32, #tpu.memory_space<vmem>>) dst(%dma_wait3A_22 : memref<10240xf32, #tpu.memory_space<hbm>>)
      tpu.yield
    }) : () -> ()
    return
  }
}

#map = affine_map<(d0, d1) -> (0, 0)>
#map1 = affine_map<(d0, d1) -> (0, 0, 0)>
module attributes {stable_mosaic.version = 14 : i64} {
  func.func @_sc_propagate(%arg0: i32, %arg1: i32, %arg2: memref<10240x48xf32, #tpu.memory_space<hbm>>, %arg3: memref<32x80x128xi32, #tpu.memory_space<hbm>>, %arg4: memref<32x80x128xi32, #tpu.memory_space<hbm>>, %arg5: memref<2x10240x48xf32, #tpu.memory_space<hbm>>, %arg6: memref<10240x48xf32, #tpu.memory_space<vmem_shared>>, %arg7: memref<80x128xi32, #tpu.memory_space<vmem>>, %arg8: memref<80x128xi32, #tpu.memory_space<vmem>>, %arg9: memref<128x48xf32, #tpu.memory_space<vmem>>, %arg10: memref<128x48xf32, #tpu.memory_space<vmem>>, %arg11: memref<128x48xf32, #tpu.memory_space<vmem>>, %arg12: memref<128x48xf32, #tpu.memory_space<vmem>>, %arg13: memref<128x48xf32, #tpu.memory_space<vmem>>, %arg14: memref<128x48xf32, #tpu.memory_space<vmem>>, %arg15: memref<128x48xf32, #tpu.memory_space<vmem>>, %arg16: memref<128x48xf32, #tpu.memory_space<vmem>>, %arg17: memref<640x48xf32, #tpu.memory_space<vmem>>, %arg18: memref<!tpu.dma_semaphore, #tpu.memory_space<semaphore_mem>>, %arg19: memref<!tpu.dma_semaphore, #tpu.memory_space<semaphore_mem>>, %arg20: memref<!tpu.dma_semaphore, #tpu.memory_space<semaphore_mem>>, %arg21: memref<!tpu.dma_semaphore, #tpu.memory_space<semaphore_mem>>, %arg22: memref<!tpu.dma_semaphore, #tpu.memory_space<semaphore_mem>>, %arg23: memref<!tpu.dma_semaphore, #tpu.memory_space<semaphore_mem>>, %arg24: memref<!tpu.dma_semaphore, #tpu.memory_space<semaphore_mem>>, %arg25: memref<!tpu.dma_semaphore, #tpu.memory_space<semaphore_mem>>, %arg26: memref<!tpu.dma_semaphore, #tpu.memory_space<semaphore_mem>>, %arg27: memref<!tpu.dma_semaphore, #tpu.memory_space<semaphore_mem>>, %arg28: memref<!tpu.dma_semaphore, #tpu.memory_space<semaphore_mem>>, %arg29: memref<!tpu.dma_semaphore, #tpu.memory_space<semaphore_mem>>, %arg30: memref<!tpu.dma_semaphore, #tpu.memory_space<semaphore_mem>>, %arg31: memref<!tpu.dma_semaphore, #tpu.memory_space<semaphore_mem>>, %arg32: memref<!tpu.dma_semaphore, #tpu.memory_space<semaphore_mem>>, %arg33: memref<!tpu.dma_semaphore, #tpu.memory_space<semaphore_mem>>) attributes {dimension_semantics = [#tpu.dimension_semantics<core_parallel>, #tpu.dimension_semantics<subcore_parallel>], iteration_bounds = array<i64: 2, 16>, scalar_prefetch = 0 : i64, scratch_operands = 28 : i64, tpu.core_type = #tpu.core_type<sc_vector_subcore>, window_params = [{transform_indices = #map}, {transform_indices = #map1}, {transform_indices = #map1}, {transform_indices = #map1}]} {
    %mul3A = arith.constant 2 : i32
    %mul3A_0 = arith.muli %arg1, %mul3A : i32
    %add3A = arith.addi %mul3A_0, %arg0 : i32
    %broadcast_in_dim3A = arith.constant 0.000000e+00 : f32
    %broadcast_in_dim3A_1 = vector.broadcast %broadcast_in_dim3A : f32 to vector<16xf32>
    %scan3A = arith.constant 0 : i32
    %scan3A_2 = arith.constant 640 : i32
    %scan3A_3 = arith.addi %scan3A, %scan3A_2 : i32
    %scan3A_4 = arith.constant 1 : i32
    scf.for %scan3A_72 = %scan3A to %scan3A_3 step %scan3A_4  : i32 {
      %mul3A_73 = arith.constant 1 : i32
      %mul3A_74 = arith.muli %scan3A_72, %mul3A_73 : i32
      %add3A_75 = arith.constant 0 : i32
      %add3A_76 = arith.addi %add3A_75, %mul3A_74 : i32
      %swap3A = arith.index_cast %add3A_76 : i32 to index
      %swap3A_77 = arith.constant 0 : index
      %swap3A_78 = tpu.vector_load %arg17[%swap3A, %swap3A_77] {strides = array<i32>} : memref<640x48xf32, #tpu.memory_space<vmem>>, vector<16xf32>,
      tpu.vector_store %arg17[%swap3A, %swap3A_77], %broadcast_in_dim3A_1 {strides = array<i32>} : memref<640x48xf32, #tpu.memory_space<vmem>>, vector<16xf32>,
      %swap3A_79 = arith.index_cast %add3A_76 : i32 to index
      %swap3A_80 = arith.constant 16 : index
      %swap3A_81 = tpu.vector_load %arg17[%swap3A_79, %swap3A_80] {strides = array<i32>} : memref<640x48xf32, #tpu.memory_space<vmem>>, vector<16xf32>,
      tpu.vector_store %arg17[%swap3A_79, %swap3A_80], %broadcast_in_dim3A_1 {strides = array<i32>} : memref<640x48xf32, #tpu.memory_space<vmem>>, vector<16xf32>,
      %swap3A_82 = arith.index_cast %add3A_76 : i32 to index
      %swap3A_83 = arith.constant 32 : index
      %swap3A_84 = tpu.vector_load %arg17[%swap3A_82, %swap3A_83] {strides = array<i32>} : memref<640x48xf32, #tpu.memory_space<vmem>>, vector<16xf32>,
      tpu.vector_store %arg17[%swap3A_82, %swap3A_83], %broadcast_in_dim3A_1 {strides = array<i32>} : memref<640x48xf32, #tpu.memory_space<vmem>>, vector<16xf32>,
    }
    %scan3A_5 = arith.constant 640 : i32
    %mul3A_6 = arith.constant 640 : i32
    %mul3A_7 = arith.muli %arg1, %mul3A_6 : i32
    "tpu.region"() ({
      %run_scoped3A = tpu.sem_alloc : memref<!tpu.dma_semaphore, #tpu.memory_space<semaphore_mem>>
      %dma_start3A_72 = arith.constant 0 : i32
      %dma_start3A_73 = tpu.memref_slice %arg6[%mul3A_7, %dma_start3A_72] : memref<10240x48xf32, #tpu.memory_space<vmem_shared>> -> memref<640x48xf32, #tpu.memory_space<vmem_shared>>
      %dma_start3A_74 = arith.constant 0 : i32
      %dma_start3A_75 = tpu.memref_slice %arg6[%mul3A_7, %dma_start3A_74] : memref<10240x48xf32, #tpu.memory_space<vmem_shared>> -> memref<640x48xf32, #tpu.memory_space<vmem_shared>>
      tpu.enqueue_dma source(%arg17 : memref<640x48xf32, #tpu.memory_space<vmem>>) target(%dma_start3A_75 : memref<640x48xf32, #tpu.memory_space<vmem_shared>>) target_semaphore(%run_scoped3A : memref<!tpu.dma_semaphore, #tpu.memory_space<semaphore_mem>>)
      %dma_wait3A_76 = arith.constant 0 : i32
      %dma_wait3A_77 = tpu.memref_slice %arg6[%mul3A_7, %dma_wait3A_76] : memref<10240x48xf32, #tpu.memory_space<vmem_shared>> -> memref<640x48xf32, #tpu.memory_space<vmem_shared>>
      %dma_wait3A_78 = arith.constant 0 : i32
      %dma_wait3A_79 = tpu.memref_slice %arg6[%mul3A_7, %dma_wait3A_78] : memref<10240x48xf32, #tpu.memory_space<vmem_shared>> -> memref<640x48xf32, #tpu.memory_space<vmem_shared>>
      tpu.wait_dma2 semaphore(%run_scoped3A : memref<!tpu.dma_semaphore, #tpu.memory_space<semaphore_mem>>) src(%arg17 : memref<640x48xf32, #tpu.memory_space<vmem>>) dst(%dma_wait3A_79 : memref<640x48xf32, #tpu.memory_space<vmem_shared>>)
      tpu.yield
    }) : () -> ()
    "tpu.region"() ({
      %run_scoped3A = tpu.sem_alloc : memref<!tpu.dma_semaphore, #tpu.memory_space<semaphore_mem>>
      %dma_start3A_72 = arith.constant 0 : i32
      %dma_start3A_73 = arith.constant 0 : i32
      %dma_start3A_74 = tpu.memref_slice %arg3[%add3A, %dma_start3A_72, %dma_start3A_73] : memref<32x80x128xi32, #tpu.memory_space<hbm>> -> memref<1x80x128xi32, #tpu.memory_space<hbm>>
      %dma_start3A_75 = tpu.memref_squeeze %dma_start3A_74 : memref<1x80x128xi32, #tpu.memory_space<hbm>> -> memref<80x128xi32, #tpu.memory_space<hbm>>
      %dma_start3A_76 = arith.constant 0 : i32
      %dma_start3A_77 = arith.constant 0 : i32
      %dma_start3A_78 = tpu.memref_slice %arg3[%add3A, %dma_start3A_76, %dma_start3A_77] : memref<32x80x128xi32, #tpu.memory_space<hbm>> -> memref<1x80x128xi32, #tpu.memory_space<hbm>>
      %dma_start3A_79 = tpu.memref_squeeze %dma_start3A_78 : memref<1x80x128xi32, #tpu.memory_space<hbm>> -> memref<80x128xi32, #tpu.memory_space<hbm>>
      tpu.enqueue_dma source(%dma_start3A_79 : memref<80x128xi32, #tpu.memory_space<hbm>>) target(%arg7 : memref<80x128xi32, #tpu.memory_space<vmem>>) target_semaphore(%run_scoped3A : memref<!tpu.dma_semaphore, #tpu.memory_space<semaphore_mem>>)
      %dma_wait3A_80 = arith.constant 0 : i32
      %dma_wait3A_81 = arith.constant 0 : i32
      %dma_wait3A_82 = tpu.memref_slice %arg3[%add3A, %dma_wait3A_80, %dma_wait3A_81] : memref<32x80x128xi32, #tpu.memory_space<hbm>> -> memref<1x80x128xi32, #tpu.memory_space<hbm>>
      %dma_wait3A_83 = tpu.memref_squeeze %dma_wait3A_82 : memref<1x80x128xi32, #tpu.memory_space<hbm>> -> memref<80x128xi32, #tpu.memory_space<hbm>>
      %dma_wait3A_84 = arith.constant 0 : i32
      %dma_wait3A_85 = arith.constant 0 : i32
      %dma_wait3A_86 = tpu.memref_slice %arg3[%add3A, %dma_wait3A_84, %dma_wait3A_85] : memref<32x80x128xi32, #tpu.memory_space<hbm>> -> memref<1x80x128xi32, #tpu.memory_space<hbm>>
      %dma_wait3A_87 = tpu.memref_squeeze %dma_wait3A_86 : memref<1x80x128xi32, #tpu.memory_space<hbm>> -> memref<80x128xi32, #tpu.memory_space<hbm>>
      tpu.wait_dma2 semaphore(%run_scoped3A : memref<!tpu.dma_semaphore, #tpu.memory_space<semaphore_mem>>) src(%dma_wait3A_87 : memref<80x128xi32, #tpu.memory_space<hbm>>) dst(%arg7 : memref<80x128xi32, #tpu.memory_space<vmem>>)
      tpu.yield
    }) : () -> ()
    "tpu.region"() ({
      %run_scoped3A = tpu.sem_alloc : memref<!tpu.dma_semaphore, #tpu.memory_space<semaphore_mem>>
      %dma_start3A_72 = arith.constant 0 : i32
      %dma_start3A_73 = arith.constant 0 : i32
      %dma_start3A_74 = tpu.memref_slice %arg4[%add3A, %dma_start3A_72, %dma_start3A_73] : memref<32x80x128xi32, #tpu.memory_space<hbm>> -> memref<1x80x128xi32, #tpu.memory_space<hbm>>
      %dma_start3A_75 = tpu.memref_squeeze %dma_start3A_74 : memref<1x80x128xi32, #tpu.memory_space<hbm>> -> memref<80x128xi32, #tpu.memory_space<hbm>>
      %dma_start3A_76 = arith.constant 0 : i32
      %dma_start3A_77 = arith.constant 0 : i32
      %dma_start3A_78 = tpu.memref_slice %arg4[%add3A, %dma_start3A_76, %dma_start3A_77] : memref<32x80x128xi32, #tpu.memory_space<hbm>> -> memref<1x80x128xi32, #tpu.memory_space<hbm>>
      %dma_start3A_79 = tpu.memref_squeeze %dma_start3A_78 : memref<1x80x128xi32, #tpu.memory_space<hbm>> -> memref<80x128xi32, #tpu.memory_space<hbm>>
      tpu.enqueue_dma source(%dma_start3A_79 : memref<80x128xi32, #tpu.memory_space<hbm>>) target(%arg8 : memref<80x128xi32, #tpu.memory_space<vmem>>) target_semaphore(%run_scoped3A : memref<!tpu.dma_semaphore, #tpu.memory_space<semaphore_mem>>)
      %dma_wait3A_80 = arith.constant 0 : i32
      %dma_wait3A_81 = arith.constant 0 : i32
      %dma_wait3A_82 = tpu.memref_slice %arg4[%add3A, %dma_wait3A_80, %dma_wait3A_81] : memref<32x80x128xi32, #tpu.memory_space<hbm>> -> memref<1x80x128xi32, #tpu.memory_space<hbm>>
      %dma_wait3A_83 = tpu.memref_squeeze %dma_wait3A_82 : memref<1x80x128xi32, #tpu.memory_space<hbm>> -> memref<80x128xi32, #tpu.memory_space<hbm>>
      %dma_wait3A_84 = arith.constant 0 : i32
      %dma_wait3A_85 = arith.constant 0 : i32
      %dma_wait3A_86 = tpu.memref_slice %arg4[%add3A, %dma_wait3A_84, %dma_wait3A_85] : memref<32x80x128xi32, #tpu.memory_space<hbm>> -> memref<1x80x128xi32, #tpu.memory_space<hbm>>
      %dma_wait3A_87 = tpu.memref_squeeze %dma_wait3A_86 : memref<1x80x128xi32, #tpu.memory_space<hbm>> -> memref<80x128xi32, #tpu.memory_space<hbm>>
      tpu.wait_dma2 semaphore(%run_scoped3A : memref<!tpu.dma_semaphore, #tpu.memory_space<semaphore_mem>>) src(%dma_wait3A_87 : memref<80x128xi32, #tpu.memory_space<hbm>>) dst(%arg8 : memref<80x128xi32, #tpu.memory_space<vmem>>)
      tpu.yield
    }) : () -> ()
    %barrier3A = arith.constant 0 : index
    tpu.barrier barrier_id(%barrier3A)
    %dma_start3A = arith.constant 0 : i32
    %dma_start3A_8 = arith.constant 0 : i32
    %dma_start3A_9 = tpu.memref_slice %arg7[%dma_start3A, %dma_start3A_8] : memref<80x128xi32, #tpu.memory_space<vmem>> -> memref<1x128xi32, #tpu.memory_space<vmem>>
    %dma_start3A_10 = tpu.memref_squeeze %dma_start3A_9 : memref<1x128xi32, #tpu.memory_space<vmem>> -> memref<128xi32, #tpu.memory_space<vmem>>
    %dma_start3A_11 = arith.constant 0 : i32
    %dma_start3A_12 = arith.constant 0 : i32
    %dma_start3A_13 = tpu.memref_slice %arg2[%dma_start3A_11, %dma_start3A_12] : memref<10240x48xf32, #tpu.memory_space<hbm>> -> memref<10240x48xf32, #tpu.memory_space<hbm>>
    tpu.enqueue_indirect_dma source(%dma_start3A_13 : memref<10240x48xf32, #tpu.memory_space<hbm>>) target(%arg9 : memref<128x48xf32, #tpu.memory_space<vmem>>) offsets(%dma_start3A_10 : memref<128xi32, #tpu.memory_space<vmem>>) semaphore(%arg18 : memref<!tpu.dma_semaphore, #tpu.memory_space<semaphore_mem>>)
    %dma_start3A_14 = arith.constant 1 : i32
    %dma_start3A_15 = arith.constant 0 : i32
    %dma_start3A_16 = tpu.memref_slice %arg7[%dma_start3A_14, %dma_start3A_15] : memref<80x128xi32, #tpu.memory_space<vmem>> -> memref<1x128xi32, #tpu.memory_space<vmem>>
    %dma_start3A_17 = tpu.memref_squeeze %dma_start3A_16 : memref<1x128xi32, #tpu.memory_space<vmem>> -> memref<128xi32, #tpu.memory_space<vmem>>
    %dma_start3A_18 = arith.constant 0 : i32
    %dma_start3A_19 = arith.constant 0 : i32
    %dma_start3A_20 = tpu.memref_slice %arg2[%dma_start3A_18, %dma_start3A_19] : memref<10240x48xf32, #tpu.memory_space<hbm>> -> memref<10240x48xf32, #tpu.memory_space<hbm>>
    tpu.enqueue_indirect_dma source(%dma_start3A_20 : memref<10240x48xf32, #tpu.memory_space<hbm>>) target(%arg10 : memref<128x48xf32, #tpu.memory_space<vmem>>) offsets(%dma_start3A_17 : memref<128xi32, #tpu.memory_space<vmem>>) semaphore(%arg19 : memref<!tpu.dma_semaphore, #tpu.memory_space<semaphore_mem>>)
    %dma_start3A_21 = arith.constant 2 : i32
    %dma_start3A_22 = arith.constant 0 : i32
    %dma_start3A_23 = tpu.memref_slice %arg7[%dma_start3A_21, %dma_start3A_22] : memref<80x128xi32, #tpu.memory_space<vmem>> -> memref<1x128xi32, #tpu.memory_space<vmem>>
    %dma_start3A_24 = tpu.memref_squeeze %dma_start3A_23 : memref<1x128xi32, #tpu.memory_space<vmem>> -> memref<128xi32, #tpu.memory_space<vmem>>
    %dma_start3A_25 = arith.constant 0 : i32
    %dma_start3A_26 = arith.constant 0 : i32
    %dma_start3A_27 = tpu.memref_slice %arg2[%dma_start3A_25, %dma_start3A_26] : memref<10240x48xf32, #tpu.memory_space<hbm>> -> memref<10240x48xf32, #tpu.memory_space<hbm>>
    tpu.enqueue_indirect_dma source(%dma_start3A_27 : memref<10240x48xf32, #tpu.memory_space<hbm>>) target(%arg11 : memref<128x48xf32, #tpu.memory_space<vmem>>) offsets(%dma_start3A_24 : memref<128xi32, #tpu.memory_space<vmem>>) semaphore(%arg20 : memref<!tpu.dma_semaphore, #tpu.memory_space<semaphore_mem>>)
    %dma_start3A_28 = arith.constant 3 : i32
    %dma_start3A_29 = arith.constant 0 : i32
    %dma_start3A_30 = tpu.memref_slice %arg7[%dma_start3A_28, %dma_start3A_29] : memref<80x128xi32, #tpu.memory_space<vmem>> -> memref<1x128xi32, #tpu.memory_space<vmem>>
    %dma_start3A_31 = tpu.memref_squeeze %dma_start3A_30 : memref<1x128xi32, #tpu.memory_space<vmem>> -> memref<128xi32, #tpu.memory_space<vmem>>
    %dma_start3A_32 = arith.constant 0 : i32
    %dma_start3A_33 = arith.constant 0 : i32
    %dma_start3A_34 = tpu.memref_slice %arg2[%dma_start3A_32, %dma_start3A_33] : memref<10240x48xf32, #tpu.memory_space<hbm>> -> memref<10240x48xf32, #tpu.memory_space<hbm>>
    tpu.enqueue_indirect_dma source(%dma_start3A_34 : memref<10240x48xf32, #tpu.memory_space<hbm>>) target(%arg12 : memref<128x48xf32, #tpu.memory_space<vmem>>) offsets(%dma_start3A_31 : memref<128xi32, #tpu.memory_space<vmem>>) semaphore(%arg21 : memref<!tpu.dma_semaphore, #tpu.memory_space<semaphore_mem>>)
    %scan3A_35 = arith.constant 0 : i32
    %scan3A_36 = arith.constant 10 : i32
    %scan3A_37 = arith.addi %scan3A_35, %scan3A_36 : i32
    %scan3A_38 = arith.constant 1 : i32
    scf.for %scan3A_72 = %scan3A_35 to %scan3A_37 step %scan3A_38  : i32 {
      %mul3A_73 = arith.constant 1 : i32
      %mul3A_74 = arith.muli %scan3A_72, %mul3A_73 : i32
      %add3A_75 = arith.constant 0 : i32
      %add3A_76 = arith.addi %add3A_75, %mul3A_74 : i32
      %mul3A_77 = arith.constant 8 : i32
      %mul3A_78 = arith.muli %add3A_76, %mul3A_77 : i32
      %add3A_79 = arith.constant 0 : i32
      %add3A_80 = arith.addi %mul3A_78, %add3A_79 : i32
      %dma_wait3A_81 = arith.constant 0 : i32
      %dma_wait3A_82 = tpu.memref_slice %arg7[%add3A_80, %dma_wait3A_81] : memref<80x128xi32, #tpu.memory_space<vmem>> -> memref<1x128xi32, #tpu.memory_space<vmem>>
      %dma_wait3A_83 = tpu.memref_squeeze %dma_wait3A_82 : memref<1x128xi32, #tpu.memory_space<vmem>> -> memref<128xi32, #tpu.memory_space<vmem>>
      %dma_wait3A_84 = arith.constant 0 : i32
      %dma_wait3A_85 = arith.constant 0 : i32
      %dma_wait3A_86 = tpu.memref_slice %arg2[%dma_wait3A_84, %dma_wait3A_85] : memref<10240x48xf32, #tpu.memory_space<hbm>> -> memref<10240x48xf32, #tpu.memory_space<hbm>>
      tpu.wait_indirect_dma semaphore(%arg18 : memref<!tpu.dma_semaphore, #tpu.memory_space<semaphore_mem>>) src(%dma_wait3A_86 : memref<10240x48xf32, #tpu.memory_space<hbm>>) dst(%arg9 : memref<128x48xf32, #tpu.memory_space<vmem>>)
      %dma_start3A_87 = arith.constant 0 : i32
      %dma_start3A_88 = tpu.memref_slice %arg8[%add3A_80, %dma_start3A_87] : memref<80x128xi32, #tpu.memory_space<vmem>> -> memref<1x128xi32, #tpu.memory_space<vmem>>
      %dma_start3A_89 = tpu.memref_squeeze %dma_start3A_88 : memref<1x128xi32, #tpu.memory_space<vmem>> -> memref<128xi32, #tpu.memory_space<vmem>>
      %dma_start3A_90 = arith.constant 0 : i32
      %dma_start3A_91 = arith.constant 0 : i32
      %dma_start3A_92 = tpu.memref_slice %arg6[%dma_start3A_90, %dma_start3A_91] : memref<10240x48xf32, #tpu.memory_space<vmem_shared>> -> memref<10240x48xf32, #tpu.memory_space<vmem_shared>>
      tpu.enqueue_indirect_dma source(%arg9 : memref<128x48xf32, #tpu.memory_space<vmem>>) target(%dma_start3A_92 : memref<10240x48xf32, #tpu.memory_space<vmem_shared>>) offsets(%dma_start3A_89 : memref<128xi32, #tpu.memory_space<vmem>>) semaphore(%arg26 : memref<!tpu.dma_semaphore, #tpu.memory_space<semaphore_mem>>) {add = true}
      %gt3A = arith.constant 0 : i32
      %gt3A_93 = arith.cmpi sgt, %add3A_76, %gt3A : i32
      %convert_element_type3A = arith.extui %gt3A_93 : i1 to i32
      %cond3A = arith.constant 0 : i32
      %cond3A_94 = arith.cmpi ne, %convert_element_type3A, %cond3A : i32
      scf.if %cond3A_94 {
        %sub3A_304 = arith.constant 4 : i32
        %sub3A_305 = arith.subi %add3A_80, %sub3A_304 : i32
        %dma_wait3A_306 = arith.constant 0 : i32
        %dma_wait3A_307 = tpu.memref_slice %arg8[%sub3A_305, %dma_wait3A_306] : memref<80x128xi32, #tpu.memory_space<vmem>> -> memref<1x128xi32, #tpu.memory_space<vmem>>
        %dma_wait3A_308 = tpu.memref_squeeze %dma_wait3A_307 : memref<1x128xi32, #tpu.memory_space<vmem>> -> memref<128xi32, #tpu.memory_space<vmem>>
        %dma_wait3A_309 = arith.constant 0 : i32
        %dma_wait3A_310 = arith.constant 0 : i32
        %dma_wait3A_311 = tpu.memref_slice %arg6[%dma_wait3A_309, %dma_wait3A_310] : memref<10240x48xf32, #tpu.memory_space<vmem_shared>> -> memref<10240x48xf32, #tpu.memory_space<vmem_shared>>
        tpu.wait_indirect_dma semaphore(%arg30 : memref<!tpu.dma_semaphore, #tpu.memory_space<semaphore_mem>>) src(%arg13 : memref<128x48xf32, #tpu.memory_space<vmem>>) dst(%dma_wait3A_311 : memref<10240x48xf32, #tpu.memory_space<vmem_shared>>)
      } else {
      }
      %add3A_95 = arith.constant 4 : i32
      %add3A_96 = arith.addi %add3A_80, %add3A_95 : i32
      %dma_start3A_97 = arith.constant 0 : i32
      %dma_start3A_98 = tpu.memref_slice %arg7[%add3A_96, %dma_start3A_97] : memref<80x128xi32, #tpu.memory_space<vmem>> -> memref<1x128xi32, #tpu.memory_space<vmem>>
      %dma_start3A_99 = tpu.memref_squeeze %dma_start3A_98 : memref<1x128xi32, #tpu.memory_space<vmem>> -> memref<128xi32, #tpu.memory_space<vmem>>
      %dma_start3A_100 = arith.constant 0 : i32
      %dma_start3A_101 = arith.constant 0 : i32
      %dma_start3A_102 = tpu.memref_slice %arg2[%dma_start3A_100, %dma_start3A_101] : memref<10240x48xf32, #tpu.memory_space<hbm>> -> memref<10240x48xf32, #tpu.memory_space<hbm>>
      tpu.enqueue_indirect_dma source(%dma_start3A_102 : memref<10240x48xf32, #tpu.memory_space<hbm>>) target(%arg13 : memref<128x48xf32, #tpu.memory_space<vmem>>) offsets(%dma_start3A_99 : memref<128xi32, #tpu.memory_space<vmem>>) semaphore(%arg22 : memref<!tpu.dma_semaphore, #tpu.memory_space<semaphore_mem>>)
      %mul3A_103 = arith.constant 8 : i32
      %mul3A_104 = arith.muli %add3A_76, %mul3A_103 : i32
      %add3A_105 = arith.constant 1 : i32
      %add3A_106 = arith.addi %mul3A_104, %add3A_105 : i32
      %dma_wait3A_107 = arith.constant 0 : i32
      %dma_wait3A_108 = tpu.memref_slice %arg7[%add3A_106, %dma_wait3A_107] : memref<80x128xi32, #tpu.memory_space<vmem>> -> memref<1x128xi32, #tpu.memory_space<vmem>>
      %dma_wait3A_109 = tpu.memref_squeeze %dma_wait3A_108 : memref<1x128xi32, #tpu.memory_space<vmem>> -> memref<128xi32, #tpu.memory_space<vmem>>
      %dma_wait3A_110 = arith.constant 0 : i32
      %dma_wait3A_111 = arith.constant 0 : i32
      %dma_wait3A_112 = tpu.memref_slice %arg2[%dma_wait3A_110, %dma_wait3A_111] : memref<10240x48xf32, #tpu.memory_space<hbm>> -> memref<10240x48xf32, #tpu.memory_space<hbm>>
      tpu.wait_indirect_dma semaphore(%arg19 : memref<!tpu.dma_semaphore, #tpu.memory_space<semaphore_mem>>) src(%dma_wait3A_112 : memref<10240x48xf32, #tpu.memory_space<hbm>>) dst(%arg10 : memref<128x48xf32, #tpu.memory_space<vmem>>)
      %dma_start3A_113 = arith.constant 0 : i32
      %dma_start3A_114 = tpu.memref_slice %arg8[%add3A_106, %dma_start3A_113] : memref<80x128xi32, #tpu.memory_space<vmem>> -> memref<1x128xi32, #tpu.memory_space<vmem>>
      %dma_start3A_115 = tpu.memref_squeeze %dma_start3A_114 : memref<1x128xi32, #tpu.memory_space<vmem>> -> memref<128xi32, #tpu.memory_space<vmem>>
      %dma_start3A_116 = arith.constant 0 : i32
      %dma_start3A_117 = arith.constant 0 : i32
      %dma_start3A_118 = tpu.memref_slice %arg6[%dma_start3A_116, %dma_start3A_117] : memref<10240x48xf32, #tpu.memory_space<vmem_shared>> -> memref<10240x48xf32, #tpu.memory_space<vmem_shared>>
      tpu.enqueue_indirect_dma source(%arg10 : memref<128x48xf32, #tpu.memory_space<vmem>>) target(%dma_start3A_118 : memref<10240x48xf32, #tpu.memory_space<vmem_shared>>) offsets(%dma_start3A_115 : memref<128xi32, #tpu.memory_space<vmem>>) semaphore(%arg27 : memref<!tpu.dma_semaphore, #tpu.memory_space<semaphore_mem>>) {add = true}
      %gt3A_119 = arith.constant 0 : i32
      %gt3A_120 = arith.cmpi sgt, %add3A_76, %gt3A_119 : i32
      %convert_element_type3A_121 = arith.extui %gt3A_120 : i1 to i32
      %cond3A_122 = arith.constant 0 : i32
      %cond3A_123 = arith.cmpi ne, %convert_element_type3A_121, %cond3A_122 : i32
      scf.if %cond3A_123 {
        %sub3A_304 = arith.constant 4 : i32
        %sub3A_305 = arith.subi %add3A_106, %sub3A_304 : i32
        %dma_wait3A_306 = arith.constant 0 : i32
        %dma_wait3A_307 = tpu.memref_slice %arg8[%sub3A_305, %dma_wait3A_306] : memref<80x128xi32, #tpu.memory_space<vmem>> -> memref<1x128xi32, #tpu.memory_space<vmem>>
        %dma_wait3A_308 = tpu.memref_squeeze %dma_wait3A_307 : memref<1x128xi32, #tpu.memory_space<vmem>> -> memref<128xi32, #tpu.memory_space<vmem>>
        %dma_wait3A_309 = arith.constant 0 : i32
        %dma_wait3A_310 = arith.constant 0 : i32
        %dma_wait3A_311 = tpu.memref_slice %arg6[%dma_wait3A_309, %dma_wait3A_310] : memref<10240x48xf32, #tpu.memory_space<vmem_shared>> -> memref<10240x48xf32, #tpu.memory_space<vmem_shared>>
        tpu.wait_indirect_dma semaphore(%arg31 : memref<!tpu.dma_semaphore, #tpu.memory_space<semaphore_mem>>) src(%arg14 : memref<128x48xf32, #tpu.memory_space<vmem>>) dst(%dma_wait3A_311 : memref<10240x48xf32, #tpu.memory_space<vmem_shared>>)
      } else {
      }
      %add3A_124 = arith.constant 4 : i32
      %add3A_125 = arith.addi %add3A_106, %add3A_124 : i32
      %dma_start3A_126 = arith.constant 0 : i32
      %dma_start3A_127 = tpu.memref_slice %arg7[%add3A_125, %dma_start3A_126] : memref<80x128xi32, #tpu.memory_space<vmem>> -> memref<1x128xi32, #tpu.memory_space<vmem>>
      %dma_start3A_128 = tpu.memref_squeeze %dma_start3A_127 : memref<1x128xi32, #tpu.memory_space<vmem>> -> memref<128xi32, #tpu.memory_space<vmem>>
      %dma_start3A_129 = arith.constant 0 : i32
      %dma_start3A_130 = arith.constant 0 : i32
      %dma_start3A_131 = tpu.memref_slice %arg2[%dma_start3A_129, %dma_start3A_130] : memref<10240x48xf32, #tpu.memory_space<hbm>> -> memref<10240x48xf32, #tpu.memory_space<hbm>>
      tpu.enqueue_indirect_dma source(%dma_start3A_131 : memref<10240x48xf32, #tpu.memory_space<hbm>>) target(%arg14 : memref<128x48xf32, #tpu.memory_space<vmem>>) offsets(%dma_start3A_128 : memref<128xi32, #tpu.memory_space<vmem>>) semaphore(%arg23 : memref<!tpu.dma_semaphore, #tpu.memory_space<semaphore_mem>>)
      %mul3A_132 = arith.constant 8 : i32
      %mul3A_133 = arith.muli %add3A_76, %mul3A_132 : i32
      %add3A_134 = arith.constant 2 : i32
      %add3A_135 = arith.addi %mul3A_133, %add3A_134 : i32
      %dma_wait3A_136 = arith.constant 0 : i32
      %dma_wait3A_137 = tpu.memref_slice %arg7[%add3A_135, %dma_wait3A_136] : memref<80x128xi32, #tpu.memory_space<vmem>> -> memref<1x128xi32, #tpu.memory_space<vmem>>
      %dma_wait3A_138 = tpu.memref_squeeze %dma_wait3A_137 : memref<1x128xi32, #tpu.memory_space<vmem>> -> memref<128xi32, #tpu.memory_space<vmem>>
      %dma_wait3A_139 = arith.constant 0 : i32
      %dma_wait3A_140 = arith.constant 0 : i32
      %dma_wait3A_141 = tpu.memref_slice %arg2[%dma_wait3A_139, %dma_wait3A_140] : memref<10240x48xf32, #tpu.memory_space<hbm>> -> memref<10240x48xf32, #tpu.memory_space<hbm>>
      tpu.wait_indirect_dma semaphore(%arg20 : memref<!tpu.dma_semaphore, #tpu.memory_space<semaphore_mem>>) src(%dma_wait3A_141 : memref<10240x48xf32, #tpu.memory_space<hbm>>) dst(%arg11 : memref<128x48xf32, #tpu.memory_space<vmem>>)
      %dma_start3A_142 = arith.constant 0 : i32
      %dma_start3A_143 = tpu.memref_slice %arg8[%add3A_135, %dma_start3A_142] : memref<80x128xi32, #tpu.memory_space<vmem>> -> memref<1x128xi32, #tpu.memory_space<vmem>>
      %dma_start3A_144 = tpu.memref_squeeze %dma_start3A_143 : memref<1x128xi32, #tpu.memory_space<vmem>> -> memref<128xi32, #tpu.memory_space<vmem>>
      %dma_start3A_145 = arith.constant 0 : i32
      %dma_start3A_146 = arith.constant 0 : i32
      %dma_start3A_147 = tpu.memref_slice %arg6[%dma_start3A_145, %dma_start3A_146] : memref<10240x48xf32, #tpu.memory_space<vmem_shared>> -> memref<10240x48xf32, #tpu.memory_space<vmem_shared>>
      tpu.enqueue_indirect_dma source(%arg11 : memref<128x48xf32, #tpu.memory_space<vmem>>) target(%dma_start3A_147 : memref<10240x48xf32, #tpu.memory_space<vmem_shared>>) offsets(%dma_start3A_144 : memref<128xi32, #tpu.memory_space<vmem>>) semaphore(%arg28 : memref<!tpu.dma_semaphore, #tpu.memory_space<semaphore_mem>>) {add = true}
      %gt3A_148 = arith.constant 0 : i32
      %gt3A_149 = arith.cmpi sgt, %add3A_76, %gt3A_148 : i32
      %convert_element_type3A_150 = arith.extui %gt3A_149 : i1 to i32
      %cond3A_151 = arith.constant 0 : i32
      %cond3A_152 = arith.cmpi ne, %convert_element_type3A_150, %cond3A_151 : i32
      scf.if %cond3A_152 {
        %sub3A_304 = arith.constant 4 : i32
        %sub3A_305 = arith.subi %add3A_135, %sub3A_304 : i32
        %dma_wait3A_306 = arith.constant 0 : i32
        %dma_wait3A_307 = tpu.memref_slice %arg8[%sub3A_305, %dma_wait3A_306] : memref<80x128xi32, #tpu.memory_space<vmem>> -> memref<1x128xi32, #tpu.memory_space<vmem>>
        %dma_wait3A_308 = tpu.memref_squeeze %dma_wait3A_307 : memref<1x128xi32, #tpu.memory_space<vmem>> -> memref<128xi32, #tpu.memory_space<vmem>>
        %dma_wait3A_309 = arith.constant 0 : i32
        %dma_wait3A_310 = arith.constant 0 : i32
        %dma_wait3A_311 = tpu.memref_slice %arg6[%dma_wait3A_309, %dma_wait3A_310] : memref<10240x48xf32, #tpu.memory_space<vmem_shared>> -> memref<10240x48xf32, #tpu.memory_space<vmem_shared>>
        tpu.wait_indirect_dma semaphore(%arg32 : memref<!tpu.dma_semaphore, #tpu.memory_space<semaphore_mem>>) src(%arg15 : memref<128x48xf32, #tpu.memory_space<vmem>>) dst(%dma_wait3A_311 : memref<10240x48xf32, #tpu.memory_space<vmem_shared>>)
      } else {
      }
      %add3A_153 = arith.constant 4 : i32
      %add3A_154 = arith.addi %add3A_135, %add3A_153 : i32
      %dma_start3A_155 = arith.constant 0 : i32
      %dma_start3A_156 = tpu.memref_slice %arg7[%add3A_154, %dma_start3A_155] : memref<80x128xi32, #tpu.memory_space<vmem>> -> memref<1x128xi32, #tpu.memory_space<vmem>>
      %dma_start3A_157 = tpu.memref_squeeze %dma_start3A_156 : memref<1x128xi32, #tpu.memory_space<vmem>> -> memref<128xi32, #tpu.memory_space<vmem>>
      %dma_start3A_158 = arith.constant 0 : i32
      %dma_start3A_159 = arith.constant 0 : i32
      %dma_start3A_160 = tpu.memref_slice %arg2[%dma_start3A_158, %dma_start3A_159] : memref<10240x48xf32, #tpu.memory_space<hbm>> -> memref<10240x48xf32, #tpu.memory_space<hbm>>
      tpu.enqueue_indirect_dma source(%dma_start3A_160 : memref<10240x48xf32, #tpu.memory_space<hbm>>) target(%arg15 : memref<128x48xf32, #tpu.memory_space<vmem>>) offsets(%dma_start3A_157 : memref<128xi32, #tpu.memory_space<vmem>>) semaphore(%arg24 : memref<!tpu.dma_semaphore, #tpu.memory_space<semaphore_mem>>)
      %mul3A_161 = arith.constant 8 : i32
      %mul3A_162 = arith.muli %add3A_76, %mul3A_161 : i32
      %add3A_163 = arith.constant 3 : i32
      %add3A_164 = arith.addi %mul3A_162, %add3A_163 : i32
      %dma_wait3A_165 = arith.constant 0 : i32
      %dma_wait3A_166 = tpu.memref_slice %arg7[%add3A_164, %dma_wait3A_165] : memref<80x128xi32, #tpu.memory_space<vmem>> -> memref<1x128xi32, #tpu.memory_space<vmem>>
      %dma_wait3A_167 = tpu.memref_squeeze %dma_wait3A_166 : memref<1x128xi32, #tpu.memory_space<vmem>> -> memref<128xi32, #tpu.memory_space<vmem>>
      %dma_wait3A_168 = arith.constant 0 : i32
      %dma_wait3A_169 = arith.constant 0 : i32
      %dma_wait3A_170 = tpu.memref_slice %arg2[%dma_wait3A_168, %dma_wait3A_169] : memref<10240x48xf32, #tpu.memory_space<hbm>> -> memref<10240x48xf32, #tpu.memory_space<hbm>>
      tpu.wait_indirect_dma semaphore(%arg21 : memref<!tpu.dma_semaphore, #tpu.memory_space<semaphore_mem>>) src(%dma_wait3A_170 : memref<10240x48xf32, #tpu.memory_space<hbm>>) dst(%arg12 : memref<128x48xf32, #tpu.memory_space<vmem>>)
      %dma_start3A_171 = arith.constant 0 : i32
      %dma_start3A_172 = tpu.memref_slice %arg8[%add3A_164, %dma_start3A_171] : memref<80x128xi32, #tpu.memory_space<vmem>> -> memref<1x128xi32, #tpu.memory_space<vmem>>
      %dma_start3A_173 = tpu.memref_squeeze %dma_start3A_172 : memref<1x128xi32, #tpu.memory_space<vmem>> -> memref<128xi32, #tpu.memory_space<vmem>>
      %dma_start3A_174 = arith.constant 0 : i32
      %dma_start3A_175 = arith.constant 0 : i32
      %dma_start3A_176 = tpu.memref_slice %arg6[%dma_start3A_174, %dma_start3A_175] : memref<10240x48xf32, #tpu.memory_space<vmem_shared>> -> memref<10240x48xf32, #tpu.memory_space<vmem_shared>>
      tpu.enqueue_indirect_dma source(%arg12 : memref<128x48xf32, #tpu.memory_space<vmem>>) target(%dma_start3A_176 : memref<10240x48xf32, #tpu.memory_space<vmem_shared>>) offsets(%dma_start3A_173 : memref<128xi32, #tpu.memory_space<vmem>>) semaphore(%arg29 : memref<!tpu.dma_semaphore, #tpu.memory_space<semaphore_mem>>) {add = true}
      %gt3A_177 = arith.constant 0 : i32
      %gt3A_178 = arith.cmpi sgt, %add3A_76, %gt3A_177 : i32
      %convert_element_type3A_179 = arith.extui %gt3A_178 : i1 to i32
      %cond3A_180 = arith.constant 0 : i32
      %cond3A_181 = arith.cmpi ne, %convert_element_type3A_179, %cond3A_180 : i32
      scf.if %cond3A_181 {
        %sub3A_304 = arith.constant 4 : i32
        %sub3A_305 = arith.subi %add3A_164, %sub3A_304 : i32
        %dma_wait3A_306 = arith.constant 0 : i32
        %dma_wait3A_307 = tpu.memref_slice %arg8[%sub3A_305, %dma_wait3A_306] : memref<80x128xi32, #tpu.memory_space<vmem>> -> memref<1x128xi32, #tpu.memory_space<vmem>>
        %dma_wait3A_308 = tpu.memref_squeeze %dma_wait3A_307 : memref<1x128xi32, #tpu.memory_space<vmem>> -> memref<128xi32, #tpu.memory_space<vmem>>
        %dma_wait3A_309 = arith.constant 0 : i32
        %dma_wait3A_310 = arith.constant 0 : i32
        %dma_wait3A_311 = tpu.memref_slice %arg6[%dma_wait3A_309, %dma_wait3A_310] : memref<10240x48xf32, #tpu.memory_space<vmem_shared>> -> memref<10240x48xf32, #tpu.memory_space<vmem_shared>>
        tpu.wait_indirect_dma semaphore(%arg33 : memref<!tpu.dma_semaphore, #tpu.memory_space<semaphore_mem>>) src(%arg16 : memref<128x48xf32, #tpu.memory_space<vmem>>) dst(%dma_wait3A_311 : memref<10240x48xf32, #tpu.memory_space<vmem_shared>>)
      } else {
      }
      %add3A_182 = arith.constant 4 : i32
      %add3A_183 = arith.addi %add3A_164, %add3A_182 : i32
      %dma_start3A_184 = arith.constant 0 : i32
      %dma_start3A_185 = tpu.memref_slice %arg7[%add3A_183, %dma_start3A_184] : memref<80x128xi32, #tpu.memory_space<vmem>> -> memref<1x128xi32, #tpu.memory_space<vmem>>
      %dma_start3A_186 = tpu.memref_squeeze %dma_start3A_185 : memref<1x128xi32, #tpu.memory_space<vmem>> -> memref<128xi32, #tpu.memory_space<vmem>>
      %dma_start3A_187 = arith.constant 0 : i32
      %dma_start3A_188 = arith.constant 0 : i32
      %dma_start3A_189 = tpu.memref_slice %arg2[%dma_start3A_187, %dma_start3A_188] : memref<10240x48xf32, #tpu.memory_space<hbm>> -> memref<10240x48xf32, #tpu.memory_space<hbm>>
      tpu.enqueue_indirect_dma source(%dma_start3A_189 : memref<10240x48xf32, #tpu.memory_space<hbm>>) target(%arg16 : memref<128x48xf32, #tpu.memory_space<vmem>>) offsets(%dma_start3A_186 : memref<128xi32, #tpu.memory_space<vmem>>) semaphore(%arg25 : memref<!tpu.dma_semaphore, #tpu.memory_space<semaphore_mem>>)
      %mul3A_190 = arith.constant 8 : i32
      %mul3A_191 = arith.muli %add3A_76, %mul3A_190 : i32
      %add3A_192 = arith.constant 4 : i32
      %add3A_193 = arith.addi %mul3A_191, %add3A_192 : i32
      %dma_wait3A_194 = arith.constant 0 : i32
      %dma_wait3A_195 = tpu.memref_slice %arg7[%add3A_193, %dma_wait3A_194] : memref<80x128xi32, #tpu.memory_space<vmem>> -> memref<1x128xi32, #tpu.memory_space<vmem>>
      %dma_wait3A_196 = tpu.memref_squeeze %dma_wait3A_195 : memref<1x128xi32, #tpu.memory_space<vmem>> -> memref<128xi32, #tpu.memory_space<vmem>>
      %dma_wait3A_197 = arith.constant 0 : i32
      %dma_wait3A_198 = arith.constant 0 : i32
      %dma_wait3A_199 = tpu.memref_slice %arg2[%dma_wait3A_197, %dma_wait3A_198] : memref<10240x48xf32, #tpu.memory_space<hbm>> -> memref<10240x48xf32, #tpu.memory_space<hbm>>
      tpu.wait_indirect_dma semaphore(%arg22 : memref<!tpu.dma_semaphore, #tpu.memory_space<semaphore_mem>>) src(%dma_wait3A_199 : memref<10240x48xf32, #tpu.memory_space<hbm>>) dst(%arg13 : memref<128x48xf32, #tpu.memory_space<vmem>>)
      %dma_start3A_200 = arith.constant 0 : i32
      %dma_start3A_201 = tpu.memref_slice %arg8[%add3A_193, %dma_start3A_200] : memref<80x128xi32, #tpu.memory_space<vmem>> -> memref<1x128xi32, #tpu.memory_space<vmem>>
      %dma_start3A_202 = tpu.memref_squeeze %dma_start3A_201 : memref<1x128xi32, #tpu.memory_space<vmem>> -> memref<128xi32, #tpu.memory_space<vmem>>
      %dma_start3A_203 = arith.constant 0 : i32
      %dma_start3A_204 = arith.constant 0 : i32
      %dma_start3A_205 = tpu.memref_slice %arg6[%dma_start3A_203, %dma_start3A_204] : memref<10240x48xf32, #tpu.memory_space<vmem_shared>> -> memref<10240x48xf32, #tpu.memory_space<vmem_shared>>
      tpu.enqueue_indirect_dma source(%arg13 : memref<128x48xf32, #tpu.memory_space<vmem>>) target(%dma_start3A_205 : memref<10240x48xf32, #tpu.memory_space<vmem_shared>>) offsets(%dma_start3A_202 : memref<128xi32, #tpu.memory_space<vmem>>) semaphore(%arg30 : memref<!tpu.dma_semaphore, #tpu.memory_space<semaphore_mem>>) {add = true}
      %sub3A = arith.constant 4 : i32
      %sub3A_206 = arith.subi %add3A_193, %sub3A : i32
      %dma_wait3A_207 = arith.constant 0 : i32
      %dma_wait3A_208 = tpu.memref_slice %arg8[%sub3A_206, %dma_wait3A_207] : memref<80x128xi32, #tpu.memory_space<vmem>> -> memref<1x128xi32, #tpu.memory_space<vmem>>
      %dma_wait3A_209 = tpu.memref_squeeze %dma_wait3A_208 : memref<1x128xi32, #tpu.memory_space<vmem>> -> memref<128xi32, #tpu.memory_space<vmem>>
      %dma_wait3A_210 = arith.constant 0 : i32
      %dma_wait3A_211 = arith.constant 0 : i32
      %dma_wait3A_212 = tpu.memref_slice %arg6[%dma_wait3A_210, %dma_wait3A_211] : memref<10240x48xf32, #tpu.memory_space<vmem_shared>> -> memref<10240x48xf32, #tpu.memory_space<vmem_shared>>
      tpu.wait_indirect_dma semaphore(%arg26 : memref<!tpu.dma_semaphore, #tpu.memory_space<semaphore_mem>>) src(%arg9 : memref<128x48xf32, #tpu.memory_space<vmem>>) dst(%dma_wait3A_212 : memref<10240x48xf32, #tpu.memory_space<vmem_shared>>)
      %lt3A = arith.constant 9 : i32
      %lt3A_213 = arith.cmpi slt, %add3A_76, %lt3A : i32
      %convert_element_type3A_214 = arith.extui %lt3A_213 : i1 to i32
      %cond3A_215 = arith.constant 0 : i32
      %cond3A_216 = arith.cmpi ne, %convert_element_type3A_214, %cond3A_215 : i32
      scf.if %cond3A_216 {
        %add3A_304 = arith.constant 4 : i32
        %add3A_305 = arith.addi %add3A_193, %add3A_304 : i32
        %dma_start3A_306 = arith.constant 0 : i32
        %dma_start3A_307 = tpu.memref_slice %arg7[%add3A_305, %dma_start3A_306] : memref<80x128xi32, #tpu.memory_space<vmem>> -> memref<1x128xi32, #tpu.memory_space<vmem>>
        %dma_start3A_308 = tpu.memref_squeeze %dma_start3A_307 : memref<1x128xi32, #tpu.memory_space<vmem>> -> memref<128xi32, #tpu.memory_space<vmem>>
        %dma_start3A_309 = arith.constant 0 : i32
        %dma_start3A_310 = arith.constant 0 : i32
        %dma_start3A_311 = tpu.memref_slice %arg2[%dma_start3A_309, %dma_start3A_310] : memref<10240x48xf32, #tpu.memory_space<hbm>> -> memref<10240x48xf32, #tpu.memory_space<hbm>>
        tpu.enqueue_indirect_dma source(%dma_start3A_311 : memref<10240x48xf32, #tpu.memory_space<hbm>>) target(%arg9 : memref<128x48xf32, #tpu.memory_space<vmem>>) offsets(%dma_start3A_308 : memref<128xi32, #tpu.memory_space<vmem>>) semaphore(%arg18 : memref<!tpu.dma_semaphore, #tpu.memory_space<semaphore_mem>>)
      } else {
      }
      %mul3A_217 = arith.constant 8 : i32
      %mul3A_218 = arith.muli %add3A_76, %mul3A_217 : i32
      %add3A_219 = arith.constant 5 : i32
      %add3A_220 = arith.addi %mul3A_218, %add3A_219 : i32
      %dma_wait3A_221 = arith.constant 0 : i32
      %dma_wait3A_222 = tpu.memref_slice %arg7[%add3A_220, %dma_wait3A_221] : memref<80x128xi32, #tpu.memory_space<vmem>> -> memref<1x128xi32, #tpu.memory_space<vmem>>
      %dma_wait3A_223 = tpu.memref_squeeze %dma_wait3A_222 : memref<1x128xi32, #tpu.memory_space<vmem>> -> memref<128xi32, #tpu.memory_space<vmem>>
      %dma_wait3A_224 = arith.constant 0 : i32
      %dma_wait3A_225 = arith.constant 0 : i32
      %dma_wait3A_226 = tpu.memref_slice %arg2[%dma_wait3A_224, %dma_wait3A_225] : memref<10240x48xf32, #tpu.memory_space<hbm>> -> memref<10240x48xf32, #tpu.memory_space<hbm>>
      tpu.wait_indirect_dma semaphore(%arg23 : memref<!tpu.dma_semaphore, #tpu.memory_space<semaphore_mem>>) src(%dma_wait3A_226 : memref<10240x48xf32, #tpu.memory_space<hbm>>) dst(%arg14 : memref<128x48xf32, #tpu.memory_space<vmem>>)
      %dma_start3A_227 = arith.constant 0 : i32
      %dma_start3A_228 = tpu.memref_slice %arg8[%add3A_220, %dma_start3A_227] : memref<80x128xi32, #tpu.memory_space<vmem>> -> memref<1x128xi32, #tpu.memory_space<vmem>>
      %dma_start3A_229 = tpu.memref_squeeze %dma_start3A_228 : memref<1x128xi32, #tpu.memory_space<vmem>> -> memref<128xi32, #tpu.memory_space<vmem>>
      %dma_start3A_230 = arith.constant 0 : i32
      %dma_start3A_231 = arith.constant 0 : i32
      %dma_start3A_232 = tpu.memref_slice %arg6[%dma_start3A_230, %dma_start3A_231] : memref<10240x48xf32, #tpu.memory_space<vmem_shared>> -> memref<10240x48xf32, #tpu.memory_space<vmem_shared>>
      tpu.enqueue_indirect_dma source(%arg14 : memref<128x48xf32, #tpu.memory_space<vmem>>) target(%dma_start3A_232 : memref<10240x48xf32, #tpu.memory_space<vmem_shared>>) offsets(%dma_start3A_229 : memref<128xi32, #tpu.memory_space<vmem>>) semaphore(%arg31 : memref<!tpu.dma_semaphore, #tpu.memory_space<semaphore_mem>>) {add = true}
      %sub3A_233 = arith.constant 4 : i32
      %sub3A_234 = arith.subi %add3A_220, %sub3A_233 : i32
      %dma_wait3A_235 = arith.constant 0 : i32
      %dma_wait3A_236 = tpu.memref_slice %arg8[%sub3A_234, %dma_wait3A_235] : memref<80x128xi32, #tpu.memory_space<vmem>> -> memref<1x128xi32, #tpu.memory_space<vmem>>
      %dma_wait3A_237 = tpu.memref_squeeze %dma_wait3A_236 : memref<1x128xi32, #tpu.memory_space<vmem>> -> memref<128xi32, #tpu.memory_space<vmem>>
      %dma_wait3A_238 = arith.constant 0 : i32
      %dma_wait3A_239 = arith.constant 0 : i32
      %dma_wait3A_240 = tpu.memref_slice %arg6[%dma_wait3A_238, %dma_wait3A_239] : memref<10240x48xf32, #tpu.memory_space<vmem_shared>> -> memref<10240x48xf32, #tpu.memory_space<vmem_shared>>
      tpu.wait_indirect_dma semaphore(%arg27 : memref<!tpu.dma_semaphore, #tpu.memory_space<semaphore_mem>>) src(%arg10 : memref<128x48xf32, #tpu.memory_space<vmem>>) dst(%dma_wait3A_240 : memref<10240x48xf32, #tpu.memory_space<vmem_shared>>)
      %lt3A_241 = arith.constant 9 : i32
      %lt3A_242 = arith.cmpi slt, %add3A_76, %lt3A_241 : i32
      %convert_element_type3A_243 = arith.extui %lt3A_242 : i1 to i32
      %cond3A_244 = arith.constant 0 : i32
      %cond3A_245 = arith.cmpi ne, %convert_element_type3A_243, %cond3A_244 : i32
      scf.if %cond3A_245 {
        %add3A_304 = arith.constant 4 : i32
        %add3A_305 = arith.addi %add3A_220, %add3A_304 : i32
        %dma_start3A_306 = arith.constant 0 : i32
        %dma_start3A_307 = tpu.memref_slice %arg7[%add3A_305, %dma_start3A_306] : memref<80x128xi32, #tpu.memory_space<vmem>> -> memref<1x128xi32, #tpu.memory_space<vmem>>
        %dma_start3A_308 = tpu.memref_squeeze %dma_start3A_307 : memref<1x128xi32, #tpu.memory_space<vmem>> -> memref<128xi32, #tpu.memory_space<vmem>>
        %dma_start3A_309 = arith.constant 0 : i32
        %dma_start3A_310 = arith.constant 0 : i32
        %dma_start3A_311 = tpu.memref_slice %arg2[%dma_start3A_309, %dma_start3A_310] : memref<10240x48xf32, #tpu.memory_space<hbm>> -> memref<10240x48xf32, #tpu.memory_space<hbm>>
        tpu.enqueue_indirect_dma source(%dma_start3A_311 : memref<10240x48xf32, #tpu.memory_space<hbm>>) target(%arg10 : memref<128x48xf32, #tpu.memory_space<vmem>>) offsets(%dma_start3A_308 : memref<128xi32, #tpu.memory_space<vmem>>) semaphore(%arg19 : memref<!tpu.dma_semaphore, #tpu.memory_space<semaphore_mem>>)
      } else {
      }
      %mul3A_246 = arith.constant 8 : i32
      %mul3A_247 = arith.muli %add3A_76, %mul3A_246 : i32
      %add3A_248 = arith.constant 6 : i32
      %add3A_249 = arith.addi %mul3A_247, %add3A_248 : i32
      %dma_wait3A_250 = arith.constant 0 : i32
      %dma_wait3A_251 = tpu.memref_slice %arg7[%add3A_249, %dma_wait3A_250] : memref<80x128xi32, #tpu.memory_space<vmem>> -> memref<1x128xi32, #tpu.memory_space<vmem>>
      %dma_wait3A_252 = tpu.memref_squeeze %dma_wait3A_251 : memref<1x128xi32, #tpu.memory_space<vmem>> -> memref<128xi32, #tpu.memory_space<vmem>>
      %dma_wait3A_253 = arith.constant 0 : i32
      %dma_wait3A_254 = arith.constant 0 : i32
      %dma_wait3A_255 = tpu.memref_slice %arg2[%dma_wait3A_253, %dma_wait3A_254] : memref<10240x48xf32, #tpu.memory_space<hbm>> -> memref<10240x48xf32, #tpu.memory_space<hbm>>
      tpu.wait_indirect_dma semaphore(%arg24 : memref<!tpu.dma_semaphore, #tpu.memory_space<semaphore_mem>>) src(%dma_wait3A_255 : memref<10240x48xf32, #tpu.memory_space<hbm>>) dst(%arg15 : memref<128x48xf32, #tpu.memory_space<vmem>>)
      %dma_start3A_256 = arith.constant 0 : i32
      %dma_start3A_257 = tpu.memref_slice %arg8[%add3A_249, %dma_start3A_256] : memref<80x128xi32, #tpu.memory_space<vmem>> -> memref<1x128xi32, #tpu.memory_space<vmem>>
      %dma_start3A_258 = tpu.memref_squeeze %dma_start3A_257 : memref<1x128xi32, #tpu.memory_space<vmem>> -> memref<128xi32, #tpu.memory_space<vmem>>
      %dma_start3A_259 = arith.constant 0 : i32
      %dma_start3A_260 = arith.constant 0 : i32
      %dma_start3A_261 = tpu.memref_slice %arg6[%dma_start3A_259, %dma_start3A_260] : memref<10240x48xf32, #tpu.memory_space<vmem_shared>> -> memref<10240x48xf32, #tpu.memory_space<vmem_shared>>
      tpu.enqueue_indirect_dma source(%arg15 : memref<128x48xf32, #tpu.memory_space<vmem>>) target(%dma_start3A_261 : memref<10240x48xf32, #tpu.memory_space<vmem_shared>>) offsets(%dma_start3A_258 : memref<128xi32, #tpu.memory_space<vmem>>) semaphore(%arg32 : memref<!tpu.dma_semaphore, #tpu.memory_space<semaphore_mem>>) {add = true}
      %sub3A_262 = arith.constant 4 : i32
      %sub3A_263 = arith.subi %add3A_249, %sub3A_262 : i32
      %dma_wait3A_264 = arith.constant 0 : i32
      %dma_wait3A_265 = tpu.memref_slice %arg8[%sub3A_263, %dma_wait3A_264] : memref<80x128xi32, #tpu.memory_space<vmem>> -> memref<1x128xi32, #tpu.memory_space<vmem>>
      %dma_wait3A_266 = tpu.memref_squeeze %dma_wait3A_265 : memref<1x128xi32, #tpu.memory_space<vmem>> -> memref<128xi32, #tpu.memory_space<vmem>>
      %dma_wait3A_267 = arith.constant 0 : i32
      %dma_wait3A_268 = arith.constant 0 : i32
      %dma_wait3A_269 = tpu.memref_slice %arg6[%dma_wait3A_267, %dma_wait3A_268] : memref<10240x48xf32, #tpu.memory_space<vmem_shared>> -> memref<10240x48xf32, #tpu.memory_space<vmem_shared>>
      tpu.wait_indirect_dma semaphore(%arg28 : memref<!tpu.dma_semaphore, #tpu.memory_space<semaphore_mem>>) src(%arg11 : memref<128x48xf32, #tpu.memory_space<vmem>>) dst(%dma_wait3A_269 : memref<10240x48xf32, #tpu.memory_space<vmem_shared>>)
      %lt3A_270 = arith.constant 9 : i32
      %lt3A_271 = arith.cmpi slt, %add3A_76, %lt3A_270 : i32
      %convert_element_type3A_272 = arith.extui %lt3A_271 : i1 to i32
      %cond3A_273 = arith.constant 0 : i32
      %cond3A_274 = arith.cmpi ne, %convert_element_type3A_272, %cond3A_273 : i32
      scf.if %cond3A_274 {
        %add3A_304 = arith.constant 4 : i32
        %add3A_305 = arith.addi %add3A_249, %add3A_304 : i32
        %dma_start3A_306 = arith.constant 0 : i32
        %dma_start3A_307 = tpu.memref_slice %arg7[%add3A_305, %dma_start3A_306] : memref<80x128xi32, #tpu.memory_space<vmem>> -> memref<1x128xi32, #tpu.memory_space<vmem>>
        %dma_start3A_308 = tpu.memref_squeeze %dma_start3A_307 : memref<1x128xi32, #tpu.memory_space<vmem>> -> memref<128xi32, #tpu.memory_space<vmem>>
        %dma_start3A_309 = arith.constant 0 : i32
        %dma_start3A_310 = arith.constant 0 : i32
        %dma_start3A_311 = tpu.memref_slice %arg2[%dma_start3A_309, %dma_start3A_310] : memref<10240x48xf32, #tpu.memory_space<hbm>> -> memref<10240x48xf32, #tpu.memory_space<hbm>>
        tpu.enqueue_indirect_dma source(%dma_start3A_311 : memref<10240x48xf32, #tpu.memory_space<hbm>>) target(%arg11 : memref<128x48xf32, #tpu.memory_space<vmem>>) offsets(%dma_start3A_308 : memref<128xi32, #tpu.memory_space<vmem>>) semaphore(%arg20 : memref<!tpu.dma_semaphore, #tpu.memory_space<semaphore_mem>>)
      } else {
      }
      %mul3A_275 = arith.constant 8 : i32
      %mul3A_276 = arith.muli %add3A_76, %mul3A_275 : i32
      %add3A_277 = arith.constant 7 : i32
      %add3A_278 = arith.addi %mul3A_276, %add3A_277 : i32
      %dma_wait3A_279 = arith.constant 0 : i32
      %dma_wait3A_280 = tpu.memref_slice %arg7[%add3A_278, %dma_wait3A_279] : memref<80x128xi32, #tpu.memory_space<vmem>> -> memref<1x128xi32, #tpu.memory_space<vmem>>
      %dma_wait3A_281 = tpu.memref_squeeze %dma_wait3A_280 : memref<1x128xi32, #tpu.memory_space<vmem>> -> memref<128xi32, #tpu.memory_space<vmem>>
      %dma_wait3A_282 = arith.constant 0 : i32
      %dma_wait3A_283 = arith.constant 0 : i32
      %dma_wait3A_284 = tpu.memref_slice %arg2[%dma_wait3A_282, %dma_wait3A_283] : memref<10240x48xf32, #tpu.memory_space<hbm>> -> memref<10240x48xf32, #tpu.memory_space<hbm>>
      tpu.wait_indirect_dma semaphore(%arg25 : memref<!tpu.dma_semaphore, #tpu.memory_space<semaphore_mem>>) src(%dma_wait3A_284 : memref<10240x48xf32, #tpu.memory_space<hbm>>) dst(%arg16 : memref<128x48xf32, #tpu.memory_space<vmem>>)
      %dma_start3A_285 = arith.constant 0 : i32
      %dma_start3A_286 = tpu.memref_slice %arg8[%add3A_278, %dma_start3A_285] : memref<80x128xi32, #tpu.memory_space<vmem>> -> memref<1x128xi32, #tpu.memory_space<vmem>>
      %dma_start3A_287 = tpu.memref_squeeze %dma_start3A_286 : memref<1x128xi32, #tpu.memory_space<vmem>> -> memref<128xi32, #tpu.memory_space<vmem>>
      %dma_start3A_288 = arith.constant 0 : i32
      %dma_start3A_289 = arith.constant 0 : i32
      %dma_start3A_290 = tpu.memref_slice %arg6[%dma_start3A_288, %dma_start3A_289] : memref<10240x48xf32, #tpu.memory_space<vmem_shared>> -> memref<10240x48xf32, #tpu.memory_space<vmem_shared>>
      tpu.enqueue_indirect_dma source(%arg16 : memref<128x48xf32, #tpu.memory_space<vmem>>) target(%dma_start3A_290 : memref<10240x48xf32, #tpu.memory_space<vmem_shared>>) offsets(%dma_start3A_287 : memref<128xi32, #tpu.memory_space<vmem>>) semaphore(%arg33 : memref<!tpu.dma_semaphore, #tpu.memory_space<semaphore_mem>>) {add = true}
      %sub3A_291 = arith.constant 4 : i32
      %sub3A_292 = arith.subi %add3A_278, %sub3A_291 : i32
      %dma_wait3A_293 = arith.constant 0 : i32
      %dma_wait3A_294 = tpu.memref_slice %arg8[%sub3A_292, %dma_wait3A_293] : memref<80x128xi32, #tpu.memory_space<vmem>> -> memref<1x128xi32, #tpu.memory_space<vmem>>
      %dma_wait3A_295 = tpu.memref_squeeze %dma_wait3A_294 : memref<1x128xi32, #tpu.memory_space<vmem>> -> memref<128xi32, #tpu.memory_space<vmem>>
      %dma_wait3A_296 = arith.constant 0 : i32
      %dma_wait3A_297 = arith.constant 0 : i32
      %dma_wait3A_298 = tpu.memref_slice %arg6[%dma_wait3A_296, %dma_wait3A_297] : memref<10240x48xf32, #tpu.memory_space<vmem_shared>> -> memref<10240x48xf32, #tpu.memory_space<vmem_shared>>
      tpu.wait_indirect_dma semaphore(%arg29 : memref<!tpu.dma_semaphore, #tpu.memory_space<semaphore_mem>>) src(%arg12 : memref<128x48xf32, #tpu.memory_space<vmem>>) dst(%dma_wait3A_298 : memref<10240x48xf32, #tpu.memory_space<vmem_shared>>)
      %lt3A_299 = arith.constant 9 : i32
      %lt3A_300 = arith.cmpi slt, %add3A_76, %lt3A_299 : i32
      %convert_element_type3A_301 = arith.extui %lt3A_300 : i1 to i32
      %cond3A_302 = arith.constant 0 : i32
      %cond3A_303 = arith.cmpi ne, %convert_element_type3A_301, %cond3A_302 : i32
      scf.if %cond3A_303 {
        %add3A_304 = arith.constant 4 : i32
        %add3A_305 = arith.addi %add3A_278, %add3A_304 : i32
        %dma_start3A_306 = arith.constant 0 : i32
        %dma_start3A_307 = tpu.memref_slice %arg7[%add3A_305, %dma_start3A_306] : memref<80x128xi32, #tpu.memory_space<vmem>> -> memref<1x128xi32, #tpu.memory_space<vmem>>
        %dma_start3A_308 = tpu.memref_squeeze %dma_start3A_307 : memref<1x128xi32, #tpu.memory_space<vmem>> -> memref<128xi32, #tpu.memory_space<vmem>>
        %dma_start3A_309 = arith.constant 0 : i32
        %dma_start3A_310 = arith.constant 0 : i32
        %dma_start3A_311 = tpu.memref_slice %arg2[%dma_start3A_309, %dma_start3A_310] : memref<10240x48xf32, #tpu.memory_space<hbm>> -> memref<10240x48xf32, #tpu.memory_space<hbm>>
        tpu.enqueue_indirect_dma source(%dma_start3A_311 : memref<10240x48xf32, #tpu.memory_space<hbm>>) target(%arg12 : memref<128x48xf32, #tpu.memory_space<vmem>>) offsets(%dma_start3A_308 : memref<128xi32, #tpu.memory_space<vmem>>) semaphore(%arg21 : memref<!tpu.dma_semaphore, #tpu.memory_space<semaphore_mem>>)
      } else {
      }
    }
    %scan3A_39 = arith.constant 10 : i32
    %dma_wait3A = arith.constant 76 : i32
    %dma_wait3A_40 = arith.constant 0 : i32
    %dma_wait3A_41 = tpu.memref_slice %arg8[%dma_wait3A, %dma_wait3A_40] : memref<80x128xi32, #tpu.memory_space<vmem>> -> memref<1x128xi32, #tpu.memory_space<vmem>>
    %dma_wait3A_42 = tpu.memref_squeeze %dma_wait3A_41 : memref<1x128xi32, #tpu.memory_space<vmem>> -> memref<128xi32, #tpu.memory_space<vmem>>
    %dma_wait3A_43 = arith.constant 0 : i32
    %dma_wait3A_44 = arith.constant 0 : i32
    %dma_wait3A_45 = tpu.memref_slice %arg6[%dma_wait3A_43, %dma_wait3A_44] : memref<10240x48xf32, #tpu.memory_space<vmem_shared>> -> memref<10240x48xf32, #tpu.memory_space<vmem_shared>>
    tpu.wait_indirect_dma semaphore(%arg30 : memref<!tpu.dma_semaphore, #tpu.memory_space<semaphore_mem>>) src(%arg13 : memref<128x48xf32, #tpu.memory_space<vmem>>) dst(%dma_wait3A_45 : memref<10240x48xf32, #tpu.memory_space<vmem_shared>>)
    %dma_wait3A_46 = arith.constant 77 : i32
    %dma_wait3A_47 = arith.constant 0 : i32
    %dma_wait3A_48 = tpu.memref_slice %arg8[%dma_wait3A_46, %dma_wait3A_47] : memref<80x128xi32, #tpu.memory_space<vmem>> -> memref<1x128xi32, #tpu.memory_space<vmem>>
    %dma_wait3A_49 = tpu.memref_squeeze %dma_wait3A_48 : memref<1x128xi32, #tpu.memory_space<vmem>> -> memref<128xi32, #tpu.memory_space<vmem>>
    %dma_wait3A_50 = arith.constant 0 : i32
    %dma_wait3A_51 = arith.constant 0 : i32
    %dma_wait3A_52 = tpu.memref_slice %arg6[%dma_wait3A_50, %dma_wait3A_51] : memref<10240x48xf32, #tpu.memory_space<vmem_shared>> -> memref<10240x48xf32, #tpu.memory_space<vmem_shared>>
    tpu.wait_indirect_dma semaphore(%arg31 : memref<!tpu.dma_semaphore, #tpu.memory_space<semaphore_mem>>) src(%arg14 : memref<128x48xf32, #tpu.memory_space<vmem>>) dst(%dma_wait3A_52 : memref<10240x48xf32, #tpu.memory_space<vmem_shared>>)
    %dma_wait3A_53 = arith.constant 78 : i32
    %dma_wait3A_54 = arith.constant 0 : i32
    %dma_wait3A_55 = tpu.memref_slice %arg8[%dma_wait3A_53, %dma_wait3A_54] : memref<80x128xi32, #tpu.memory_space<vmem>> -> memref<1x128xi32, #tpu.memory_space<vmem>>
    %dma_wait3A_56 = tpu.memref_squeeze %dma_wait3A_55 : memref<1x128xi32, #tpu.memory_space<vmem>> -> memref<128xi32, #tpu.memory_space<vmem>>
    %dma_wait3A_57 = arith.constant 0 : i32
    %dma_wait3A_58 = arith.constant 0 : i32
    %dma_wait3A_59 = tpu.memref_slice %arg6[%dma_wait3A_57, %dma_wait3A_58] : memref<10240x48xf32, #tpu.memory_space<vmem_shared>> -> memref<10240x48xf32, #tpu.memory_space<vmem_shared>>
    tpu.wait_indirect_dma semaphore(%arg32 : memref<!tpu.dma_semaphore, #tpu.memory_space<semaphore_mem>>) src(%arg15 : memref<128x48xf32, #tpu.memory_space<vmem>>) dst(%dma_wait3A_59 : memref<10240x48xf32, #tpu.memory_space<vmem_shared>>)
    %dma_wait3A_60 = arith.constant 79 : i32
    %dma_wait3A_61 = arith.constant 0 : i32
    %dma_wait3A_62 = tpu.memref_slice %arg8[%dma_wait3A_60, %dma_wait3A_61] : memref<80x128xi32, #tpu.memory_space<vmem>> -> memref<1x128xi32, #tpu.memory_space<vmem>>
    %dma_wait3A_63 = tpu.memref_squeeze %dma_wait3A_62 : memref<1x128xi32, #tpu.memory_space<vmem>> -> memref<128xi32, #tpu.memory_space<vmem>>
    %dma_wait3A_64 = arith.constant 0 : i32
    %dma_wait3A_65 = arith.constant 0 : i32
    %dma_wait3A_66 = tpu.memref_slice %arg6[%dma_wait3A_64, %dma_wait3A_65] : memref<10240x48xf32, #tpu.memory_space<vmem_shared>> -> memref<10240x48xf32, #tpu.memory_space<vmem_shared>>
    tpu.wait_indirect_dma semaphore(%arg33 : memref<!tpu.dma_semaphore, #tpu.memory_space<semaphore_mem>>) src(%arg16 : memref<128x48xf32, #tpu.memory_space<vmem>>) dst(%dma_wait3A_66 : memref<10240x48xf32, #tpu.memory_space<vmem_shared>>)
    %barrier3A_67 = arith.constant 0 : index
    tpu.barrier barrier_id(%barrier3A_67)
    %mul3A_68 = arith.constant 640 : i32
    %mul3A_69 = arith.muli %arg1, %mul3A_68 : i32
    "tpu.region"() ({
      %run_scoped3A = tpu.sem_alloc : memref<!tpu.dma_semaphore, #tpu.memory_space<semaphore_mem>>
      %dma_start3A_72 = arith.constant 0 : i32
      %dma_start3A_73 = tpu.memref_slice %arg6[%mul3A_69, %dma_start3A_72] : memref<10240x48xf32, #tpu.memory_space<vmem_shared>> -> memref<640x48xf32, #tpu.memory_space<vmem_shared>>
      %dma_start3A_74 = arith.constant 0 : i32
      %dma_start3A_75 = tpu.memref_slice %arg6[%mul3A_69, %dma_start3A_74] : memref<10240x48xf32, #tpu.memory_space<vmem_shared>> -> memref<640x48xf32, #tpu.memory_space<vmem_shared>>
      tpu.enqueue_dma source(%dma_start3A_75 : memref<640x48xf32, #tpu.memory_space<vmem_shared>>) target(%arg17 : memref<640x48xf32, #tpu.memory_space<vmem>>) target_semaphore(%run_scoped3A : memref<!tpu.dma_semaphore, #tpu.memory_space<semaphore_mem>>)
      %dma_wait3A_76 = arith.constant 0 : i32
      %dma_wait3A_77 = tpu.memref_slice %arg6[%mul3A_69, %dma_wait3A_76] : memref<10240x48xf32, #tpu.memory_space<vmem_shared>> -> memref<640x48xf32, #tpu.memory_space<vmem_shared>>
      %dma_wait3A_78 = arith.constant 0 : i32
      %dma_wait3A_79 = tpu.memref_slice %arg6[%mul3A_69, %dma_wait3A_78] : memref<10240x48xf32, #tpu.memory_space<vmem_shared>> -> memref<640x48xf32, #tpu.memory_space<vmem_shared>>
      tpu.wait_dma2 semaphore(%run_scoped3A : memref<!tpu.dma_semaphore, #tpu.memory_space<semaphore_mem>>) src(%dma_wait3A_79 : memref<640x48xf32, #tpu.memory_space<vmem_shared>>) dst(%arg17 : memref<640x48xf32, #tpu.memory_space<vmem>>)
      tpu.yield
    }) : () -> ()
    %mul3A_70 = arith.constant 640 : i32
    %mul3A_71 = arith.muli %arg1, %mul3A_70 : i32
    "tpu.region"() ({
      %run_scoped3A = tpu.sem_alloc : memref<!tpu.dma_semaphore, #tpu.memory_space<semaphore_mem>>
      %dma_start3A_72 = arith.constant 0 : i32
      %dma_start3A_73 = tpu.memref_slice %arg5[%arg0, %mul3A_71, %dma_start3A_72] : memref<2x10240x48xf32, #tpu.memory_space<hbm>> -> memref<1x640x48xf32, #tpu.memory_space<hbm>>
      %dma_start3A_74 = tpu.memref_squeeze %dma_start3A_73 : memref<1x640x48xf32, #tpu.memory_space<hbm>> -> memref<640x48xf32, #tpu.memory_space<hbm>>
      %dma_start3A_75 = arith.constant 0 : i32
      %dma_start3A_76 = tpu.memref_slice %arg5[%arg0, %mul3A_71, %dma_start3A_75] : memref<2x10240x48xf32, #tpu.memory_space<hbm>> -> memref<1x640x48xf32, #tpu.memory_space<hbm>>
      %dma_start3A_77 = tpu.memref_squeeze %dma_start3A_76 : memref<1x640x48xf32, #tpu.memory_space<hbm>> -> memref<640x48xf32, #tpu.memory_space<hbm>>
      tpu.enqueue_dma source(%arg17 : memref<640x48xf32, #tpu.memory_space<vmem>>) target(%dma_start3A_77 : memref<640x48xf32, #tpu.memory_space<hbm>>) target_semaphore(%run_scoped3A : memref<!tpu.dma_semaphore, #tpu.memory_space<semaphore_mem>>)
      %dma_wait3A_78 = arith.constant 0 : i32
      %dma_wait3A_79 = tpu.memref_slice %arg5[%arg0, %mul3A_71, %dma_wait3A_78] : memref<2x10240x48xf32, #tpu.memory_space<hbm>> -> memref<1x640x48xf32, #tpu.memory_space<hbm>>
      %dma_wait3A_80 = tpu.memref_squeeze %dma_wait3A_79 : memref<1x640x48xf32, #tpu.memory_space<hbm>> -> memref<640x48xf32, #tpu.memory_space<hbm>>
      %dma_wait3A_81 = arith.constant 0 : i32
      %dma_wait3A_82 = tpu.memref_slice %arg5[%arg0, %mul3A_71, %dma_wait3A_81] : memref<2x10240x48xf32, #tpu.memory_space<hbm>> -> memref<1x640x48xf32, #tpu.memory_space<hbm>>
      %dma_wait3A_83 = tpu.memref_squeeze %dma_wait3A_82 : memref<1x640x48xf32, #tpu.memory_space<hbm>> -> memref<640x48xf32, #tpu.memory_space<hbm>>
      tpu.wait_dma2 semaphore(%run_scoped3A : memref<!tpu.dma_semaphore, #tpu.memory_space<semaphore_mem>>) src(%arg17 : memref<640x48xf32, #tpu.memory_space<vmem>>) dst(%dma_wait3A_83 : memref<640x48xf32, #tpu.memory_space<hbm>>)
      tpu.yield
    }) : () -> ()
    return
  }
}

module attributes {stable_mosaic.version = 14 : i64} {
  func.func @_tc1_body(%arg0: i32, %arg1: memref<1024x128xf32, #tpu.memory_space<vmem>>, %arg2: memref<128x256xf32, #tpu.memory_space<vmem>>, %arg3: memref<256x48xf32, #tpu.memory_space<vmem>>, %arg4: memref<32x1024xf32, #tpu.memory_space<vmem>>, %arg5: memref<1024x48xf32, #tpu.memory_space<vmem>>) attributes {dimension_semantics = [#tpu.dimension_semantics<arbitrary>], iteration_bounds = array<i64: 10>, scalar_prefetch = 0 : i64, scratch_operands = 0 : i64, tpu.core_type = #tpu.core_type<tc>, window_params = [{transform_indices = @transform_0, window_bounds = array<i64: 1024, 128>}, {pipeline_mode = #tpu.pipeline_mode<synchronous>, transform_indices = @transform_1, window_bounds = array<i64: 128, 256>}, {pipeline_mode = #tpu.pipeline_mode<synchronous>, transform_indices = @transform_2, window_bounds = array<i64: 256, 48>}, {transform_indices = @transform_3, window_bounds = array<i64: 32, 1024>}, {transform_indices = @transform_4, window_bounds = array<i64: 1024, 48>}]} {
    %get3A = arith.constant 0 : index
    %get3A_0 = arith.constant 0 : index
    %get3A_1 = vector.load %arg2[%get3A, %get3A_0] : memref<128x256xf32, #tpu.memory_space<vmem>>, vector<128x256xf32>
    %get3A_2 = arith.constant 0 : index
    %get3A_3 = arith.constant 0 : index
    %get3A_4 = vector.load %arg3[%get3A_2, %get3A_3] : memref<256x48xf32, #tpu.memory_space<vmem>>, vector<256x48xf32>
    %dot_general3A = arith.constant dense<0.000000e+00> : vector<128x48xf32>
    %dot_general3A_5 = tpu.matmul %get3A_1, %get3A_4, %dot_general3A {dimension_numbers = #tpu.dot_dimension_numbers<[1], [0], [0], [1], [0, 0, 1, 1], [], []>, transpose_lhs_hint = false} : vector<128x256xf32>, vector<256x48xf32>, vector<128x48xf32> -> vector<128x48xf32>
    %get3A_6 = arith.constant 0 : index
    %get3A_7 = arith.constant 0 : index
    %get3A_8 = vector.load %arg1[%get3A_6, %get3A_7] : memref<1024x128xf32, #tpu.memory_space<vmem>>, vector<1024x128xf32>
    %dot_general3A_9 = arith.constant dense<0.000000e+00> : vector<1024x48xf32>
    %dot_general3A_10 = tpu.matmul %get3A_8, %dot_general3A_5, %dot_general3A_9 {dimension_numbers = #tpu.dot_dimension_numbers<[1], [0], [0], [1], [0, 0, 1, 1], [], []>, transpose_lhs_hint = false} : vector<1024x128xf32>, vector<128x48xf32>, vector<1024x48xf32> -> vector<1024x48xf32>
    %get3A_11 = arith.constant 0 : index
    %get3A_12 = arith.constant 0 : index
    %get3A_13 = vector.load %arg4[%get3A_11, %get3A_12] : memref<32x1024xf32, #tpu.memory_space<vmem>>, vector<32x1024xf32>
    %reduce_sum3A = arith.constant dense<0.000000e+00> : vector<1024xf32>
    %reduce_sum3A_14 = vector.multi_reduction <add>, %get3A_13, %reduce_sum3A [0] : vector<32x1024xf32> to vector<1024xf32>
    %broadcast_in_dim3A = vector.shape_cast %reduce_sum3A_14 : vector<1024xf32> to vector<1024x1xf32>
    %add3A = arith.constant 1.000000e+00 : f32
    %add3A_15 = vector.broadcast %add3A : f32 to vector<1024x1xf32>
    %add3A_16 = arith.addf %broadcast_in_dim3A, %add3A_15 : vector<1024x1xf32>
    %rsqrt3A = math.rsqrt %add3A_16 : vector<1024x1xf32>
    %iota3A = tpu.iota {dimensions = array<i32: 1>} : vector<1024x48xi32>
    %eq3A = arith.constant 40 : i32
    %eq3A_17 = vector.broadcast %eq3A : i32 to vector<1024x48xi32>
    %eq3A_18 = arith.cmpi eq, %iota3A, %eq3A_17 : vector<1024x48xi32>
    %convert_element_type3A = arith.extui %eq3A_18 : vector<1024x48xi1> to vector<1024x48xi32>
    %convert_element_type3A_19 = arith.sitofp %convert_element_type3A : vector<1024x48xi32> to vector<1024x48xf32>
    %add3A_20 = arith.addf %dot_general3A_10, %convert_element_type3A_19 : vector<1024x48xf32>
    %mul3A = vector.broadcast %rsqrt3A : vector<1024x1xf32> to vector<1024x48xf32>
    %mul3A_21 = arith.mulf %mul3A, %add3A_20 : vector<1024x48xf32>
    %swap3A = arith.constant 0 : index
    %swap3A_22 = arith.constant 0 : index
    %swap3A_23 = vector.load %arg5[%swap3A, %swap3A_22] : memref<1024x48xf32, #tpu.memory_space<vmem>>, vector<1024x48xf32>
    tpu.vector_store %arg5[%swap3A, %swap3A_22], %mul3A_21 {strides = array<i32>} : memref<1024x48xf32, #tpu.memory_space<vmem>>, vector<1024x48xf32>,
    return
  }
  func.func @transform_0(%arg0: i32) -> (i32, i32) {
    %c0_i32 = arith.constant 0 : i32
    %c0_i32_0 = arith.constant 0 : i32
    return %arg0, %c0_i32 : i32, i32
  }
  func.func @transform_1(%arg0: i32) -> (i32, i32) {
    %c0_i32 = arith.constant 0 : i32
    %c0_i32_0 = arith.constant 0 : i32
    %c0_i32_1 = arith.constant 0 : i32
    return %c0_i32, %c0_i32_0 : i32, i32
  }
  func.func @transform_2(%arg0: i32) -> (i32, i32) {
    %c0_i32 = arith.constant 0 : i32
    %c0_i32_0 = arith.constant 0 : i32
    %c0_i32_1 = arith.constant 0 : i32
    return %c0_i32, %c0_i32_0 : i32, i32
  }
  func.func @transform_3(%arg0: i32) -> (i32, i32) {
    %c0_i32 = arith.constant 0 : i32
    %c0_i32_0 = arith.constant 0 : i32
    return %c0_i32, %arg0 : i32, i32
  }
  func.func @transform_4(%arg0: i32) -> (i32, i32) {
    %c0_i32 = arith.constant 0 : i32
    %c0_i32_0 = arith.constant 0 : i32
    return %arg0, %c0_i32 : i32, i32
  }
}

module attributes {stable_mosaic.version = 14 : i64} {
  func.func @_tc2_body(%arg0: i32, %arg1: memref<2x1024x48xf32, #tpu.memory_space<vmem>>, %arg2: memref<1024x48xf32, #tpu.memory_space<vmem>>, %arg3: memref<1024x48xf32, #tpu.memory_space<vmem>>) attributes {dimension_semantics = [#tpu.dimension_semantics<arbitrary>], iteration_bounds = array<i64: 10>, scalar_prefetch = 0 : i64, scratch_operands = 0 : i64, tpu.core_type = #tpu.core_type<tc>, window_params = [{transform_indices = @transform_0, window_bounds = array<i64: 2, 1024, 48>}, {transform_indices = @transform_1, window_bounds = array<i64: 1024, 48>}, {transform_indices = @transform_2, window_bounds = array<i64: 1024, 48>}]} {
    %get3A = arith.constant 0 : index
    %get3A_0 = arith.constant 0 : index
    %get3A_1 = vector.load %arg2[%get3A, %get3A_0] : memref<1024x48xf32, #tpu.memory_space<vmem>>, vector<1024x48xf32>
    %iota3A = tpu.iota {dimensions = array<i32: 1>} : vector<1024x48xi32>
    %eq3A = arith.constant 40 : i32
    %eq3A_2 = vector.broadcast %eq3A : i32 to vector<1024x48xi32>
    %eq3A_3 = arith.cmpi eq, %iota3A, %eq3A_2 : vector<1024x48xi32>
    %convert_element_type3A = arith.extui %eq3A_3 : vector<1024x48xi1> to vector<1024x48xi32>
    %convert_element_type3A_4 = arith.sitofp %convert_element_type3A : vector<1024x48xi32> to vector<1024x48xf32>
    %gt3A = arith.constant 0.000000e+00 : f32
    %gt3A_5 = vector.broadcast %gt3A : f32 to vector<1024x48xf32>
    %gt3A_6 = arith.cmpf ogt, %convert_element_type3A_4, %gt3A_5 : vector<1024x48xf32>
    %jit3A = arith.constant 0.000000e+00 : f32
    %broadcast_in_dim3A = vector.broadcast %jit3A : f32 to vector<1024x48xf32>
    %select_n3A = arith.select %gt3A_6, %get3A_1, %broadcast_in_dim3A : vector<1024x48xi1>, vector<1024x48xf32>
    %reduce_sum3A = arith.constant dense<0.000000e+00> : vector<1024xf32>
    %reduce_sum3A_7 = vector.multi_reduction <add>, %select_n3A, %reduce_sum3A [1] : vector<1024x48xf32> to vector<1024xf32>
    %broadcast_in_dim3A_8 = vector.shape_cast %reduce_sum3A_7 : vector<1024xf32> to vector<1024x1xf32>
    %get3A_9 = arith.constant 0 : index
    %get3A_10 = arith.constant 0 : index
    %get3A_11 = arith.constant 0 : index
    %get3A_12 = vector.load %arg1[%get3A_9, %get3A_10, %get3A_11] : memref<2x1024x48xf32, #tpu.memory_space<vmem>>, vector<1x1024x48xf32>
    %get3A_13 = vector.shape_cast %get3A_12 : vector<1x1024x48xf32> to vector<1024x48xf32>
    %get3A_14 = arith.constant 1 : index
    %get3A_15 = arith.constant 0 : index
    %get3A_16 = arith.constant 0 : index
    %get3A_17 = vector.load %arg1[%get3A_14, %get3A_15, %get3A_16] : memref<2x1024x48xf32, #tpu.memory_space<vmem>>, vector<1x1024x48xf32>
    %get3A_18 = vector.shape_cast %get3A_17 : vector<1x1024x48xf32> to vector<1024x48xf32>
    %add3A = arith.addf %get3A_13, %get3A_18 : vector<1024x48xf32>
    %add3A_19 = arith.addf %add3A, %get3A_1 : vector<1024x48xf32>
    %mul3A = arith.mulf %broadcast_in_dim3A_8, %broadcast_in_dim3A_8 : vector<1024x1xf32>
    %mul3A_20 = vector.broadcast %mul3A : vector<1024x1xf32> to vector<1024x48xf32>
    %mul3A_21 = arith.mulf %mul3A_20, %add3A_19 : vector<1024x48xf32>
    %swap3A = arith.constant 0 : index
    %swap3A_22 = arith.constant 0 : index
    %swap3A_23 = vector.load %arg3[%swap3A, %swap3A_22] : memref<1024x48xf32, #tpu.memory_space<vmem>>, vector<1024x48xf32>
    tpu.vector_store %arg3[%swap3A, %swap3A_22], %mul3A_21 {strides = array<i32>} : memref<1024x48xf32, #tpu.memory_space<vmem>>, vector<1024x48xf32>,
    return
  }
  func.func @transform_0(%arg0: i32) -> (i32, i32, i32) {
    %c0_i32 = arith.constant 0 : i32
    %c0_i32_0 = arith.constant 0 : i32
    %c0_i32_1 = arith.constant 0 : i32
    return %c0_i32, %arg0, %c0_i32_0 : i32, i32, i32
  }
  func.func @transform_1(%arg0: i32) -> (i32, i32) {
    %c0_i32 = arith.constant 0 : i32
    %c0_i32_0 = arith.constant 0 : i32
    return %arg0, %c0_i32 : i32, i32
  }
  func.func @transform_2(%arg0: i32) -> (i32, i32) {
    %c0_i32 = arith.constant 0 : i32
    %c0_i32_0 = arith.constant 0 : i32
    return %arg0, %c0_i32 : i32, i32
  }
}

module attributes {stable_mosaic.version = 14 : i64} {
  func.func @_tc3_body(%arg0: i32, %arg1: memref<2x1000x48xf32, #tpu.memory_space<vmem>>, %arg2: memref<1000x48xf32, #tpu.memory_space<vmem>>, %arg3: memref<1000x48xf32, #tpu.memory_space<vmem>>, %arg4: memref<256x48xf32, #tpu.memory_space<vmem>>, %arg5: memref<1x256xf32, #tpu.memory_space<vmem>>, %arg6: memref<1x48xf32, #tpu.memory_space<vmem>>, %arg7: memref<1000x40xf32, #tpu.memory_space<vmem>>) attributes {dimension_semantics = [#tpu.dimension_semantics<arbitrary>], iteration_bounds = array<i64: 10>, scalar_prefetch = 0 : i64, scratch_operands = 0 : i64, tpu.core_type = #tpu.core_type<tc>, window_params = [{transform_indices = @transform_0, window_bounds = array<i64: 2, 1000, 48>}, {transform_indices = @transform_1, window_bounds = array<i64: 1000, 48>}, {transform_indices = @transform_2, window_bounds = array<i64: 1000, 48>}, {pipeline_mode = #tpu.pipeline_mode<synchronous>, transform_indices = @transform_3, window_bounds = array<i64: 256, 48>}, {pipeline_mode = #tpu.pipeline_mode<synchronous>, transform_indices = @transform_4, window_bounds = array<i64: 1, 256>}, {pipeline_mode = #tpu.pipeline_mode<synchronous>, transform_indices = @transform_5, window_bounds = array<i64: 1, 48>}, {transform_indices = @transform_6, window_bounds = array<i64: 1000, 40>}]} {
    %get3A = arith.constant 0 : index
    %get3A_0 = arith.constant 0 : index
    %get3A_1 = vector.load %arg2[%get3A, %get3A_0] : memref<1000x48xf32, #tpu.memory_space<vmem>>, vector<1000x48xf32>
    %get3A_2 = arith.constant 0 : index
    %get3A_3 = arith.constant 0 : index
    %get3A_4 = vector.load %arg3[%get3A_2, %get3A_3] : memref<1000x48xf32, #tpu.memory_space<vmem>>, vector<1000x48xf32>
    %iota3A = tpu.iota {dimensions = array<i32: 1>} : vector<1000x48xi32>
    %eq3A = arith.constant 40 : i32
    %eq3A_5 = vector.broadcast %eq3A : i32 to vector<1000x48xi32>
    %eq3A_6 = arith.cmpi eq, %iota3A, %eq3A_5 : vector<1000x48xi32>
    %convert_element_type3A = arith.extui %eq3A_6 : vector<1000x48xi1> to vector<1000x48xi32>
    %convert_element_type3A_7 = arith.sitofp %convert_element_type3A : vector<1000x48xi32> to vector<1000x48xf32>
    %gt3A = arith.constant 0.000000e+00 : f32
    %gt3A_8 = vector.broadcast %gt3A : f32 to vector<1000x48xf32>
    %gt3A_9 = arith.cmpf ogt, %convert_element_type3A_7, %gt3A_8 : vector<1000x48xf32>
    %jit3A = arith.constant 0.000000e+00 : f32
    %broadcast_in_dim3A = vector.broadcast %jit3A : f32 to vector<1000x48xf32>
    %select_n3A = arith.select %gt3A_9, %get3A_4, %broadcast_in_dim3A : vector<1000x48xi1>, vector<1000x48xf32>
    %reduce_sum3A = arith.constant dense<0.000000e+00> : vector<1000xf32>
    %reduce_sum3A_10 = vector.multi_reduction <add>, %select_n3A, %reduce_sum3A [1] : vector<1000x48xf32> to vector<1000xf32>
    %broadcast_in_dim3A_11 = vector.shape_cast %reduce_sum3A_10 : vector<1000xf32> to vector<1000x1xf32>
    %iota3A_12 = tpu.iota {dimensions = array<i32: 1>} : vector<1000x48xi32>
    %eq3A_13 = arith.constant 40 : i32
    %eq3A_14 = vector.broadcast %eq3A_13 : i32 to vector<1000x48xi32>
    %eq3A_15 = arith.cmpi eq, %iota3A_12, %eq3A_14 : vector<1000x48xi32>
    %convert_element_type3A_16 = arith.extui %eq3A_15 : vector<1000x48xi1> to vector<1000x48xi32>
    %convert_element_type3A_17 = arith.sitofp %convert_element_type3A_16 : vector<1000x48xi32> to vector<1000x48xf32>
    %gt3A_18 = arith.constant 0.000000e+00 : f32
    %gt3A_19 = vector.broadcast %gt3A_18 : f32 to vector<1000x48xf32>
    %gt3A_20 = arith.cmpf ogt, %convert_element_type3A_17, %gt3A_19 : vector<1000x48xf32>
    %jit3A_21 = arith.constant 0.000000e+00 : f32
    %broadcast_in_dim3A_22 = vector.broadcast %jit3A_21 : f32 to vector<1000x48xf32>
    %select_n3A_23 = arith.select %gt3A_20, %get3A_1, %broadcast_in_dim3A_22 : vector<1000x48xi1>, vector<1000x48xf32>
    %reduce_sum3A_24 = arith.constant dense<0.000000e+00> : vector<1000xf32>
    %reduce_sum3A_25 = vector.multi_reduction <add>, %select_n3A_23, %reduce_sum3A_24 [1] : vector<1000x48xf32> to vector<1000xf32>
    %broadcast_in_dim3A_26 = vector.shape_cast %reduce_sum3A_25 : vector<1000xf32> to vector<1000x1xf32>
    %div3A = arith.divf %broadcast_in_dim3A_26, %broadcast_in_dim3A_11 : vector<1000x1xf32>
    %get3A_27 = arith.constant 0 : index
    %get3A_28 = arith.constant 0 : index
    %get3A_29 = vector.load %arg5[%get3A_27, %get3A_28] : memref<1x256xf32, #tpu.memory_space<vmem>>, vector<1x256xf32>
    %get3A_30 = arith.constant 0 : index
    %get3A_31 = arith.constant 0 : index
    %get3A_32 = vector.load %arg4[%get3A_30, %get3A_31] : memref<256x48xf32, #tpu.memory_space<vmem>>, vector<256x48xf32>
    %dot_general3A = arith.constant dense<0.000000e+00> : vector<1x48xf32>
    %dot_general3A_33 = tpu.matmul %get3A_29, %get3A_32, %dot_general3A {dimension_numbers = #tpu.dot_dimension_numbers<[1], [0], [0], [1], [0, 0, 1, 1], [], []>, transpose_lhs_hint = false} : vector<1x256xf32>, vector<256x48xf32>, vector<1x48xf32> -> vector<1x48xf32>
    %get3A_34 = arith.constant 0 : index
    %get3A_35 = arith.constant 0 : index
    %get3A_36 = arith.constant 0 : index
    %get3A_37 = vector.load %arg1[%get3A_34, %get3A_35, %get3A_36] : memref<2x1000x48xf32, #tpu.memory_space<vmem>>, vector<1x1000x48xf32>
    %get3A_38 = vector.shape_cast %get3A_37 : vector<1x1000x48xf32> to vector<1000x48xf32>
    %get3A_39 = arith.constant 1 : index
    %get3A_40 = arith.constant 0 : index
    %get3A_41 = arith.constant 0 : index
    %get3A_42 = vector.load %arg1[%get3A_39, %get3A_40, %get3A_41] : memref<2x1000x48xf32, #tpu.memory_space<vmem>>, vector<1x1000x48xf32>
    %get3A_43 = vector.shape_cast %get3A_42 : vector<1x1000x48xf32> to vector<1000x48xf32>
    %add3A = arith.addf %get3A_38, %get3A_43 : vector<1000x48xf32>
    %add3A_44 = arith.addf %add3A, %get3A_1 : vector<1000x48xf32>
    %mul3A = vector.broadcast %broadcast_in_dim3A_11 : vector<1000x1xf32> to vector<1000x48xf32>
    %mul3A_45 = arith.mulf %mul3A, %add3A_44 : vector<1000x48xf32>
    %mul3A_46 = vector.broadcast %div3A : vector<1000x1xf32> to vector<1000x48xf32>
    %mul3A_47 = vector.broadcast %dot_general3A_33 : vector<1x48xf32> to vector<1000x48xf32>
    %mul3A_48 = arith.mulf %mul3A_46, %mul3A_47 : vector<1000x48xf32>
    %add3A_49 = arith.addf %mul3A_45, %mul3A_48 : vector<1000x48xf32>
    %get3A_50 = arith.constant 0 : index
    %get3A_51 = arith.constant 0 : index
    %get3A_52 = vector.load %arg6[%get3A_50, %get3A_51] : memref<1x48xf32, #tpu.memory_space<vmem>>, vector<1x48xf32>
    %add3A_53 = vector.broadcast %get3A_52 : vector<1x48xf32> to vector<1000x48xf32>
    %add3A_54 = arith.addf %add3A_49, %add3A_53 : vector<1000x48xf32>
    %slice3A = vector.extract_strided_slice %add3A_54 {offsets = [0, 0], sizes = [1000, 40], strides = [1, 1]} : vector<1000x48xf32> to vector<1000x40xf32>
    %swap3A = arith.constant 0 : index
    %swap3A_55 = arith.constant 0 : index
    %swap3A_56 = vector.load %arg7[%swap3A, %swap3A_55] : memref<1000x40xf32, #tpu.memory_space<vmem>>, vector<1000x40xf32>
    tpu.vector_store %arg7[%swap3A, %swap3A_55], %slice3A {strides = array<i32>} : memref<1000x40xf32, #tpu.memory_space<vmem>>, vector<1000x40xf32>,
    return
  }
  func.func @transform_0(%arg0: i32) -> (i32, i32, i32) {
    %c0_i32 = arith.constant 0 : i32
    %c0_i32_0 = arith.constant 0 : i32
    %c0_i32_1 = arith.constant 0 : i32
    return %c0_i32, %arg0, %c0_i32_0 : i32, i32, i32
  }
  func.func @transform_1(%arg0: i32) -> (i32, i32) {
    %c0_i32 = arith.constant 0 : i32
    %c0_i32_0 = arith.constant 0 : i32
    return %arg0, %c0_i32 : i32, i32
  }
  func.func @transform_2(%arg0: i32) -> (i32, i32) {
    %c0_i32 = arith.constant 0 : i32
    %c0_i32_0 = arith.constant 0 : i32
    return %arg0, %c0_i32 : i32, i32
  }
  func.func @transform_3(%arg0: i32) -> (i32, i32) {
    %c0_i32 = arith.constant 0 : i32
    %c0_i32_0 = arith.constant 0 : i32
    %c0_i32_1 = arith.constant 0 : i32
    return %c0_i32, %c0_i32_0 : i32, i32
  }
  func.func @transform_4(%arg0: i32) -> (i32, i32) {
    %c0_i32 = arith.constant 0 : i32
    %c0_i32_0 = arith.constant 0 : i32
    %c0_i32_1 = arith.constant 0 : i32
    return %c0_i32, %c0_i32_0 : i32, i32
  }
  func.func @transform_5(%arg0: i32) -> (i32, i32) {
    %c0_i32 = arith.constant 0 : i32
    %c0_i32_0 = arith.constant 0 : i32
    %c0_i32_1 = arith.constant 0 : i32
    return %c0_i32, %c0_i32_0 : i32, i32
  }
  func.func @transform_6(%arg0: i32) -> (i32, i32) {
    %c0_i32 = arith.constant 0 : i32
    %c0_i32_0 = arith.constant 0 : i32
    return %arg0, %c0_i32 : i32, i32
  }
}

</mosaic_0001>

<sc_bundles>
// kernel: kernel.11.cloned.1.call-start
scs
__scs_entry_jumppad:
0x0: {  	(pc) =	sbr.rel $0x88, $3  }
0x1: {  	(tag) =	ssettag $0x0;
	lr =	simm.s32 $0x1  }
0x2: {  	[smem:$0x3F9B] =	sst lr;
	_ =	strace $0xD0000000  }
0x3: {  	_ = 	snop  }
0x4: {  	_ = 	snop  }
0x5: {  	_ = 	snop  }
0x6: {  	_ = 	snop  }
0x7: {  	_ = 	snop  }
__scs_overlays_trampoline_lowered:
0x8: {  	[smem:$0x3FAA] =	sst s0  }
0x9: {  	[smem:$0x3FAB] =	sst s1  }
0xa: {  	[smem:$0x3FAC] =	sst s2  }
0xb: {  	[smem:$0x3FAD] =	sst s3  }
0xc: {  	[smem:$0x3FAE] =	sst s4  }
0xd: {  	[smem:$0x3FAF] =	sst s5  }
0xe: {  	[smem:$0x3FB0] =	sst s6  }
0xf: {  	[smem:$0x3FB1] =	sst s7  }
0x10: {  	[smem:$0x3FB2] =	sst s8  }
0x11: {  	[smem:$0x3FB3] =	sst s9;
	s0 =	simm.s32 @!p0 $0x0  }
0x12: {  	s1 =	sld [smem:$0x3F99];
	s0 =	simm.s32 @p0 $0x1  }
0x13: {  	[smem:$0x3FB4] =	sst s0;
	s0 =	simm.s32 @!p1 $0x0  }
0x14: {  	s2 =	sld [smem:$0x3F98];
	s0 =	simm.s32 @p1 $0x1  }
0x15: {  	[smem:$0x3FB5] =	sst s0;
	s0 =	simm.s32 @!p2 $0x0  }
0x16: {  	s3 =	sld [smem:$0x3FDB];
	s0 =	simm.s32 @p2 $0x1  }
0x17: {  	s4 =	simm.s32 $0x1BF5;
	[smem:$0x3FB7] =	sst s0  }
0x18: {  	s0 =	sld [smem:$0x3F9A];
	_ =	swait.ge [sflag:s4], $0x0  }
0x19: {  	s7 =	sld [smem:$0x3F9B]  }
0x1a: {  	s8 =	sadd.s32 $0xFFFFE003, lr  }
0x1b: {  	s9 =	sadd.s32 $0xFFFFFEF7, lr;
	s5 =	simm.s32 $0xFFFFFFFF;
	p2 =	slt.u32 s8, $0xFFFFF086  }
0x1c: {  	p1 =	slt.u32 s9, $0xF7A;
	s5 =	simm.s32 @!p2 $0x0  }
0x1d: {  	s5 =	simm.s32 @p1 $0x1;
	p0 =	seq.s32 s7, s2  }
0x1e: {  	s7 =	smul.u32 @!p0 $0xF7A, s2;
	p2 =	seq.s32 @!p0 s5, $0x0  }
0x1f: {  	s9 =	smul.u32 $0xF7A, s1;
	s8 =	simm.s32 @!p0 $0x1BF5;
	p2 =	por !p2, p0  }
0x20: {  	[sflag:s8] =	ssyncset.s32 @!p0 $0xFFFFF086;
	s6 =	sadd.s32 @!p0 s3, s7;
	s7 =	simm.s32 @!p0 $0x108  }
0x21: {  	s3 =	sadd.s32 s3, s9;
	s6 =	sadd.s32 @!p0 $0x88, s6;
	s7 =	simm.s32 @p2 $0x1082  }
0x22: {  	[simem:s7], [sflag:s8] =	dma.local @!p0 [hbm:s6], $0xF7A  }
0x23: {  	s9 =	sor.u32 $0xD0000000, s2;
	s6 =	simm.s32 $0x108;
	_ =	swait.ge @!p0 [sflag:s8], $0x0  }
0x24: {  	s3 =	sadd.s32 $0x88, s3;
	s6 =	simm.s32 @!p1 $0x1082;
	[sflag:s4] =	ssyncset.s32 $0xFFFFF086  }
0x25: {  	[simem:s6], [sflag:s4] =	dma.local [hbm:s3], $0xF7A  }
0x26: {  	[smem:$0x3F9B] =	sst s1;
	(tag) =	ssettag s2;
	_ =	strace s9  }
0x27: {  	s1 =	sld [smem:$0x3FAB]  }
0x28: {  	s2 =	sld [smem:$0x3FAC]  }
0x29: {  	s4 =	sld [smem:$0x3FAE]  }
0x2a: {  	p0 =	seq.s32 s5, $0x0;
	s5 =	sld [smem:$0x3FAF]  }
0x2b: {  	s6 =	sld [smem:$0x3FB0]  }
0x2c: {  	s7 =	sld [smem:$0x3FB1]  }
0x2d: {  	s3 =	simm.s32 $0x108;
	s8 =	sld [smem:$0x3FB2]  }
0x2e: {  	s3 =	simm.s32 @!p0 $0x1082;
	s9 =	sld [smem:$0x3FB3]  }
0x2f: {  	lr =	sadd.s32 s0, s3;
	s0 =	sld [smem:$0x3FAA]  }
0x30: {  	s3 =	sld [smem:$0x3FAD]  }
0x31: {  	[smem:$0x3FB6] =	sst s10  }
0x32: {  	s10 =	sld [smem:$0x3FB4];
	_ =	sdelay $0x3  }
0x33: {  	p0 =	seq.s32 s10, $0x1;
	s10 =	sld [smem:$0x3FB6];
	_ =	sdelay $0x3  }
0x34: {  	[smem:$0x3FB6] =	sst s10  }
0x35: {  	s10 =	sld [smem:$0x3FB5];
	_ =	sdelay $0x3  }
0x36: {  	p1 =	seq.s32 s10, $0x1;
	s10 =	sld [smem:$0x3FB6];
	_ =	sdelay $0x3  }
0x37: {  	[smem:$0x3FB6] =	sst s10  }
0x38: {  	s10 =	sld [smem:$0x3FB7]  }
0x39: {  	_ = 	snop;
	(pc) =	sbr.ind lr, $3  }
0x3a: {  	_ = 	snop  }
0x3b: {  	_ = 	snop  }
0x3c: {  	p2 =	seq.s32 s10, $0x1;
	s10 =	sld [smem:$0x3FB6]  }
0x3d: {  	_ =	shalt  }
0x3e: {  	_ =	shalt  }
0x3f: {  	_ =	shalt  }
0x40: {  	_ =	shalt  }
0x41: {  	_ =	shalt  }
0x42: {  	_ =	shalt  }
0x43: {  	_ =	shalt  }
0x44: {  	_ =	shalt  }
0x45: {  	_ =	shalt  }
0x46: {  	_ =	shalt  }
0x47: {  	_ =	shalt  }
0x48: {  	_ =	shalt  }
0x49: {  	_ =	shalt  }
0x4a: {  	_ =	shalt  }
0x4b: {  	_ =	shalt  }
0x4c: {  	_ =	shalt  }
0x4d: {  	_ =	shalt  }
0x4e: {  	_ =	shalt  }
0x4f: {  	_ =	shalt  }
0x50: {  	_ =	shalt  }
0x51: {  	_ =	shalt  }
0x52: {  	_ =	shalt  }
0x53: {  	_ =	shalt  }
0x54: {  	_ =	shalt  }
0x55: {  	_ =	shalt  }
0x56: {  	_ =	shalt  }
0x57: {  	_ =	shalt  }
0x58: {  	_ =	shalt  }
0x59: {  	_ =	shalt  }
0x5a: {  	_ =	shalt  }
0x5b: {  	_ =	shalt  }
0x5c: {  	_ =	shalt  }
0x5d: {  	_ =	shalt  }
0x5e: {  	_ =	shalt  }
0x5f: {  	_ =	shalt  }
0x60: {  	_ =	shalt  }
0x61: {  	_ =	shalt  }
0x62: {  	_ =	shalt  }
0x63: {  	_ =	shalt  }
0x64: {  	_ =	shalt  }
0x65: {  	_ =	shalt  }
0x66: {  	_ =	shalt  }
0x67: {  	_ =	shalt  }
0x68: {  	_ =	shalt  }
0x69: {  	_ =	shalt  }
0x6a: {  	_ =	shalt  }
0x6b: {  	_ =	shalt  }
0x6c: {  	_ =	shalt  }
0x6d: {  	_ =	shalt  }
0x6e: {  	_ =	shalt  }
0x6f: {  	_ =	shalt  }
0x70: {  	_ =	shalt  }
0x71: {  	_ =	shalt  }
0x72: {  	_ =	shalt  }
0x73: {  	_ =	shalt  }
0x74: {  	_ =	shalt  }
0x75: {  	_ =	shalt  }
0x76: {  	_ =	shalt  }
0x77: {  	_ =	shalt  }
0x78: {  	_ =	shalt  }
0x79: {  	_ =	shalt  }
0x7a: {  	_ =	shalt  }
0x7b: {  	_ =	shalt  }
0x7c: {  	_ =	shalt  }
0x7d: {  	_ =	shalt  }
0x7e: {  	_ =	shalt  }
0x7f: {  	_ =	shalt  }
0x80: {  	_ =	shalt  }
0x81: {  	_ =	shalt  }
0x82: {  	_ =	shalt  }
0x83: {  	_ =	shalt  }
0x84: {  	_ =	shalt  }
0x85: {  	_ =	shalt  }
0x86: {  	_ =	shalt  }
0x87: {  	_ =	shalt  }
.Lfunc_end0:
.L_simem_size_0:
called_computation.1_lowered:
.L_overlay_start_0:
0x88: {  	s2 =	sld [smem:$0x3FD9]  }
0x89: {  	s3 =	sld [smem:$0x3FFE];
	_ =	sdelay $0x1  }
0x8a: {  	s1 =	srdreg.scid  }
0x8b: {  	s0 =	sand.u32 $0x1, s1  }
0x8c: {  	s17 =	sshll.u32 s0, $0xA;
	s2 =	sadd.s32 s3, s2  }
0x8d: {  	s2 =	sadd.s32 s2, s17  }
0x8e: {  	[smem:$0x3FC2] =	sst s2  }
0x8f: {  	_ = 	snop  }
0x90: {  	s2 =	sld [smem:$0x3FD0];
	(tm) =	ssettm $0x1  }
0x91: {  	s18 =	sld [smem:$0x3FFB];
	_ =	sdelay $0x3  }
0x92: {  	_ =	strace s18  }
0x93: {  	s3 =	sld [smem:$0x3FFC];
	_ =	sdelay $0x3  }
0x94: {  	_ =	strace s3  }
0x95: {  	s3 =	sld [smem:$0x3FFD];
	_ =	sdelay $0x3  }
0x96: {  	_ =	strace s3  }
0x97: {  	_ =	strace $0x8FFFFFFF  }
0x98: {  	s19 =	sld [smem:$0x3FDB];
	_ =	sdelay $0x1  }
0x99: {  	s4 =	simm.s32 $_scs_section_size  }
0x9a: {  	s5 =	simm.s32 $_size__tile_overlayer_lowered;
	s6 =	simm.s32 $_tile_overlayer_lowered  }
0x9b: {  	s22 =	simm.s32 $0x1BFF;
	s21 =	sshll.u32 s6, $0x1;
	s3 =	sadd.s32 s4, s19  }
0x9c: {  	s7 =	simm.s32 $0x0;
	s20 =	sshll.u32 s5, $0x1;
	s5 =	sadd.s32 s21, s3  }
0x9d: {  	[timem:s7], [sflag:s22] =	dma.local [hbm:s5], s20  }
0x9e: {  	_ =	swait.ge [sflag:s22], s20  }
0x9f: {  	s4 =	ssub.s32 $0x0, s20;
	[sflag:s22] =	ssyncset.done $0x0  }
0xa0: {  	[sflag:s22] =	ssyncadd.s32 s4;
	_ =	sdelay $0x1  }
0xa1: {  	s23 =	simm.s32 $0x1B8B  }
0xa2: {  	_ =	swait.ge [sflag:s23], $0x1  }
0xa3: {  	[sflag:s23] =	ssyncset.done $0x0  }
0xa4: {  	s25 =	simm.s32 $0x1B8E;
	s24 =	sld [smem:$0x3FFE];
	[sflag:s23] =	ssyncadd.s32 $0xFFFFFFFF  }
0xa5: {  	s26 =	simm.s32 $execute0_lowered;
	[smem:$0x3FD2] =	sst s25  }
0xa6: {  	s5 =	sshll.u32 s26, $0x1;
	_ =	strace $0x80000049;
	[dreg:$0x1] =	wrdreg $0xFFFFFFFF  }
0xa7: {  	s28 =	simm.s32 $_size_execute0_lowered;
	s3 =	sadd.s32 s3, s5;
	[dreg:$0x0] =	wrdreg $0x0  }
0xa8: {  	s5 =	sshll.u32 s28, $0x1;
	[dreg:$0x2] =	wrdreg s3  }
0xa9: {  	[dreg:$0x3] =	wrdreg s5  }
0xaa: {  	[dreg:$0x4] =	wrdreg $0xC0  }
0xab: {  	_ =	task [dreg:s7], $0x5FFFF  }
0xac: {  	[dreg:$0x1] =	wrdreg $0xFFFFFFFF  }
0xad: {  	[dreg:$0x0] =	wrdreg $0x60  }
0xae: {  	[dreg:$0x2] =	wrdreg s24  }
0xaf: {  	[dreg:$0x3] =	wrdreg s2  }
0xb0: {  	[dreg:$0x4] =	wrdreg $0x0  }
0xb1: {  	[dreg:$0x5] =	wrdreg $0x9  }
0xb2: {  	_ =	task.clear_ibuf [dreg:s7], $0x6FFFF;
	_ =	strace $0x90000049  }
0xb3: {  	s29 =	simm.s32 $0x9;
	_ =	strace $0x8000004B  }
0xb4: {  	_ =	swait.ge [sflag:s29], $0x1  }
0xb5: {  	[sflag:s29] =	ssyncadd.s32 $0xFFFFFFFF  }
0xb6: {  	_ =	strace $0x9000004B  }
0xb7: {  	_ =	sfence  }
0xb8: {  	s30 =	sld [smem:$0x0];
	_ =	sdelay $0x2  }
0xb9: {  	s31 =	sshll.u32 s1, $0xD;
	s1 =	sshrl.u32 s1, $0x2  }
0xba: {  	s3 =	sand.u32 $0x4000, s31;
	s1 =	sadd.s32 s1, s30  }
0xbb: {  	s0 =	sor.u32 s3, s0;
	s1 =	sshll.u32 s1, $0x11  }
0xbc: {  	s0 =	sor.u32 s1, s0  }
0xbd: {  	s0 =	sadd.s32 $0x8F2B, s0  }
0xbe: {  	[sflag:s0] =	ssyncadd.remote.s32 $0x1  }
0xbf: {  	_ =	sfence.sel $0xFFFF  }
0xc0: {  	[dreg:$0x0] =	wrdreg $0xFFFFFFFF;
	(pc) =	sbr.abs _section_cstart, $3  }
0xc1: {  	[dreg:$0x1] =	wrdreg $0xFFFFFFFF  }
0xc2: {  	_ =	task.clear_ibuf [dreg:s7], $0x2FFFF;
	_ =	strace $0x9FFFFFFF  }
0xc3: {  	(tm) =	ssettm $0x7FFFFFFF  }
tec
execute0_lowered:
.L_overlay_start_1:
0x0: {  	(tag) =	ssettag $0x1  }
0x1: {  	s0 =	rddreg [dreg:$0x0]  }
0x2: {  	s1 =	rddreg [dreg:$0x1]  }
0x3: {  	s2 =	rddreg [dreg:$0x2];
	s3 =	srdreg.scid  }
0x4: {  	s4 =	stileid.u32;
	s6 =	simm.s32 $0x0;
	s18 =	simm.s32 $0x18800  }
0x5: {  	s11 =	simm.s32 $0x11;
	s14 =	simm.s32 $0x80;
	s15 =	simm.s32 $0xC800  }
0x6: {  	s17 =	simm.s32 $0xE000;
	s19 =	simm.s32 $0xF800;
	s21 =	simm.s32 $0x11000  }
0x7: {  	s22 =	simm.s32 $0x1;
	s23 =	simm.s32 $0x12800;
	s28 =	simm.s32 $0x15800  }
0x8: {  	s29 =	simm.s32 $0x4;
	s30 =	simm.s32 $0x17000;
	s31 =	simm.s32 $0x5  }
0x9: {  	s13 =	simm.s32 $0x8;
	s16 =	simm.s32 $0xC;
	s3 =	sand.u32 $0x1, s3  }
0xa: {  	s5 =	smul.u32 $0x7800, s4;
	[smem:$0x7FF] =	sst s6;
	s4 =	sshll.u32 s4, $0x1  }
0xb: {  	s24 =	smul.u32 $0x78000, s3;
	s4 =	sor.u32 s3, s4;
	s3 =	ssub.s32 $0x2, s3  }
0xc: {  	_ =	strace $0x8000004A;
	s7 =	smul.u32 $0x500, s4;
	s8 =	sshrl.u32 s3, $0x1  }
0xd: {  	s4 =	sadd.s32 $0xBE00, s0;
	s6 =	sadd.s32 s5, s24;
	s3 =	ssub.s32 s3, s8  }
0xe: {  	s5 =	sadd.s32 s5, s2;
	s24 =	simm.s32 $0x2;
	s8 =	simm.s32 $0x0  }
0xf: {  	s6 =	sshrl.u32 s6, $0x3;
	s9 =	sadd.s32 s7, s0;
	s1 =	sadd.s32 s1, s7  }
.Ltmp0:
0x10: {  	s26 =	smax.u32 s3, $0x1;
	s3 =	simm.s32 $0xB;
	(pc) =	sbr.rel .LBB2_1-.Ltmp0, $4  }
0x11: {  	s7 =	simm.s32 $0x10;
	s0 =	sadd.s32 s6, s0;
	[dreg:$0x4] =	wrdreg s1  }
0x12: {  	s25 =	sadd.s32 $0x1E00, s9;
	[dreg:$0x7] =	wrdreg s26;
	s26 =	simm.s32 $0x3  }
0x13: {  	s1 =	simm.s32 $0x7;
	[dreg:$0x5] =	wrdreg s25;
	s0 =	sadd.s32 $0x1AE00, s0  }
0x14: {  	v0 =	vimm.f32 $0.0e+00;
	s25 =	simm.s32 $0x14000;
	[dreg:$0x6] =	wrdreg s0;
	s0 =	simm.s32 $0x9  }
.LBB2_6:
0x15: {  	_ =	swait.ge [sflag:s13], $0x1800  }
0x16: {  	[sflag:s13] =	ssyncset.done $0x0  }
0x17: {  	[sflag:s13] =	ssyncadd.s32 $0xFFFFE800  }
0x18: {  	[spmem:s2] =	stream.indirect.scatter.add.f32 [tilespmem:s30], [sflag:$0x10], $0x30, s10, s14, $0xb8;
	v63 =	vld [tilespmem:$0x0]  }
0x19: {  	_ =	swait.ge [sflag:s16], $0x1800  }
0x1a: {  	[sflag:s16] =	ssyncset.done $0x0  }
0x1b: {  	s6 =	simm.s32 $0xD;
	[sflag:s16] =	ssyncadd.s32 $0xFFFFE800  }
0x1c: {  	_ =	swait.ge [sflag:s6], $0x1800  }
0x1d: {  	[sflag:s6] =	ssyncset.done $0x0  }
0x1e: {  	s9 =	simm.s32 $0xE;
	[sflag:s6] =	ssyncadd.s32 $0xFFFFE800  }
0x1f: {  	_ =	swait.ge [sflag:s9], $0x1800  }
0x20: {  	[sflag:s9] =	ssyncset.done $0x0  }
0x21: {  	s10 =	simm.s32 $0xF;
	[sflag:s9] =	ssyncadd.s32 $0xFFFFE800  }
0x22: {  	_ =	swait.ge [sflag:s10], $0x1800  }
0x23: {  	[sflag:s10] =	ssyncset.done $0x0  }
0x24: {  	[sflag:s10] =	ssyncadd.s32 $0xFFFFE800  }
0x25: {  	_ =	swait.ge [sflag:s7], $0x1800  }
0x26: {  	[sflag:s7] =	ssyncset.done $0x0  }
0x27: {  	[sflag:s7] =	ssyncadd.s32 $0xFFFFE800  }
0x28: {  	s18 =	simm.s32 $0x18800;
	[bflag:$0x0] =	sbarrier.arrive $0xFFFF  }
0x29: {  	[tilespmem:s18], [sflag:$0x11] =	stream.linear.gather [spmem:s5], $0x7800, $0x38;
	v63 =	vld [tilespmem:$0x0]  }
0x2a: {  	_ =	swait.ge [sflag:s11], $0x7800  }
0x2b: {  	[sflag:s11] =	ssyncset.done $0x0  }
0x2c: {  	s12 =	simm.s32 $0x0;
	s9 =	rddreg [dreg:$0x6];
	[sflag:s11] =	ssyncadd.s32 $0xFFFF8800  }
0x2d: {  	[hbm4b:s9+s12] =	stream.linear.scatter [tilespmem:s18], [sflag:$0x11], $0x7800, $0x38;
	v63 =	vld [tilespmem:$0x0]  }
0x2e: {  	_ =	swait.ge [sflag:s11], $0x7800  }
0x2f: {  	s8 =	sadd.s32 $0x1, s8;
	s20 =	rddreg [dreg:$0x7]  }
0x30: {  	p0 =	sne.s32 s8, s20  }
.Ltmp1:
0x31: {  	_ = 	snop;
	(pc) =	sbr.rel @!p0 .LBB2_7-.Ltmp1, $3  }
0x32: {  	_ =	sdelay $0x1  }
0x33: {  	[sflag:s11] =	ssyncset.done $0x0  }
0x34: {  	[sflag:s11] =	ssyncadd.s32 $0xFFFF8800  }
.LBB2_1:
0x35: {  	s9 =	simm.s32 $0xC0;
	s12 =	simm.s32 $0x0  }
.LBB2_2:
0x36: {  	p0 =	sne.s32 s9, $0x1DF40;
	[tilespmem:s12+$0x18820] =	vst v0;
	s10 =	smov.u32 s9;
	s9 =	sadd.s32 $0xC0, s9  }
.Ltmp2:
0x37: {  	[tilespmem:s12+$0x18800] =	vst v0;
	(pc) =	sbr.rel @p0 .LBB2_2-.Ltmp2, $2  }
0x38: {  	[tilespmem:s12+$0x18810] =	vst v0;
	_ =	sdelay $0x2  }
0x39: {  	s12 =	sshra.s32 s10, $0x2  }
0x3a: {  	[tilespmem:s12+$0x18820] =	vst v0  }
0x3b: {  	[tilespmem:s12+$0x18800] =	vst v0  }
0x3c: {  	[tilespmem:s12+$0x18810] =	vst v0  }
0x3d: {  	[spmem:s5] =	stream.linear.scatter [tilespmem:s18], [sflag:$0x11], $0x7800, $0x38;
	v63 =	vld [tilespmem:$0x0]  }
0x3e: {  	_ =	swait.ge [sflag:s11], $0x7800  }
0x3f: {  	s12 =	simm.s32 $0x0;
	[sflag:s11] =	ssyncset.done $0x0  }
0x40: {  	s9 =	simm.s32 $0x7800;
	s6 =	rddreg [dreg:$0x4];
	[sflag:s11] =	ssyncadd.s32 $0xFFFF8800  }
0x41: {  	[tilespmem:s9], [sflag:$0x11] =	stream.linear.gather [hbm4b:s6+s12], $0x2800, $0x38;
	v63 =	vld [tilespmem:$0x0]  }
0x42: {  	_ =	swait.ge [sflag:s11], $0x2800  }
0x43: {  	[sflag:s11] =	ssyncset.done $0x0  }
0x44: {  	s10 =	simm.s32 $0xA000;
	s20 =	rddreg [dreg:$0x5];
	[sflag:s11] =	ssyncadd.s32 $0xFFFFD800  }
0x45: {  	[tilespmem:s10], [sflag:$0x11] =	stream.linear.gather [hbm4b:s20+s12], $0x2800, $0x38;
	v63 =	vld [tilespmem:$0x0]  }
0x46: {  	_ =	swait.ge [sflag:s11], $0x2800  }
0x47: {  	[sflag:s11] =	ssyncset.done $0x0  }
0x48: {  	[sflag:s11] =	ssyncadd.s32 $0xFFFFD800  }
0x49: {  	[bflag:$0x0] =	sbarrier.arrive $0xFFFF  }
0x4a: {  	[tilespmem:s15], [sflag:$0x1] =	stream.indirect.gather [hbm4b:s4+s14], $0x30, s9, s14, $0xb8;
	v63 =	vld [tilespmem:$0x0]  }
0x4b: {  	s10 =	simm.s32 $0x7880  }
0x4c: {  	[tilespmem:s17], [sflag:$0x2] =	stream.indirect.gather [hbm4b:s4+s14], $0x30, s10, s14, $0xb8;
	v63 =	vld [tilespmem:$0x0]  }
0x4d: {  	s18 =	simm.s32 $0x7900  }
0x4e: {  	[tilespmem:s19], [sflag:$0x3] =	stream.indirect.gather [hbm4b:s4+s14], $0x30, s18, s14, $0xb8;
	v63 =	vld [tilespmem:$0x0]  }
0x4f: {  	s20 =	simm.s32 $0x7980  }
0x50: {  	[tilespmem:s21], [sflag:$0x4] =	stream.indirect.gather [hbm4b:s4+s14], $0x30, s20, s14, $0xb8;
	v63 =	vld [tilespmem:$0x0]  }
.LBB2_4:
0x51: {  	_ =	swait.ge [sflag:s22], $0x1800  }
0x52: {  	s9 =	sshra.s32 s12, $0x2;
	[sflag:s22] =	ssyncset.done $0x0  }
0x53: {  	p0 =	seq.s32 s12, $0x0;
	s10 =	sadd.s32 $0xA000, s9;
	[sflag:s22] =	ssyncadd.s32 $0xFFFFE800  }
0x54: {  	[spmem:s2] =	stream.indirect.scatter.add.f32 [tilespmem:s15], [sflag:$0x9], $0x30, s10, s14, $0xb8;
	v63 =	vld [tilespmem:$0x0]  }
0x55: {  	s10 =	simm.s32 @!p0 $0xD  }
0x56: {  	_ =	swait.ge @!p0 [sflag:s10], $0x1800  }
0x57: {  	[sflag:s10] =	ssyncset.done @!p0 $0x0  }
0x58: {  	s6 =	sadd.s32 $0x7A00, s9;
	[sflag:s10] =	ssyncadd.s32 @!p0 $0xFFFFE800  }
0x59: {  	[tilespmem:s23], [sflag:$0x5] =	stream.indirect.gather [hbm4b:s4+s14], $0x30, s6, s14, $0xb8;
	v63 =	vld [tilespmem:$0x0]  }
0x5a: {  	_ =	swait.ge [sflag:s24], $0x1800  }
0x5b: {  	[sflag:s24] =	ssyncset.done $0x0  }
0x5c: {  	s18 =	sadd.s32 $0xA080, s9;
	s10 =	simm.s32 @!p0 $0xE;
	[sflag:s24] =	ssyncadd.s32 $0xFFFFE800  }
0x5d: {  	[spmem:s2] =	stream.indirect.scatter.add.f32 [tilespmem:s17], [sflag:$0xA], $0x30, s18, s14, $0xb8;
	v63 =	vld [tilespmem:$0x0]  }
0x5e: {  	_ =	swait.ge @!p0 [sflag:s10], $0x1800  }
0x5f: {  	[sflag:s10] =	ssyncset.done @!p0 $0x0  }
0x60: {  	s20 =	sadd.s32 $0x7A80, s9;
	[sflag:s10] =	ssyncadd.s32 @!p0 $0xFFFFE800  }
0x61: {  	[tilespmem:s25], [sflag:$0x6] =	stream.indirect.gather [hbm4b:s4+s14], $0x30, s20, s14, $0xb8;
	v63 =	vld [tilespmem:$0x0]  }
0x62: {  	_ =	swait.ge [sflag:s26], $0x1800  }
0x63: {  	[sflag:s26] =	ssyncset.done $0x0  }
0x64: {  	s6 =	sadd.s32 $0xA100, s9;
	s10 =	simm.s32 @!p0 $0xF;
	[sflag:s26] =	ssyncadd.s32 $0xFFFFE800  }
0x65: {  	[spmem:s2] =	stream.indirect.scatter.add.f32 [tilespmem:s19], [sflag:$0xB], $0x30, s6, s14, $0xb8;
	v63 =	vld [tilespmem:$0x0]  }
0x66: {  	_ =	swait.ge @!p0 [sflag:s10], $0x1800  }
0x67: {  	[sflag:s10] =	ssyncset.done @!p0 $0x0  }
0x68: {  	s18 =	sadd.s32 $0x7B00, s9;
	[sflag:s10] =	ssyncadd.s32 @!p0 $0xFFFFE800  }
0x69: {  	[tilespmem:s28], [sflag:$0x7] =	stream.indirect.gather [hbm4b:s4+s14], $0x30, s18, s14, $0xb8;
	v63 =	vld [tilespmem:$0x0]  }
0x6a: {  	_ =	swait.ge [sflag:s29], $0x1800  }
0x6b: {  	[sflag:s29] =	ssyncset.done $0x0  }
0x6c: {  	s20 =	sadd.s32 $0xA180, s9;
	s10 =	simm.s32 @!p0 $0x10;
	[sflag:s29] =	ssyncadd.s32 $0xFFFFE800  }
0x6d: {  	[spmem:s2] =	stream.indirect.scatter.add.f32 [tilespmem:s21], [sflag:$0xC], $0x30, s20, s14, $0xb8;
	v63 =	vld [tilespmem:$0x0]  }
0x6e: {  	_ =	swait.ge @!p0 [sflag:s10], $0x1800  }
0x6f: {  	[sflag:s10] =	ssyncset.done @!p0 $0x0  }
0x70: {  	s6 =	sadd.s32 $0x7B80, s9;
	[sflag:s10] =	ssyncadd.s32 @!p0 $0xFFFFE800  }
0x71: {  	[tilespmem:s30], [sflag:$0x8] =	stream.indirect.gather [hbm4b:s4+s14], $0x30, s6, s14, $0xb8;
	v63 =	vld [tilespmem:$0x0]  }
0x72: {  	_ =	swait.ge [sflag:s31], $0x1800  }
0x73: {  	[sflag:s31] =	ssyncset.done $0x0  }
0x74: {  	s18 =	sadd.s32 $0xA200, s9;
	[sflag:s31] =	ssyncadd.s32 $0xFFFFE800  }
0x75: {  	[spmem:s2] =	stream.indirect.scatter.add.f32 [tilespmem:s23], [sflag:$0xD], $0x30, s18, s14, $0xb8;
	v63 =	vld [tilespmem:$0x0]  }
0x76: {  	_ =	swait.ge [sflag:s0], $0x1800  }
0x77: {  	p0 =	seq.s32 s12, $0x9000;
	[sflag:s0] =	ssyncset.done $0x0  }
0x78: {  	s10 =	simm.s32 @p0 $0x6;
	[sflag:s0] =	ssyncadd.s32 $0xFFFFE800  }
0x79: {  	_ =	swait.ge @p0 [sflag:s10], $0x1800  }
0x7a: {  	[sflag:s10] =	ssyncset.done @p0 $0x0  }
0x7b: {  	[sflag:s10] =	ssyncadd.s32 @p0 $0xFFFFE800;
	s10 =	sshra.s32 @p0 s12, $0x2  }
0x7c: {  	s20 =	simm.s32 @p0 $0x14000;
	s18 =	simm.s32 @p0 $0x80;
	s10 =	sadd.s32 @p0 $0xA280, s10  }
0x7d: {  	[spmem:s2] =	stream.indirect.scatter.add.f32 @p0 [tilespmem:s20], [sflag:$0xE], $0x30, s10, s18, $0xb8;
	v63 =	vld [tilespmem:$0x0]  }
0x7e: {  	s10 =	simm.s32 @p0 $0xA  }
0x7f: {  	_ =	swait.ge @p0 [sflag:s10], $0x1800  }
0x80: {  	[sflag:s10] =	ssyncset.done @p0 $0x0  }
0x81: {  	[sflag:s10] =	ssyncadd.s32 @p0 $0xFFFFE800;
	s10 =	sshra.s32 @!p0 s12, $0x2  }
0x82: {  	s6 =	simm.s32 @!p0 $0xC800;
	s20 =	simm.s32 @!p0 $0x80;
	s18 =	sadd.s32 @!p0 $0x7C00, s10  }
0x83: {  	[tilespmem:s6], [sflag:$0x1] =	stream.indirect.gather @!p0 [hbm4b:s4+s20], $0x30, s18, s20, $0xb8;
	v63 =	vld [tilespmem:$0x0]  }
0x84: {  	s6 =	simm.s32 @!p0 $0x6  }
0x85: {  	_ =	swait.ge @!p0 [sflag:s6], $0x1800  }
0x86: {  	[sflag:s6] =	ssyncset.done @!p0 $0x0  }
0x87: {  	s18 =	simm.s32 @!p0 $0x14000;
	[sflag:s6] =	ssyncadd.s32 @!p0 $0xFFFFE800;
	s6 =	sadd.s32 @!p0 $0xA280, s10  }
0x88: {  	[spmem:s2] =	stream.indirect.scatter.add.f32 @!p0 [tilespmem:s18], [sflag:$0xE], $0x30, s6, s20, $0xb8;
	v63 =	vld [tilespmem:$0x0]  }
0x89: {  	s6 =	simm.s32 @!p0 $0xA  }
0x8a: {  	_ =	swait.ge @!p0 [sflag:s6], $0x1800  }
0x8b: {  	[sflag:s6] =	ssyncset.done @!p0 $0x0  }
0x8c: {  	[sflag:s6] =	ssyncadd.s32 @!p0 $0xFFFFE800;
	s6 =	sadd.s32 @!p0 $0x7C80, s10;
	s10 =	simm.s32 @!p0 $0xE000  }
0x8d: {  	[tilespmem:s10], [sflag:$0x2] =	stream.indirect.gather @!p0 [hbm4b:s4+s20], $0x30, s6, s20, $0xb8;
	v63 =	vld [tilespmem:$0x0]  }
0x8e: {  	_ =	swait.ge [sflag:s1], $0x1800  }
0x8f: {  	[sflag:s1] =	ssyncset.done $0x0  }
.Ltmp3:
0x90: {  	s20 =	sadd.s32 $0xA300, s9;
	[sflag:s1] =	ssyncadd.s32 $0xFFFFE800;
	(pc) =	sbr.rel @p0 .LBB2_6-.Ltmp3, $4  }
0x91: {  	[spmem:s2] =	stream.indirect.scatter.add.f32 [tilespmem:s28], [sflag:$0xF], $0x30, s20, s14, $0xb8;
	v63 =	vld [tilespmem:$0x0]  }
0x92: {  	_ =	swait.ge [sflag:s3], $0x1800  }
0x93: {  	[sflag:s3] =	ssyncset.done $0x0  }
0x94: {  	s10 =	sadd.s32 $0xA380, s9;
	[sflag:s3] =	ssyncadd.s32 $0xFFFFE800  }
0x95: {  	s6 =	sadd.s32 $0x7D00, s9  }
0x96: {  	[tilespmem:s19], [sflag:$0x3] =	stream.indirect.gather [hbm4b:s4+s14], $0x30, s6, s14, $0xb8;
	v63 =	vld [tilespmem:$0x0]  }
0x97: {  	_ =	swait.ge [sflag:s13], $0x1800  }
0x98: {  	[sflag:s13] =	ssyncset.done $0x0  }
0x99: {  	[sflag:s13] =	ssyncadd.s32 $0xFFFFE800  }
0x9a: {  	[spmem:s2] =	stream.indirect.scatter.add.f32 [tilespmem:s30], [sflag:$0x10], $0x30, s10, s14, $0xb8;
	v63 =	vld [tilespmem:$0x0]  }
.Ltmp4:
0x9b: {  	_ = 	snop;
	(pc) =	sbr.rel .LBB2_4-.Ltmp4, $4  }
0x9c: {  	_ =	swait.ge [sflag:s16], $0x1800  }
0x9d: {  	[sflag:s16] =	ssyncset.done $0x0  }
0x9e: {  	s20 =	sadd.s32 $0x7D80, s9;
	s12 =	sadd.s32 $0x1000, s12;
	[sflag:s16] =	ssyncadd.s32 $0xFFFFE800  }
0x9f: {  	[tilespmem:s21], [sflag:$0x4] =	stream.indirect.gather [hbm4b:s4+s14], $0x30, s20, s14, $0xb8;
	v63 =	vld [tilespmem:$0x0]  }
.LBB2_7:
0xa0: {  	_ =	sfence.sel $0x180000  }
0xa1: {  	[bflag:$0x0] =	sbarrier.arrive $0xFFFF  }
0xa2: {  	_ =	strace $0x9000004A  }
0xa3: {  	s0 =	stileid.u32;
	[bflag:$0x2] =	sbarrier.arrive $0xFFFF  }
0xa4: {  	p0 =	sne.s32 s0, $0x0;
	s0 =	rddreg [dreg:$0x3]  }
0xa5: {  	s0 =	sadd.s32 @!p0 $0x100000, s0  }
0xa6: {  	[sflag:s0] =	ssyncadd.tile.s32 @!p0 $0x1;
	_ =	shalt  }
.Lfunc_end2:
_tile_overlayer_lowered:
.L_overlay_start_2:
0xa7: {  	(tag) =	ssettag $0x2  }
0xa8: {  	s0 =	rddreg [dreg:$0x0];
	s2 =	stileid.u32  }
0xa9: {  	s1 =	rddreg [dreg:$0x1];
	p0 =	sne.s32 s2, $0x0  }
0xaa: {  	s3 =	rddreg [dreg:$0x2];
	[bflag:$0x3] =	sbarrier.arrive $0xFFFF;
	s2 =	simm.s32 @!p0 $0x1C11  }
0xab: {  	[timem:s3], [sflag:s2] =	dma.local @!p0 [hbm:s0], s1  }
0xac: {  	s0 =	simm.s32 @!p0 $0x11  }
0xad: {  	_ =	swait.ge @!p0 [sflag:s0], s1  }
0xae: {  	s1 =	ssub.s32 @!p0 $0x0, s1;
	[sflag:s0] =	ssyncset.done @!p0 $0x0  }
0xaf: {  	[sflag:s0] =	ssyncadd.s32 @!p0 s1  }
0xb0: {  	[bflag:$0x3] =	sbarrier.arrive $0xFFFF  }
0xb1: {  	_ =	shalt  }

// kernel: kernel.14.cloned.1.call-start
scs
__scs_entry_jumppad:
0x0: {  	(pc) =	sbr.rel $0x88, $3  }
0x1: {  	(tag) =	ssettag $0x0;
	lr =	simm.s32 $0x1  }
0x2: {  	[smem:$0x3F9B] =	sst lr;
	_ =	strace $0xD0000000  }
0x3: {  	_ = 	snop  }
0x4: {  	_ = 	snop  }
0x5: {  	_ = 	snop  }
0x6: {  	_ = 	snop  }
0x7: {  	_ = 	snop  }
__scs_overlays_trampoline_lowered:
0x8: {  	[smem:$0x3FAA] =	sst s0  }
0x9: {  	[smem:$0x3FAB] =	sst s1  }
0xa: {  	[smem:$0x3FAC] =	sst s2  }
0xb: {  	[smem:$0x3FAD] =	sst s3  }
0xc: {  	[smem:$0x3FAE] =	sst s4  }
0xd: {  	[smem:$0x3FAF] =	sst s5  }
0xe: {  	[smem:$0x3FB0] =	sst s6  }
0xf: {  	[smem:$0x3FB1] =	sst s7  }
0x10: {  	[smem:$0x3FB2] =	sst s8  }
0x11: {  	[smem:$0x3FB3] =	sst s9;
	s0 =	simm.s32 @!p0 $0x0  }
0x12: {  	s1 =	sld [smem:$0x3F99];
	s0 =	simm.s32 @p0 $0x1  }
0x13: {  	[smem:$0x3FB4] =	sst s0;
	s0 =	simm.s32 @!p1 $0x0  }
0x14: {  	s2 =	sld [smem:$0x3F98];
	s0 =	simm.s32 @p1 $0x1  }
0x15: {  	[smem:$0x3FB5] =	sst s0;
	s0 =	simm.s32 @!p2 $0x0  }
0x16: {  	s3 =	sld [smem:$0x3FDB];
	s0 =	simm.s32 @p2 $0x1  }
0x17: {  	s4 =	simm.s32 $0x1BF5;
	[smem:$0x3FB7] =	sst s0  }
0x18: {  	s0 =	sld [smem:$0x3F9A];
	_ =	swait.ge [sflag:s4], $0x0  }
0x19: {  	s7 =	sld [smem:$0x3F9B]  }
0x1a: {  	s8 =	sadd.s32 $0xFFFFE003, lr  }
0x1b: {  	s9 =	sadd.s32 $0xFFFFFEF7, lr;
	s5 =	simm.s32 $0xFFFFFFFF;
	p2 =	slt.u32 s8, $0xFFFFF086  }
0x1c: {  	p1 =	slt.u32 s9, $0xF7A;
	s5 =	simm.s32 @!p2 $0x0  }
0x1d: {  	s5 =	simm.s32 @p1 $0x1;
	p0 =	seq.s32 s7, s2  }
0x1e: {  	s7 =	smul.u32 @!p0 $0xF7A, s2;
	p2 =	seq.s32 @!p0 s5, $0x0  }
0x1f: {  	s9 =	smul.u32 $0xF7A, s1;
	s8 =	simm.s32 @!p0 $0x1BF5;
	p2 =	por !p2, p0  }
0x20: {  	[sflag:s8] =	ssyncset.s32 @!p0 $0xFFFFF086;
	s6 =	sadd.s32 @!p0 s3, s7;
	s7 =	simm.s32 @!p0 $0x108  }
0x21: {  	s3 =	sadd.s32 s3, s9;
	s6 =	sadd.s32 @!p0 $0x88, s6;
	s7 =	simm.s32 @p2 $0x1082  }
0x22: {  	[simem:s7], [sflag:s8] =	dma.local @!p0 [hbm:s6], $0xF7A  }
0x23: {  	s9 =	sor.u32 $0xD0000000, s2;
	s6 =	simm.s32 $0x108;
	_ =	swait.ge @!p0 [sflag:s8], $0x0  }
0x24: {  	s3 =	sadd.s32 $0x88, s3;
	s6 =	simm.s32 @!p1 $0x1082;
	[sflag:s4] =	ssyncset.s32 $0xFFFFF086  }
0x25: {  	[simem:s6], [sflag:s4] =	dma.local [hbm:s3], $0xF7A  }
0x26: {  	[smem:$0x3F9B] =	sst s1;
	(tag) =	ssettag s2;
	_ =	strace s9  }
0x27: {  	s1 =	sld [smem:$0x3FAB]  }
0x28: {  	s2 =	sld [smem:$0x3FAC]  }
0x29: {  	s4 =	sld [smem:$0x3FAE]  }
0x2a: {  	p0 =	seq.s32 s5, $0x0;
	s5 =	sld [smem:$0x3FAF]  }
0x2b: {  	s6 =	sld [smem:$0x3FB0]  }
0x2c: {  	s7 =	sld [smem:$0x3FB1]  }
0x2d: {  	s3 =	simm.s32 $0x108;
	s8 =	sld [smem:$0x3FB2]  }
0x2e: {  	s3 =	simm.s32 @!p0 $0x1082;
	s9 =	sld [smem:$0x3FB3]  }
0x2f: {  	lr =	sadd.s32 s0, s3;
	s0 =	sld [smem:$0x3FAA]  }
0x30: {  	s3 =	sld [smem:$0x3FAD]  }
0x31: {  	[smem:$0x3FB6] =	sst s10  }
0x32: {  	s10 =	sld [smem:$0x3FB4];
	_ =	sdelay $0x3  }
0x33: {  	p0 =	seq.s32 s10, $0x1;
	s10 =	sld [smem:$0x3FB6];
	_ =	sdelay $0x3  }
0x34: {  	[smem:$0x3FB6] =	sst s10  }
0x35: {  	s10 =	sld [smem:$0x3FB5];
	_ =	sdelay $0x3  }
0x36: {  	p1 =	seq.s32 s10, $0x1;
	s10 =	sld [smem:$0x3FB6];
	_ =	sdelay $0x3  }
0x37: {  	[smem:$0x3FB6] =	sst s10  }
0x38: {  	s10 =	sld [smem:$0x3FB7]  }
0x39: {  	_ = 	snop;
	(pc) =	sbr.ind lr, $3  }
0x3a: {  	_ = 	snop  }
0x3b: {  	_ = 	snop  }
0x3c: {  	p2 =	seq.s32 s10, $0x1;
	s10 =	sld [smem:$0x3FB6]  }
0x3d: {  	_ =	shalt  }
0x3e: {  	_ =	shalt  }
0x3f: {  	_ =	shalt  }
0x40: {  	_ =	shalt  }
0x41: {  	_ =	shalt  }
0x42: {  	_ =	shalt  }
0x43: {  	_ =	shalt  }
0x44: {  	_ =	shalt  }
0x45: {  	_ =	shalt  }
0x46: {  	_ =	shalt  }
0x47: {  	_ =	shalt  }
0x48: {  	_ =	shalt  }
0x49: {  	_ =	shalt  }
0x4a: {  	_ =	shalt  }
0x4b: {  	_ =	shalt  }
0x4c: {  	_ =	shalt  }
0x4d: {  	_ =	shalt  }
0x4e: {  	_ =	shalt  }
0x4f: {  	_ =	shalt  }
0x50: {  	_ =	shalt  }
0x51: {  	_ =	shalt  }
0x52: {  	_ =	shalt  }
0x53: {  	_ =	shalt  }
0x54: {  	_ =	shalt  }
0x55: {  	_ =	shalt  }
0x56: {  	_ =	shalt  }
0x57: {  	_ =	shalt  }
0x58: {  	_ =	shalt  }
0x59: {  	_ =	shalt  }
0x5a: {  	_ =	shalt  }
0x5b: {  	_ =	shalt  }
0x5c: {  	_ =	shalt  }
0x5d: {  	_ =	shalt  }
0x5e: {  	_ =	shalt  }
0x5f: {  	_ =	shalt  }
0x60: {  	_ =	shalt  }
0x61: {  	_ =	shalt  }
0x62: {  	_ =	shalt  }
0x63: {  	_ =	shalt  }
0x64: {  	_ =	shalt  }
0x65: {  	_ =	shalt  }
0x66: {  	_ =	shalt  }
0x67: {  	_ =	shalt  }
0x68: {  	_ =	shalt  }
0x69: {  	_ =	shalt  }
0x6a: {  	_ =	shalt  }
0x6b: {  	_ =	shalt  }
0x6c: {  	_ =	shalt  }
0x6d: {  	_ =	shalt  }
0x6e: {  	_ =	shalt  }
0x6f: {  	_ =	shalt  }
0x70: {  	_ =	shalt  }
0x71: {  	_ =	shalt  }
0x72: {  	_ =	shalt  }
0x73: {  	_ =	shalt  }
0x74: {  	_ =	shalt  }
0x75: {  	_ =	shalt  }
0x76: {  	_ =	shalt  }
0x77: {  	_ =	shalt  }
0x78: {  	_ =	shalt  }
0x79: {  	_ =	shalt  }
0x7a: {  	_ =	shalt  }
0x7b: {  	_ =	shalt  }
0x7c: {  	_ =	shalt  }
0x7d: {  	_ =	shalt  }
0x7e: {  	_ =	shalt  }
0x7f: {  	_ =	shalt  }
0x80: {  	_ =	shalt  }
0x81: {  	_ =	shalt  }
0x82: {  	_ =	shalt  }
0x83: {  	_ =	shalt  }
0x84: {  	_ =	shalt  }
0x85: {  	_ =	shalt  }
0x86: {  	_ =	shalt  }
0x87: {  	_ =	shalt  }
.Lfunc_end0:
.L_simem_size_0:
called_computation.2_lowered:
.L_overlay_start_0:
0x88: {  	s2 =	sld [smem:$0x3FD9]  }
0x89: {  	s3 =	sld [smem:$0x3FFE];
	_ =	sdelay $0x1  }
0x8a: {  	s1 =	srdreg.scid  }
0x8b: {  	s0 =	sand.u32 $0x1, s1  }
0x8c: {  	s17 =	sshll.u32 s0, $0xA;
	s2 =	sadd.s32 s3, s2  }
0x8d: {  	s2 =	sadd.s32 s2, s17  }
0x8e: {  	[smem:$0x3FC2] =	sst s2  }
0x8f: {  	_ = 	snop  }
0x90: {  	s2 =	sld [smem:$0x3FD0];
	(tm) =	ssettm $0x1  }
0x91: {  	s18 =	sld [smem:$0x3FFB];
	_ =	sdelay $0x3  }
0x92: {  	_ =	strace s18  }
0x93: {  	s3 =	sld [smem:$0x3FFC];
	_ =	sdelay $0x3  }
0x94: {  	_ =	strace s3  }
0x95: {  	s3 =	sld [smem:$0x3FFD];
	_ =	sdelay $0x3  }
0x96: {  	_ =	strace s3  }
0x97: {  	_ =	strace $0x8FFFFFFF  }
0x98: {  	s19 =	sld [smem:$0x3FDB];
	_ =	sdelay $0x1  }
0x99: {  	s4 =	simm.s32 $_scs_section_size  }
0x9a: {  	s5 =	simm.s32 $_size__tile_overlayer_lowered;
	s6 =	simm.s32 $_tile_overlayer_lowered  }
0x9b: {  	s22 =	simm.s32 $0x1BFF;
	s21 =	sshll.u32 s6, $0x1;
	s3 =	sadd.s32 s4, s19  }
0x9c: {  	s7 =	simm.s32 $0x0;
	s20 =	sshll.u32 s5, $0x1;
	s5 =	sadd.s32 s21, s3  }
0x9d: {  	[timem:s7], [sflag:s22] =	dma.local [hbm:s5], s20  }
0x9e: {  	_ =	swait.ge [sflag:s22], s20  }
0x9f: {  	s4 =	ssub.s32 $0x0, s20;
	[sflag:s22] =	ssyncset.done $0x0  }
0xa0: {  	[sflag:s22] =	ssyncadd.s32 s4;
	_ =	sdelay $0x1  }
0xa1: {  	s23 =	simm.s32 $0x1B8B  }
0xa2: {  	_ =	swait.ge [sflag:s23], $0x1  }
0xa3: {  	[sflag:s23] =	ssyncset.done $0x0  }
0xa4: {  	s25 =	simm.s32 $0x1B8E;
	s24 =	sld [smem:$0x3FFE];
	[sflag:s23] =	ssyncadd.s32 $0xFFFFFFFF  }
0xa5: {  	s26 =	simm.s32 $execute0_lowered;
	[smem:$0x3FD2] =	sst s25  }
0xa6: {  	s5 =	sshll.u32 s26, $0x1;
	_ =	strace $0x8000004C;
	[dreg:$0x1] =	wrdreg $0xFFFFFFFF  }
0xa7: {  	s28 =	simm.s32 $_size_execute0_lowered;
	s3 =	sadd.s32 s3, s5;
	[dreg:$0x0] =	wrdreg $0x0  }
0xa8: {  	s5 =	sshll.u32 s28, $0x1;
	[dreg:$0x2] =	wrdreg s3  }
0xa9: {  	[dreg:$0x3] =	wrdreg s5  }
0xaa: {  	[dreg:$0x4] =	wrdreg $0xC0  }
0xab: {  	_ =	task [dreg:s7], $0x5FFFF  }
0xac: {  	[dreg:$0x1] =	wrdreg $0xFFFFFFFF  }
0xad: {  	[dreg:$0x0] =	wrdreg $0x60  }
0xae: {  	[dreg:$0x2] =	wrdreg s24  }
0xaf: {  	[dreg:$0x3] =	wrdreg s2  }
0xb0: {  	[dreg:$0x4] =	wrdreg $0x0  }
0xb1: {  	[dreg:$0x5] =	wrdreg $0x9  }
0xb2: {  	_ =	task.clear_ibuf [dreg:s7], $0x6FFFF;
	_ =	strace $0x9000004C  }
0xb3: {  	s29 =	simm.s32 $0x9;
	_ =	strace $0x8000004E  }
0xb4: {  	_ =	swait.ge [sflag:s29], $0x1  }
0xb5: {  	[sflag:s29] =	ssyncadd.s32 $0xFFFFFFFF  }
0xb6: {  	_ =	strace $0x9000004E  }
0xb7: {  	_ =	sfence  }
0xb8: {  	s30 =	sld [smem:$0x0];
	_ =	sdelay $0x2  }
0xb9: {  	s31 =	sshll.u32 s1, $0xD;
	s1 =	sshrl.u32 s1, $0x2  }
0xba: {  	s3 =	sand.u32 $0x4000, s31;
	s1 =	sadd.s32 s1, s30  }
0xbb: {  	s0 =	sor.u32 s3, s0;
	s1 =	sshll.u32 s1, $0x11  }
0xbc: {  	s0 =	sor.u32 s1, s0  }
0xbd: {  	s0 =	sadd.s32 $0x8F2B, s0  }
0xbe: {  	[sflag:s0] =	ssyncadd.remote.s32 $0x1  }
0xbf: {  	_ =	sfence.sel $0xFFFF  }
0xc0: {  	[dreg:$0x0] =	wrdreg $0xFFFFFFFF;
	(pc) =	sbr.abs _section_cstart, $3  }
0xc1: {  	[dreg:$0x1] =	wrdreg $0xFFFFFFFF  }
0xc2: {  	_ =	task.clear_ibuf [dreg:s7], $0x2FFFF;
	_ =	strace $0x9FFFFFFF  }
0xc3: {  	(tm) =	ssettm $0x7FFFFFFF  }
tec
execute0_lowered:
.L_overlay_start_1:
0x0: {  	(tag) =	ssettag $0x1  }
0x1: {  	s0 =	rddreg [dreg:$0x0]  }
0x2: {  	s1 =	rddreg [dreg:$0x1]  }
0x3: {  	s2 =	rddreg [dreg:$0x2];
	s3 =	srdreg.scid  }
0x4: {  	s4 =	stileid.u32;
	s6 =	simm.s32 $0x0;
	s18 =	simm.s32 $0x18800  }
0x5: {  	s11 =	simm.s32 $0x11;
	s14 =	simm.s32 $0x80;
	s15 =	simm.s32 $0xC800  }
0x6: {  	s17 =	simm.s32 $0xE000;
	s19 =	simm.s32 $0xF800;
	s21 =	simm.s32 $0x11000  }
0x7: {  	s22 =	simm.s32 $0x1;
	s23 =	simm.s32 $0x12800;
	s28 =	simm.s32 $0x15800  }
0x8: {  	s29 =	simm.s32 $0x4;
	s30 =	simm.s32 $0x17000;
	s31 =	simm.s32 $0x5  }
0x9: {  	s13 =	simm.s32 $0x8;
	s16 =	simm.s32 $0xC;
	s3 =	sand.u32 $0x1, s3  }
0xa: {  	s5 =	smul.u32 $0x7800, s4;
	[smem:$0x7FF] =	sst s6;
	s4 =	sshll.u32 s4, $0x1  }
0xb: {  	s24 =	smul.u32 $0x78000, s3;
	s4 =	sor.u32 s3, s4;
	s3 =	ssub.s32 $0x2, s3  }
0xc: {  	_ =	strace $0x8000004D;
	s7 =	smul.u32 $0x500, s4;
	s8 =	sshrl.u32 s3, $0x1  }
0xd: {  	s4 =	sadd.s32 $0xBE00, s0;
	s6 =	sadd.s32 s5, s24;
	s3 =	ssub.s32 s3, s8  }
0xe: {  	s5 =	sadd.s32 s5, s2;
	s24 =	simm.s32 $0x2;
	s8 =	simm.s32 $0x0  }
0xf: {  	s6 =	sshrl.u32 s6, $0x3;
	s9 =	sadd.s32 s7, s0;
	s1 =	sadd.s32 s1, s7  }
.Ltmp0:
0x10: {  	s26 =	smax.u32 s3, $0x1;
	s3 =	simm.s32 $0xB;
	(pc) =	sbr.rel .LBB2_1-.Ltmp0, $4  }
0x11: {  	s7 =	simm.s32 $0x10;
	s0 =	sadd.s32 s6, s0;
	[dreg:$0x4] =	wrdreg s1  }
0x12: {  	s25 =	sadd.s32 $0x1E00, s9;
	[dreg:$0x7] =	wrdreg s26;
	s26 =	simm.s32 $0x3  }
0x13: {  	s1 =	simm.s32 $0x7;
	[dreg:$0x5] =	wrdreg s25;
	s0 =	sadd.s32 $0x1AE00, s0  }
0x14: {  	v0 =	vimm.f32 $0.0e+00;
	s25 =	simm.s32 $0x14000;
	[dreg:$0x6] =	wrdreg s0;
	s0 =	simm.s32 $0x9  }
.LBB2_6:
0x15: {  	_ =	swait.ge [sflag:s13], $0x1800  }
0x16: {  	[sflag:s13] =	ssyncset.done $0x0  }
0x17: {  	[sflag:s13] =	ssyncadd.s32 $0xFFFFE800  }
0x18: {  	[spmem:s2] =	stream.indirect.scatter.add.f32 [tilespmem:s30], [sflag:$0x10], $0x30, s10, s14, $0xb8;
	v63 =	vld [tilespmem:$0x0]  }
0x19: {  	_ =	swait.ge [sflag:s16], $0x1800  }
0x1a: {  	[sflag:s16] =	ssyncset.done $0x0  }
0x1b: {  	s6 =	simm.s32 $0xD;
	[sflag:s16] =	ssyncadd.s32 $0xFFFFE800  }
0x1c: {  	_ =	swait.ge [sflag:s6], $0x1800  }
0x1d: {  	[sflag:s6] =	ssyncset.done $0x0  }
0x1e: {  	s9 =	simm.s32 $0xE;
	[sflag:s6] =	ssyncadd.s32 $0xFFFFE800  }
0x1f: {  	_ =	swait.ge [sflag:s9], $0x1800  }
0x20: {  	[sflag:s9] =	ssyncset.done $0x0  }
0x21: {  	s10 =	simm.s32 $0xF;
	[sflag:s9] =	ssyncadd.s32 $0xFFFFE800  }
0x22: {  	_ =	swait.ge [sflag:s10], $0x1800  }
0x23: {  	[sflag:s10] =	ssyncset.done $0x0  }
0x24: {  	[sflag:s10] =	ssyncadd.s32 $0xFFFFE800  }
0x25: {  	_ =	swait.ge [sflag:s7], $0x1800  }
0x26: {  	[sflag:s7] =	ssyncset.done $0x0  }
0x27: {  	[sflag:s7] =	ssyncadd.s32 $0xFFFFE800  }
0x28: {  	s18 =	simm.s32 $0x18800;
	[bflag:$0x0] =	sbarrier.arrive $0xFFFF  }
0x29: {  	[tilespmem:s18], [sflag:$0x11] =	stream.linear.gather [spmem:s5], $0x7800, $0x38;
	v63 =	vld [tilespmem:$0x0]  }
0x2a: {  	_ =	swait.ge [sflag:s11], $0x7800  }
0x2b: {  	[sflag:s11] =	ssyncset.done $0x0  }
0x2c: {  	s12 =	simm.s32 $0x0;
	s9 =	rddreg [dreg:$0x6];
	[sflag:s11] =	ssyncadd.s32 $0xFFFF8800  }
0x2d: {  	[hbm4b:s9+s12] =	stream.linear.scatter [tilespmem:s18], [sflag:$0x11], $0x7800, $0x38;
	v63 =	vld [tilespmem:$0x0]  }
0x2e: {  	_ =	swait.ge [sflag:s11], $0x7800  }
0x2f: {  	s8 =	sadd.s32 $0x1, s8;
	s20 =	rddreg [dreg:$0x7]  }
0x30: {  	p0 =	sne.s32 s8, s20  }
.Ltmp1:
0x31: {  	_ = 	snop;
	(pc) =	sbr.rel @!p0 .LBB2_7-.Ltmp1, $3  }
0x32: {  	_ =	sdelay $0x1  }
0x33: {  	[sflag:s11] =	ssyncset.done $0x0  }
0x34: {  	[sflag:s11] =	ssyncadd.s32 $0xFFFF8800  }
.LBB2_1:
0x35: {  	s9 =	simm.s32 $0xC0;
	s12 =	simm.s32 $0x0  }
.LBB2_2:
0x36: {  	p0 =	sne.s32 s9, $0x1DF40;
	[tilespmem:s12+$0x18820] =	vst v0;
	s10 =	smov.u32 s9;
	s9 =	sadd.s32 $0xC0, s9  }
.Ltmp2:
0x37: {  	[tilespmem:s12+$0x18800] =	vst v0;
	(pc) =	sbr.rel @p0 .LBB2_2-.Ltmp2, $2  }
0x38: {  	[tilespmem:s12+$0x18810] =	vst v0;
	_ =	sdelay $0x2  }
0x39: {  	s12 =	sshra.s32 s10, $0x2  }
0x3a: {  	[tilespmem:s12+$0x18820] =	vst v0  }
0x3b: {  	[tilespmem:s12+$0x18800] =	vst v0  }
0x3c: {  	[tilespmem:s12+$0x18810] =	vst v0  }
0x3d: {  	[spmem:s5] =	stream.linear.scatter [tilespmem:s18], [sflag:$0x11], $0x7800, $0x38;
	v63 =	vld [tilespmem:$0x0]  }
0x3e: {  	_ =	swait.ge [sflag:s11], $0x7800  }
0x3f: {  	s12 =	simm.s32 $0x0;
	[sflag:s11] =	ssyncset.done $0x0  }
0x40: {  	s9 =	simm.s32 $0x7800;
	s6 =	rddreg [dreg:$0x4];
	[sflag:s11] =	ssyncadd.s32 $0xFFFF8800  }
0x41: {  	[tilespmem:s9], [sflag:$0x11] =	stream.linear.gather [hbm4b:s6+s12], $0x2800, $0x38;
	v63 =	vld [tilespmem:$0x0]  }
0x42: {  	_ =	swait.ge [sflag:s11], $0x2800  }
0x43: {  	[sflag:s11] =	ssyncset.done $0x0  }
0x44: {  	s10 =	simm.s32 $0xA000;
	s20 =	rddreg [dreg:$0x5];
	[sflag:s11] =	ssyncadd.s32 $0xFFFFD800  }
0x45: {  	[tilespmem:s10], [sflag:$0x11] =	stream.linear.gather [hbm4b:s20+s12], $0x2800, $0x38;
	v63 =	vld [tilespmem:$0x0]  }
0x46: {  	_ =	swait.ge [sflag:s11], $0x2800  }
0x47: {  	[sflag:s11] =	ssyncset.done $0x0  }
0x48: {  	[sflag:s11] =	ssyncadd.s32 $0xFFFFD800  }
0x49: {  	[bflag:$0x0] =	sbarrier.arrive $0xFFFF  }
0x4a: {  	[tilespmem:s15], [sflag:$0x1] =	stream.indirect.gather [hbm4b:s4+s14], $0x30, s9, s14, $0xb8;
	v63 =	vld [tilespmem:$0x0]  }
0x4b: {  	s10 =	simm.s32 $0x7880  }
0x4c: {  	[tilespmem:s17], [sflag:$0x2] =	stream.indirect.gather [hbm4b:s4+s14], $0x30, s10, s14, $0xb8;
	v63 =	vld [tilespmem:$0x0]  }
0x4d: {  	s18 =	simm.s32 $0x7900  }
0x4e: {  	[tilespmem:s19], [sflag:$0x3] =	stream.indirect.gather [hbm4b:s4+s14], $0x30, s18, s14, $0xb8;
	v63 =	vld [tilespmem:$0x0]  }
0x4f: {  	s20 =	simm.s32 $0x7980  }
0x50: {  	[tilespmem:s21], [sflag:$0x4] =	stream.indirect.gather [hbm4b:s4+s14], $0x30, s20, s14, $0xb8;
	v63 =	vld [tilespmem:$0x0]  }
.LBB2_4:
0x51: {  	_ =	swait.ge [sflag:s22], $0x1800  }
0x52: {  	s9 =	sshra.s32 s12, $0x2;
	[sflag:s22] =	ssyncset.done $0x0  }
0x53: {  	p0 =	seq.s32 s12, $0x0;
	s10 =	sadd.s32 $0xA000, s9;
	[sflag:s22] =	ssyncadd.s32 $0xFFFFE800  }
0x54: {  	[spmem:s2] =	stream.indirect.scatter.add.f32 [tilespmem:s15], [sflag:$0x9], $0x30, s10, s14, $0xb8;
	v63 =	vld [tilespmem:$0x0]  }
0x55: {  	s10 =	simm.s32 @!p0 $0xD  }
0x56: {  	_ =	swait.ge @!p0 [sflag:s10], $0x1800  }
0x57: {  	[sflag:s10] =	ssyncset.done @!p0 $0x0  }
0x58: {  	s6 =	sadd.s32 $0x7A00, s9;
	[sflag:s10] =	ssyncadd.s32 @!p0 $0xFFFFE800  }
0x59: {  	[tilespmem:s23], [sflag:$0x5] =	stream.indirect.gather [hbm4b:s4+s14], $0x30, s6, s14, $0xb8;
	v63 =	vld [tilespmem:$0x0]  }
0x5a: {  	_ =	swait.ge [sflag:s24], $0x1800  }
0x5b: {  	[sflag:s24] =	ssyncset.done $0x0  }
0x5c: {  	s18 =	sadd.s32 $0xA080, s9;
	s10 =	simm.s32 @!p0 $0xE;
	[sflag:s24] =	ssyncadd.s32 $0xFFFFE800  }
0x5d: {  	[spmem:s2] =	stream.indirect.scatter.add.f32 [tilespmem:s17], [sflag:$0xA], $0x30, s18, s14, $0xb8;
	v63 =	vld [tilespmem:$0x0]  }
0x5e: {  	_ =	swait.ge @!p0 [sflag:s10], $0x1800  }
0x5f: {  	[sflag:s10] =	ssyncset.done @!p0 $0x0  }
0x60: {  	s20 =	sadd.s32 $0x7A80, s9;
	[sflag:s10] =	ssyncadd.s32 @!p0 $0xFFFFE800  }
0x61: {  	[tilespmem:s25], [sflag:$0x6] =	stream.indirect.gather [hbm4b:s4+s14], $0x30, s20, s14, $0xb8;
	v63 =	vld [tilespmem:$0x0]  }
0x62: {  	_ =	swait.ge [sflag:s26], $0x1800  }
0x63: {  	[sflag:s26] =	ssyncset.done $0x0  }
0x64: {  	s6 =	sadd.s32 $0xA100, s9;
	s10 =	simm.s32 @!p0 $0xF;
	[sflag:s26] =	ssyncadd.s32 $0xFFFFE800  }
0x65: {  	[spmem:s2] =	stream.indirect.scatter.add.f32 [tilespmem:s19], [sflag:$0xB], $0x30, s6, s14, $0xb8;
	v63 =	vld [tilespmem:$0x0]  }
0x66: {  	_ =	swait.ge @!p0 [sflag:s10], $0x1800  }
0x67: {  	[sflag:s10] =	ssyncset.done @!p0 $0x0  }
0x68: {  	s18 =	sadd.s32 $0x7B00, s9;
	[sflag:s10] =	ssyncadd.s32 @!p0 $0xFFFFE800  }
0x69: {  	[tilespmem:s28], [sflag:$0x7] =	stream.indirect.gather [hbm4b:s4+s14], $0x30, s18, s14, $0xb8;
	v63 =	vld [tilespmem:$0x0]  }
0x6a: {  	_ =	swait.ge [sflag:s29], $0x1800  }
0x6b: {  	[sflag:s29] =	ssyncset.done $0x0  }
0x6c: {  	s20 =	sadd.s32 $0xA180, s9;
	s10 =	simm.s32 @!p0 $0x10;
	[sflag:s29] =	ssyncadd.s32 $0xFFFFE800  }
0x6d: {  	[spmem:s2] =	stream.indirect.scatter.add.f32 [tilespmem:s21], [sflag:$0xC], $0x30, s20, s14, $0xb8;
	v63 =	vld [tilespmem:$0x0]  }
0x6e: {  	_ =	swait.ge @!p0 [sflag:s10], $0x1800  }
0x6f: {  	[sflag:s10] =	ssyncset.done @!p0 $0x0  }
0x70: {  	s6 =	sadd.s32 $0x7B80, s9;
	[sflag:s10] =	ssyncadd.s32 @!p0 $0xFFFFE800  }
0x71: {  	[tilespmem:s30], [sflag:$0x8] =	stream.indirect.gather [hbm4b:s4+s14], $0x30, s6, s14, $0xb8;
	v63 =	vld [tilespmem:$0x0]  }
0x72: {  	_ =	swait.ge [sflag:s31], $0x1800  }
0x73: {  	[sflag:s31] =	ssyncset.done $0x0  }
0x74: {  	s18 =	sadd.s32 $0xA200, s9;
	[sflag:s31] =	ssyncadd.s32 $0xFFFFE800  }
0x75: {  	[spmem:s2] =	stream.indirect.scatter.add.f32 [tilespmem:s23], [sflag:$0xD], $0x30, s18, s14, $0xb8;
	v63 =	vld [tilespmem:$0x0]  }
0x76: {  	_ =	swait.ge [sflag:s0], $0x1800  }
0x77: {  	p0 =	seq.s32 s12, $0x9000;
	[sflag:s0] =	ssyncset.done $0x0  }
0x78: {  	s10 =	simm.s32 @p0 $0x6;
	[sflag:s0] =	ssyncadd.s32 $0xFFFFE800  }
0x79: {  	_ =	swait.ge @p0 [sflag:s10], $0x1800  }
0x7a: {  	[sflag:s10] =	ssyncset.done @p0 $0x0  }
0x7b: {  	[sflag:s10] =	ssyncadd.s32 @p0 $0xFFFFE800;
	s10 =	sshra.s32 @p0 s12, $0x2  }
0x7c: {  	s20 =	simm.s32 @p0 $0x14000;
	s18 =	simm.s32 @p0 $0x80;
	s10 =	sadd.s32 @p0 $0xA280, s10  }
0x7d: {  	[spmem:s2] =	stream.indirect.scatter.add.f32 @p0 [tilespmem:s20], [sflag:$0xE], $0x30, s10, s18, $0xb8;
	v63 =	vld [tilespmem:$0x0]  }
0x7e: {  	s10 =	simm.s32 @p0 $0xA  }
0x7f: {  	_ =	swait.ge @p0 [sflag:s10], $0x1800  }
0x80: {  	[sflag:s10] =	ssyncset.done @p0 $0x0  }
0x81: {  	[sflag:s10] =	ssyncadd.s32 @p0 $0xFFFFE800;
	s10 =	sshra.s32 @!p0 s12, $0x2  }
0x82: {  	s6 =	simm.s32 @!p0 $0xC800;
	s20 =	simm.s32 @!p0 $0x80;
	s18 =	sadd.s32 @!p0 $0x7C00, s10  }
0x83: {  	[tilespmem:s6], [sflag:$0x1] =	stream.indirect.gather @!p0 [hbm4b:s4+s20], $0x30, s18, s20, $0xb8;
	v63 =	vld [tilespmem:$0x0]  }
0x84: {  	s6 =	simm.s32 @!p0 $0x6  }
0x85: {  	_ =	swait.ge @!p0 [sflag:s6], $0x1800  }
0x86: {  	[sflag:s6] =	ssyncset.done @!p0 $0x0  }
0x87: {  	s18 =	simm.s32 @!p0 $0x14000;
	[sflag:s6] =	ssyncadd.s32 @!p0 $0xFFFFE800;
	s6 =	sadd.s32 @!p0 $0xA280, s10  }
0x88: {  	[spmem:s2] =	stream.indirect.scatter.add.f32 @!p0 [tilespmem:s18], [sflag:$0xE], $0x30, s6, s20, $0xb8;
	v63 =	vld [tilespmem:$0x0]  }
0x89: {  	s6 =	simm.s32 @!p0 $0xA  }
0x8a: {  	_ =	swait.ge @!p0 [sflag:s6], $0x1800  }
0x8b: {  	[sflag:s6] =	ssyncset.done @!p0 $0x0  }
0x8c: {  	[sflag:s6] =	ssyncadd.s32 @!p0 $0xFFFFE800;
	s6 =	sadd.s32 @!p0 $0x7C80, s10;
	s10 =	simm.s32 @!p0 $0xE000  }
0x8d: {  	[tilespmem:s10], [sflag:$0x2] =	stream.indirect.gather @!p0 [hbm4b:s4+s20], $0x30, s6, s20, $0xb8;
	v63 =	vld [tilespmem:$0x0]  }
0x8e: {  	_ =	swait.ge [sflag:s1], $0x1800  }
0x8f: {  	[sflag:s1] =	ssyncset.done $0x0  }
.Ltmp3:
0x90: {  	s20 =	sadd.s32 $0xA300, s9;
	[sflag:s1] =	ssyncadd.s32 $0xFFFFE800;
	(pc) =	sbr.rel @p0 .LBB2_6-.Ltmp3, $4  }
0x91: {  	[spmem:s2] =	stream.indirect.scatter.add.f32 [tilespmem:s28], [sflag:$0xF], $0x30, s20, s14, $0xb8;
	v63 =	vld [tilespmem:$0x0]  }
0x92: {  	_ =	swait.ge [sflag:s3], $0x1800  }
0x93: {  	[sflag:s3] =	ssyncset.done $0x0  }
0x94: {  	s10 =	sadd.s32 $0xA380, s9;
	[sflag:s3] =	ssyncadd.s32 $0xFFFFE800  }
0x95: {  	s6 =	sadd.s32 $0x7D00, s9  }
0x96: {  	[tilespmem:s19], [sflag:$0x3] =	stream.indirect.gather [hbm4b:s4+s14], $0x30, s6, s14, $0xb8;
	v63 =	vld [tilespmem:$0x0]  }
0x97: {  	_ =	swait.ge [sflag:s13], $0x1800  }
0x98: {  	[sflag:s13] =	ssyncset.done $0x0  }
0x99: {  	[sflag:s13] =	ssyncadd.s32 $0xFFFFE800  }
0x9a: {  	[spmem:s2] =	stream.indirect.scatter.add.f32 [tilespmem:s30], [sflag:$0x10], $0x30, s10, s14, $0xb8;
	v63 =	vld [tilespmem:$0x0]  }
.Ltmp4:
0x9b: {  	_ = 	snop;
	(pc) =	sbr.rel .LBB2_4-.Ltmp4, $4  }
0x9c: {  	_ =	swait.ge [sflag:s16], $0x1800  }
0x9d: {  	[sflag:s16] =	ssyncset.done $0x0  }
0x9e: {  	s20 =	sadd.s32 $0x7D80, s9;
	s12 =	sadd.s32 $0x1000, s12;
	[sflag:s16] =	ssyncadd.s32 $0xFFFFE800  }
0x9f: {  	[tilespmem:s21], [sflag:$0x4] =	stream.indirect.gather [hbm4b:s4+s14], $0x30, s20, s14, $0xb8;
	v63 =	vld [tilespmem:$0x0]  }
.LBB2_7:
0xa0: {  	_ =	sfence.sel $0x180000  }
0xa1: {  	[bflag:$0x0] =	sbarrier.arrive $0xFFFF  }
0xa2: {  	_ =	strace $0x9000004D  }
0xa3: {  	s0 =	stileid.u32;
	[bflag:$0x2] =	sbarrier.arrive $0xFFFF  }
0xa4: {  	p0 =	sne.s32 s0, $0x0;
	s0 =	rddreg [dreg:$0x3]  }
0xa5: {  	s0 =	sadd.s32 @!p0 $0x100000, s0  }
0xa6: {  	[sflag:s0] =	ssyncadd.tile.s32 @!p0 $0x1;
	_ =	shalt  }
.Lfunc_end2:
_tile_overlayer_lowered:
.L_overlay_start_2:
0xa7: {  	(tag) =	ssettag $0x2  }
0xa8: {  	s0 =	rddreg [dreg:$0x0];
	s2 =	stileid.u32  }
0xa9: {  	s1 =	rddreg [dreg:$0x1];
	p0 =	sne.s32 s2, $0x0  }
0xaa: {  	s3 =	rddreg [dreg:$0x2];
	[bflag:$0x3] =	sbarrier.arrive $0xFFFF;
	s2 =	simm.s32 @!p0 $0x1C11  }
0xab: {  	[timem:s3], [sflag:s2] =	dma.local @!p0 [hbm:s0], s1  }
0xac: {  	s0 =	simm.s32 @!p0 $0x11  }
0xad: {  	_ =	swait.ge @!p0 [sflag:s0], s1  }
0xae: {  	s1 =	ssub.s32 @!p0 $0x0, s1;
	[sflag:s0] =	ssyncset.done @!p0 $0x0  }
0xaf: {  	[sflag:s0] =	ssyncadd.s32 @!p0 s1  }
0xb0: {  	[bflag:$0x3] =	sbarrier.arrive $0xFFFF  }
0xb1: {  	_ =	shalt  }

// kernel: kernel.8.cloned.1.call-start
scs
__scs_entry_jumppad:
0x0: {  	(pc) =	sbr.rel $0x88, $3  }
0x1: {  	(tag) =	ssettag $0x0;
	lr =	simm.s32 $0x1  }
0x2: {  	[smem:$0x3F9B] =	sst lr;
	_ =	strace $0xD0000000  }
0x3: {  	_ = 	snop  }
0x4: {  	_ = 	snop  }
0x5: {  	_ = 	snop  }
0x6: {  	_ = 	snop  }
0x7: {  	_ = 	snop  }
__scs_overlays_trampoline_lowered:
0x8: {  	[smem:$0x3FAA] =	sst s0  }
0x9: {  	[smem:$0x3FAB] =	sst s1  }
0xa: {  	[smem:$0x3FAC] =	sst s2  }
0xb: {  	[smem:$0x3FAD] =	sst s3  }
0xc: {  	[smem:$0x3FAE] =	sst s4  }
0xd: {  	[smem:$0x3FAF] =	sst s5  }
0xe: {  	[smem:$0x3FB0] =	sst s6  }
0xf: {  	[smem:$0x3FB1] =	sst s7  }
0x10: {  	[smem:$0x3FB2] =	sst s8  }
0x11: {  	[smem:$0x3FB3] =	sst s9;
	s0 =	simm.s32 @!p0 $0x0  }
0x12: {  	s1 =	sld [smem:$0x3F99];
	s0 =	simm.s32 @p0 $0x1  }
0x13: {  	[smem:$0x3FB4] =	sst s0;
	s0 =	simm.s32 @!p1 $0x0  }
0x14: {  	s2 =	sld [smem:$0x3F98];
	s0 =	simm.s32 @p1 $0x1  }
0x15: {  	[smem:$0x3FB5] =	sst s0;
	s0 =	simm.s32 @!p2 $0x0  }
0x16: {  	s3 =	sld [smem:$0x3FDB];
	s0 =	simm.s32 @p2 $0x1  }
0x17: {  	s4 =	simm.s32 $0x1BF5;
	[smem:$0x3FB7] =	sst s0  }
0x18: {  	s0 =	sld [smem:$0x3F9A];
	_ =	swait.ge [sflag:s4], $0x0  }
0x19: {  	s7 =	sld [smem:$0x3F9B]  }
0x1a: {  	s8 =	sadd.s32 $0xFFFFE003, lr  }
0x1b: {  	s9 =	sadd.s32 $0xFFFFFEF7, lr;
	s5 =	simm.s32 $0xFFFFFFFF;
	p2 =	slt.u32 s8, $0xFFFFF086  }
0x1c: {  	p1 =	slt.u32 s9, $0xF7A;
	s5 =	simm.s32 @!p2 $0x0  }
0x1d: {  	s5 =	simm.s32 @p1 $0x1;
	p0 =	seq.s32 s7, s2  }
0x1e: {  	s7 =	smul.u32 @!p0 $0xF7A, s2;
	p2 =	seq.s32 @!p0 s5, $0x0  }
0x1f: {  	s9 =	smul.u32 $0xF7A, s1;
	s8 =	simm.s32 @!p0 $0x1BF5;
	p2 =	por !p2, p0  }
0x20: {  	[sflag:s8] =	ssyncset.s32 @!p0 $0xFFFFF086;
	s6 =	sadd.s32 @!p0 s3, s7;
	s7 =	simm.s32 @!p0 $0x108  }
0x21: {  	s3 =	sadd.s32 s3, s9;
	s6 =	sadd.s32 @!p0 $0x88, s6;
	s7 =	simm.s32 @p2 $0x1082  }
0x22: {  	[simem:s7], [sflag:s8] =	dma.local @!p0 [hbm:s6], $0xF7A  }
0x23: {  	s9 =	sor.u32 $0xD0000000, s2;
	s6 =	simm.s32 $0x108;
	_ =	swait.ge @!p0 [sflag:s8], $0x0  }
0x24: {  	s3 =	sadd.s32 $0x88, s3;
	s6 =	simm.s32 @!p1 $0x1082;
	[sflag:s4] =	ssyncset.s32 $0xFFFFF086  }
0x25: {  	[simem:s6], [sflag:s4] =	dma.local [hbm:s3], $0xF7A  }
0x26: {  	[smem:$0x3F9B] =	sst s1;
	(tag) =	ssettag s2;
	_ =	strace s9  }
0x27: {  	s1 =	sld [smem:$0x3FAB]  }
0x28: {  	s2 =	sld [smem:$0x3FAC]  }
0x29: {  	s4 =	sld [smem:$0x3FAE]  }
0x2a: {  	p0 =	seq.s32 s5, $0x0;
	s5 =	sld [smem:$0x3FAF]  }
0x2b: {  	s6 =	sld [smem:$0x3FB0]  }
0x2c: {  	s7 =	sld [smem:$0x3FB1]  }
0x2d: {  	s3 =	simm.s32 $0x108;
	s8 =	sld [smem:$0x3FB2]  }
0x2e: {  	s3 =	simm.s32 @!p0 $0x1082;
	s9 =	sld [smem:$0x3FB3]  }
0x2f: {  	lr =	sadd.s32 s0, s3;
	s0 =	sld [smem:$0x3FAA]  }
0x30: {  	s3 =	sld [smem:$0x3FAD]  }
0x31: {  	[smem:$0x3FB6] =	sst s10  }
0x32: {  	s10 =	sld [smem:$0x3FB4];
	_ =	sdelay $0x3  }
0x33: {  	p0 =	seq.s32 s10, $0x1;
	s10 =	sld [smem:$0x3FB6];
	_ =	sdelay $0x3  }
0x34: {  	[smem:$0x3FB6] =	sst s10  }
0x35: {  	s10 =	sld [smem:$0x3FB5];
	_ =	sdelay $0x3  }
0x36: {  	p1 =	seq.s32 s10, $0x1;
	s10 =	sld [smem:$0x3FB6];
	_ =	sdelay $0x3  }
0x37: {  	[smem:$0x3FB6] =	sst s10  }
0x38: {  	s10 =	sld [smem:$0x3FB7]  }
0x39: {  	_ = 	snop;
	(pc) =	sbr.ind lr, $3  }
0x3a: {  	_ = 	snop  }
0x3b: {  	_ = 	snop  }
0x3c: {  	p2 =	seq.s32 s10, $0x1;
	s10 =	sld [smem:$0x3FB6]  }
0x3d: {  	_ =	shalt  }
0x3e: {  	_ =	shalt  }
0x3f: {  	_ =	shalt  }
0x40: {  	_ =	shalt  }
0x41: {  	_ =	shalt  }
0x42: {  	_ =	shalt  }
0x43: {  	_ =	shalt  }
0x44: {  	_ =	shalt  }
0x45: {  	_ =	shalt  }
0x46: {  	_ =	shalt  }
0x47: {  	_ =	shalt  }
0x48: {  	_ =	shalt  }
0x49: {  	_ =	shalt  }
0x4a: {  	_ =	shalt  }
0x4b: {  	_ =	shalt  }
0x4c: {  	_ =	shalt  }
0x4d: {  	_ =	shalt  }
0x4e: {  	_ =	shalt  }
0x4f: {  	_ =	shalt  }
0x50: {  	_ =	shalt  }
0x51: {  	_ =	shalt  }
0x52: {  	_ =	shalt  }
0x53: {  	_ =	shalt  }
0x54: {  	_ =	shalt  }
0x55: {  	_ =	shalt  }
0x56: {  	_ =	shalt  }
0x57: {  	_ =	shalt  }
0x58: {  	_ =	shalt  }
0x59: {  	_ =	shalt  }
0x5a: {  	_ =	shalt  }
0x5b: {  	_ =	shalt  }
0x5c: {  	_ =	shalt  }
0x5d: {  	_ =	shalt  }
0x5e: {  	_ =	shalt  }
0x5f: {  	_ =	shalt  }
0x60: {  	_ =	shalt  }
0x61: {  	_ =	shalt  }
0x62: {  	_ =	shalt  }
0x63: {  	_ =	shalt  }
0x64: {  	_ =	shalt  }
0x65: {  	_ =	shalt  }
0x66: {  	_ =	shalt  }
0x67: {  	_ =	shalt  }
0x68: {  	_ =	shalt  }
0x69: {  	_ =	shalt  }
0x6a: {  	_ =	shalt  }
0x6b: {  	_ =	shalt  }
0x6c: {  	_ =	shalt  }
0x6d: {  	_ =	shalt  }
0x6e: {  	_ =	shalt  }
0x6f: {  	_ =	shalt  }
0x70: {  	_ =	shalt  }
0x71: {  	_ =	shalt  }
0x72: {  	_ =	shalt  }
0x73: {  	_ =	shalt  }
0x74: {  	_ =	shalt  }
0x75: {  	_ =	shalt  }
0x76: {  	_ =	shalt  }
0x77: {  	_ =	shalt  }
0x78: {  	_ =	shalt  }
0x79: {  	_ =	shalt  }
0x7a: {  	_ =	shalt  }
0x7b: {  	_ =	shalt  }
0x7c: {  	_ =	shalt  }
0x7d: {  	_ =	shalt  }
0x7e: {  	_ =	shalt  }
0x7f: {  	_ =	shalt  }
0x80: {  	_ =	shalt  }
0x81: {  	_ =	shalt  }
0x82: {  	_ =	shalt  }
0x83: {  	_ =	shalt  }
0x84: {  	_ =	shalt  }
0x85: {  	_ =	shalt  }
0x86: {  	_ =	shalt  }
0x87: {  	_ =	shalt  }
.Lfunc_end0:
.L_simem_size_0:
called_computation_lowered:
.L_overlay_start_0:
0x88: {  	s2 =	sld [smem:$0x3FD9]  }
0x89: {  	s3 =	sld [smem:$0x3FFE];
	_ =	sdelay $0x1  }
0x8a: {  	s1 =	srdreg.scid  }
0x8b: {  	s0 =	sand.u32 $0x1, s1  }
0x8c: {  	s16 =	sshll.u32 s0, $0xA;
	s2 =	sadd.s32 s3, s2  }
0x8d: {  	s2 =	sadd.s32 s2, s16  }
0x8e: {  	[smem:$0x3FC2] =	sst s2  }
0x8f: {  	_ = 	snop  }
0x90: {  	(tm) =	ssettm $0x1  }
0x91: {  	s17 =	sld [smem:$0x3FFB];
	_ =	sdelay $0x3  }
0x92: {  	_ =	strace s17  }
0x93: {  	s2 =	sld [smem:$0x3FFC];
	_ =	sdelay $0x3  }
0x94: {  	_ =	strace s2  }
0x95: {  	s2 =	sld [smem:$0x3FFD];
	_ =	sdelay $0x3  }
0x96: {  	_ =	strace s2  }
0x97: {  	_ =	strace $0x8FFFFFFF  }
0x98: {  	s18 =	sld [smem:$0x3FDB];
	_ =	sdelay $0x1  }
0x99: {  	s19 =	simm.s32 $_scs_section_size  }
0x9a: {  	s4 =	simm.s32 $_size__tile_overlayer_lowered;
	s5 =	simm.s32 $_tile_overlayer_lowered  }
0x9b: {  	s22 =	simm.s32 $0x1BFF;
	s21 =	sshll.u32 s5, $0x1;
	s2 =	sadd.s32 s19, s18  }
0x9c: {  	s6 =	simm.s32 $0x0;
	s20 =	sshll.u32 s4, $0x1;
	s4 =	sadd.s32 s21, s2  }
0x9d: {  	[timem:s6], [sflag:s22] =	dma.local [hbm:s4], s20  }
0x9e: {  	_ =	swait.ge [sflag:s22], s20  }
0x9f: {  	s3 =	ssub.s32 $0x0, s20;
	[sflag:s22] =	ssyncset.done $0x0  }
0xa0: {  	[sflag:s22] =	ssyncadd.s32 s3;
	_ =	sdelay $0x1  }
0xa1: {  	s23 =	simm.s32 $0x1B8B  }
0xa2: {  	_ =	swait.ge [sflag:s23], $0x1  }
0xa3: {  	[sflag:s23] =	ssyncset.done $0x0  }
0xa4: {  	s25 =	simm.s32 $0x1B8E;
	s24 =	sld [smem:$0x3FFE];
	[sflag:s23] =	ssyncadd.s32 $0xFFFFFFFF  }
0xa5: {  	s26 =	simm.s32 $execute0_lowered;
	[smem:$0x3FD2] =	sst s25  }
0xa6: {  	s4 =	sshll.u32 s26, $0x1;
	_ =	strace $0x80000046;
	[dreg:$0x1] =	wrdreg $0xFFFFFFFF  }
0xa7: {  	s28 =	simm.s32 $_size_execute0_lowered;
	s2 =	sadd.s32 s2, s4;
	[dreg:$0x0] =	wrdreg $0x0  }
0xa8: {  	s4 =	sshll.u32 s28, $0x1;
	[dreg:$0x2] =	wrdreg s2  }
0xa9: {  	[dreg:$0x3] =	wrdreg s4  }
0xaa: {  	[dreg:$0x4] =	wrdreg $0xC0  }
0xab: {  	_ =	task [dreg:s6], $0x5FFFF  }
0xac: {  	[dreg:$0x1] =	wrdreg $0xFFFFFFFF  }
0xad: {  	[dreg:$0x0] =	wrdreg $0x60  }
0xae: {  	[dreg:$0x2] =	wrdreg s24  }
0xaf: {  	[dreg:$0x3] =	wrdreg $0x9  }
0xb0: {  	_ =	task.clear_ibuf [dreg:s6], $0x4FFFF;
	_ =	strace $0x90000046  }
0xb1: {  	s29 =	simm.s32 $0x9;
	_ =	strace $0x80000048  }
0xb2: {  	_ =	swait.ge [sflag:s29], $0x1  }
0xb3: {  	[sflag:s29] =	ssyncadd.s32 $0xFFFFFFFF  }
0xb4: {  	_ =	strace $0x90000048  }
0xb5: {  	_ =	sfence  }
0xb6: {  	s30 =	sld [smem:$0x0];
	_ =	sdelay $0x2  }
0xb7: {  	s31 =	sshll.u32 s1, $0xD;
	s1 =	sshrl.u32 s1, $0x2  }
0xb8: {  	s3 =	sand.u32 $0x4000, s31;
	s1 =	sadd.s32 s1, s30  }
0xb9: {  	s0 =	sor.u32 s3, s0;
	s1 =	sshll.u32 s1, $0x11  }
0xba: {  	s0 =	sor.u32 s1, s0  }
0xbb: {  	s0 =	sadd.s32 $0x8F2B, s0  }
0xbc: {  	[sflag:s0] =	ssyncadd.remote.s32 $0x1  }
0xbd: {  	_ =	sfence.sel $0xFFFF  }
0xbe: {  	[dreg:$0x0] =	wrdreg $0xFFFFFFFF;
	(pc) =	sbr.abs _section_cstart, $3  }
0xbf: {  	[dreg:$0x1] =	wrdreg $0xFFFFFFFF  }
0xc0: {  	_ =	task.clear_ibuf [dreg:s6], $0x2FFFF;
	_ =	strace $0x9FFFFFFF  }
0xc1: {  	(tm) =	ssettm $0x7FFFFFFF  }
tec
execute0_lowered:
.L_overlay_start_1:
0x0: {  	(tag) =	ssettag $0x1  }
0x1: {  	s1 =	srdreg.scid;
	s0 =	stileid.u32  }
0x2: {  	s4 =	sand.u32 $0x1, s1;
	s2 =	sshll.u32 s0, $0x1  }
0x3: {  	s3 =	rddreg [dreg:$0x0];
	s5 =	sor.u32 s4, s2  }
0x4: {  	s7 =	simm.s32 $0x2800;
	s8 =	simm.s32 $0x0;
	s5 =	smul.u32 $0x500, s5  }
0x5: {  	s1 =	rddreg [dreg:$0x1];
	s2 =	simm.s32 $0x0;
	s4 =	ssub.s32 $0x2, s4  }
0x6: {  	[smem:$0x7FF] =	sst s2;
	s6 =	sshrl.u32 s4, $0x1;
	s5 =	sadd.s32 s5, s3  }
0x7: {  	_ =	strace $0x80000047;
	s6 =	ssub.s32 s4, s6;
	s3 =	sadd.s32 $0x1E00, s5  }
0x8: {  	v0 =	vimm.f32 $0.0e+00;
	v1 =	vimm.f32 $1.000000000e+00;
	s4 =	sadd.s32 $0xBE00, s5;
	s5 =	smax.u32 s6, $0x1;
	s6 =	simm.s32 $0x1  }
.LBB2_1:
0x9: {  	s9 =	simm.s32 $0x40;
	s10 =	simm.s32 $0x0  }
.LBB2_2:
0xa: {  	p0 =	sne.s32 s9, $0x9FC0;
	[tilespmem:s10+$0x2800] =	vst v0;
	s10 =	smov.u32 s9;
	s9 =	sadd.s32 $0x40, s9  }
.Ltmp0:
0xb: {  	(pc) =	sbr.rel @p0 .LBB2_2-.Ltmp0, $2  }
0xc: {  	_ =	sdelay $0x2  }
0xd: {  	s10 =	sshra.s32 s10, $0x2  }
0xe: {  	[tilespmem:s10+$0x2800] =	vst v0;
	s9 =	simm.s32 $0x0  }
0xf: {  	[tilespmem:s9], [sflag:$0x1] =	stream.linear.gather [hbm4b:s3+s9], $0x2800, $0x38;
	[tilespmem:$0x5000] =	vst v63  }
0x10: {  	_ =	swait.ge [sflag:s6], $0x2800  }
0x11: {  	[sflag:s6] =	ssyncset.done $0x0  }
0x12: {  	s10 =	simm.s32 $0x0;
	s9 =	simm.s32 $0x40;
	[sflag:s6] =	ssyncadd.s32 $0xFFFFD800  }
.LBB2_4:
0x13: {  	p0 =	sne.s32 s9, $0x9FC0;
	v2 =	vld [tilespmem:s10+$0x0];
	_ =	sdelay $0x3  }
.Ltmp1:
0x14: {  	(pc) =	sbr.rel @p0 .LBB2_4-.Ltmp1, $2  }
0x15: {  	_ =	sdelay $0x2  }
0x16: {  	s10 =	sshra.s32 s9, $0x2;
	s9 =	sadd.s32 $0x40, s9;
	[tilespmem:v2+s7+$0x0] =	vst.idx.add.f32.msk $0xffff, v1  }
0x17: {  	v2 =	vld [tilespmem:s10+$0x0];
	_ =	sdelay $0x5  }
0x18: {  	s8 =	sadd.s32 $0x1, s8  }
0x19: {  	p0 =	sne.s32 s8, s5  }
.Ltmp2:
0x1a: {  	[tilespmem:v2+s7+$0x0] =	vst.idx.add.f32.msk $0xffff, v1;
	(pc) =	sbr.rel @p0 .LBB2_1-.Ltmp2, $4  }
0x1b: {  	[hbm4b:s4+s2] =	stream.linear.scatter [tilespmem:s7], [sflag:$0x1], $0x2800, $0x38;
	[tilespmem:$0x5000] =	vst v63  }
0x1c: {  	_ =	swait.ge [sflag:s6], $0x2800  }
0x1d: {  	[sflag:s6] =	ssyncset.done $0x0  }
0x1e: {  	[sflag:s6] =	ssyncadd.s32 $0xFFFFD800  }
0x1f: {  	_ =	sfence.sel $0x180000  }
0x20: {  	[bflag:$0x0] =	sbarrier.arrive $0xFFFF  }
0x21: {  	p0 =	sne.s32 s0, $0x0;
	_ =	strace $0x90000047  }
0x22: {  	s0 =	sadd.s32 @!p0 $0x100000, s1;
	[bflag:$0x2] =	sbarrier.arrive $0xFFFF  }
0x23: {  	[sflag:s0] =	ssyncadd.tile.s32 @!p0 $0x1;
	_ =	shalt  }
.Lfunc_end2:
_tile_overlayer_lowered:
.L_overlay_start_2:
0x24: {  	(tag) =	ssettag $0x2  }
0x25: {  	s0 =	rddreg [dreg:$0x0];
	s2 =	stileid.u32  }
0x26: {  	s1 =	rddreg [dreg:$0x1];
	p0 =	sne.s32 s2, $0x0  }
0x27: {  	s3 =	rddreg [dreg:$0x2];
	[bflag:$0x3] =	sbarrier.arrive $0xFFFF;
	s2 =	simm.s32 @!p0 $0x1C01  }
0x28: {  	[timem:s3], [sflag:s2] =	dma.local @!p0 [hbm:s0], s1  }
0x29: {  	s0 =	simm.s32 @!p0 $0x1  }
0x2a: {  	_ =	swait.ge @!p0 [sflag:s0], s1  }
0x2b: {  	s1 =	ssub.s32 @!p0 $0x0, s1;
	[sflag:s0] =	ssyncset.done @!p0 $0x0  }
0x2c: {  	[sflag:s0] =	ssyncadd.s32 @!p0 s1  }
0x2d: {  	[bflag:$0x3] =	sbarrier.arrive $0xFFFF  }
0x2e: {  	_ =	shalt  }

</sc_bundles>
